<compile_context>
chip_gen: v7x
topology: tpu7x:2x2x1
jax: 0.10.2.dev20260603
libtpu: 0.0.44.dev20260713+nightly
codegen_flags: <defaults>
</compile_context>

<pallas_src>
import functools

import jax
import jax.numpy as jnp
from jax import lax
from jax.experimental import pallas as pl
from jax.experimental.pallas import tpu as pltpu
from jax.experimental.pallas import tpu_sc as plsc

B = 4096
L = 200
E = 64
W = E // 2
VOCAB = 100000

NC = 2
NS = 16
NW = NC * NS

ROWS_PER_W = B // NW
CH = 4
N_CHUNKS = ROWS_PER_W // CH
HALF = L // 2
TOK_CH = CH * L

VB = 4096
NVB = (VOCAB + VB - 1) // VB
VPAD = NVB * VB


def _conv_body(tt_ref, o_ref):
    bound = VOCAB - pl.program_id(0) * VB
    col = lax.broadcasted_iota(jnp.int32, (E, VB), 1)
    x = jnp.where(col < bound, tt_ref[...], 0.0)
    tb = x.T.astype(jnp.bfloat16)
    lo = lax.bitcast_convert_type(tb[:, :W], jnp.uint16)
    hi = lax.bitcast_convert_type(tb[:, W:], jnp.uint16)
    w32 = (hi.astype(jnp.uint32) << 16) | lo.astype(jnp.uint32)
    words = lax.bitcast_convert_type(w32, jnp.int32)
    for m in range(4):
        o_ref[:, pl.ds(m * W, W)] = words[m * (VB // 4):(m + 1) * (VB // 4), :]


def _convert_table(table_t):
    packed = pl.pallas_call(
        _conv_body,
        grid=(NVB,),
        in_specs=[pl.BlockSpec((E, VB), lambda i: (0, i))],
        out_specs=pl.BlockSpec((VB // 4, 2 * E), lambda i: (i, 0)),
        out_shape=jax.ShapeDtypeStruct((VPAD // 4, 2 * E), jnp.int32),
    )(table_t)
    return packed.reshape(VPAD, W)


_PERM = (list(range(0, 16)) + list(range(32, 48))
         + list(range(16, 32)) + list(range(48, 64)))


GGRP = 40
NGRP = TOK_CH // GGRP
TOK_W = ROWS_PER_W * L


def _pool_body(texts_hbm, table_hbm, out_hbm, idx_v, rows_v, acc_v,
               sem0, sem1):
    wid = lax.axis_index("s") * NC + lax.axis_index("c")
    sems = (sem0, sem1)

    pltpu.sync_copy(texts_hbm.at[pl.ds(wid * TOK_W, TOK_W)], idx_v)

    def remap_body(t, carry):
        v = idx_v[pl.ds(16 * t, 16)]
        r = (lax.bitwise_and(v, jnp.int32(-VB))
             | lax.shift_left(lax.bitwise_and(v, jnp.int32(VB // 4 - 1)), 2)
             | lax.bitwise_and(
                 lax.shift_right_logical(v, (VB // 4).bit_length() - 1),
                 jnp.int32(3)))
        idx_v[pl.ds(16 * t, 16)] = r
        return carry

    lax.fori_loop(0, TOK_W // 16, remap_body, 0)

    def stage(s, g):
        for j in range(NGRP):
            pltpu.async_copy(
                table_hbm.at[idx_v.at[pl.ds(g * TOK_CH + j * GGRP, GGRP)]],
                rows_v.at[s, pl.ds(j * GGRP, GGRP)],
                sems[s])

    def drain(s):
        pltpu.make_async_copy(
            table_hbm.at[pl.ds(0, TOK_CH)], rows_v.at[s], sems[s]).wait()

    def reduce_store(s, g):
        row_base = wid * ROWS_PER_W + g * CH
        for r in range(CH):
            def tok_body(t, acc, r=r):
                new = list(acc)
                for u in range(2):
                    base = r * L + 2 * t + u
                    for h in range(2):
                        w = rows_v[s, base, pl.ds(16 * h, 16)]
                        ev = plsc.bitcast(lax.shift_left(w, 16), jnp.float32)
                        od = plsc.bitcast(
                            lax.bitwise_and(w, jnp.int32(-65536)), jnp.float32)
                        new[2 * h] = new[2 * h] + ev
                        new[2 * h + 1] = new[2 * h + 1] + od
                return tuple(new)
            acc = lax.fori_loop(
                0, L // 2, tok_body,
                tuple(jnp.zeros((16,), jnp.float32) for _ in range(4)))
            for c in range(4):
                acc_v[r, pl.ds(c * 16, 16)] = acc[c] * (1.0 / L)
        pltpu.sync_copy(acc_v, out_hbm.at[pl.ds(row_base, CH)])

    stage(0, 0)

    def pair_body(i, carry):
        g0 = 2 * i
        stage(1, g0 + 1)
        drain(0)
        reduce_store(0, g0)

        @pl.when(g0 + 2 < N_CHUNKS)
        def _():
            stage(0, g0 + 2)

        drain(1)
        reduce_store(1, g0 + 1)
        return carry

    lax.fori_loop(0, N_CHUNKS // 2, pair_body, 0)


_pool = functools.partial(
    pl.kernel,
    out_type=jax.ShapeDtypeStruct((B, E), jnp.float32),
    mesh=plsc.VectorSubcoreMesh(core_axis_name="c", subcore_axis_name="s"),
    compiler_params=pltpu.CompilerParams(use_tc_tiling_on_sc=False,
                                         needs_layout_passes=False),
    scratch_types=[
        pltpu.VMEM((TOK_W,), jnp.int32),
        pltpu.VMEM((2, TOK_CH, W), jnp.int32),
        pltpu.VMEM((CH, E), jnp.float32),
        pltpu.SemaphoreType.DMA,
        pltpu.SemaphoreType.DMA,
    ],
)(_pool_body)


def _mlp_body(pt_ref, w1t_ref, b1_ref, w2t_ref, b2_ref, ot_ref):
    ht = jnp.dot(w1t_ref[...], pt_ref[...], preferred_element_type=jnp.float32)
    ht = jnp.maximum(ht + b1_ref[...], 0.0).astype(jnp.bfloat16)
    ot_ref[...] = (jnp.dot(w2t_ref[...], ht, preferred_element_type=jnp.float32)
                   + b2_ref[...])


def _mlp_t(pooled_t, W1t, b1c, W2t, b2c):
    BM = 512
    H = W1t.shape[0]
    C = W2t.shape[0]
    return pl.pallas_call(
        _mlp_body,
        grid=(B // BM,),
        in_specs=[
            pl.BlockSpec((E, BM), lambda i: (0, i)),
            pl.BlockSpec((H, E), lambda i: (0, 0)),
            pl.BlockSpec((H, 1), lambda i: (0, 0)),
            pl.BlockSpec((C, H), lambda i: (0, 0)),
            pl.BlockSpec((C, 1), lambda i: (0, 0)),
        ],
        out_specs=pl.BlockSpec((C, BM), lambda i: (0, i)),
        out_shape=jax.ShapeDtypeStruct((C, B), jnp.float32),
    )(pooled_t, W1t, b1c, W2t, b2c)


def kernel(texts, table, W1, b1, W2, b2):
    texts2 = texts.reshape(-1).astype(jnp.int32)
    pooled_p = _pool(texts2, _convert_table(table.T))
    W1tp = W1.T[:, jnp.array(_PERM)]
    out_t = _mlp_t(pooled_p.T, W1tp, b1.reshape(-1, 1),
                   W2.T.astype(jnp.bfloat16), b2.reshape(-1, 1))
    return out_t.T

# --- scband reference (transcript-rebuilt; emitter-appended) ---
"""Pipeline reference for scband-bag-of-embeddings-17643725652582 (READ-ONLY COPY).

The authoritative reference and input builder live on the scoring server;
editing this copy changes nothing except your own understanding.
"""

import jax, jax.numpy as jnp
import numpy as np

VOCAB = 100000
EMB_DIM = 64
HIDDEN = 256
NUM_CLASS = 3000
BATCH = 4096
HIST = 200

def setup_inputs(seed: int = 0) -> dict:
    key = jax.random.key(seed)
    k0, k1, k2, k3, k4, k5 = jax.random.split(key, 6)
    texts = jax.random.randint(k0, (BATCH, HIST), 0, VOCAB, dtype=jnp.int64)
    table = jax.random.normal(k1, (VOCAB, EMB_DIM), dtype=jnp.float32) * 0.02
    W1 = jax.random.normal(k2, (EMB_DIM, HIDDEN), dtype=jnp.float32) * (1.0 / np.sqrt(EMB_DIM))
    b1 = jnp.zeros((HIDDEN,), dtype=jnp.float32)
    W2 = jax.random.normal(k3, (HIDDEN, NUM_CLASS), dtype=jnp.float32) * (1.0 / np.sqrt(HIDDEN))
    b2 = jnp.zeros((NUM_CLASS,), dtype=jnp.float32)
    return {"texts": texts, "table": table, "W1": W1, "b1": b1, "W2": W2, "b2": b2}

def reference(texts, table, W1, b1, W2, b2):
    # embedding lookup (SparseCore gather)
    emb = jnp.take(table, texts, axis=0)          # [B, L, E]
    pooled = jnp.mean(emb, axis=1)                # [B, E]
    h = pooled @ W1 + b1                          # [B, H]
    h = jax.nn.relu(h)
    # dropout is identity at inference
    out = h @ W2 + b2                             # [B, C]
    return out

if __name__ == "__main__":
    import jax
    _d = setup_inputs()
    print(jax.jit(kernel)(*tuple(_d.values())))

</pallas_src>

<mosaic_0001>
#map = affine_map<(d0, d1) -> (0)>
#map1 = affine_map<(d0, d1) -> (0, 0)>
module attributes {stable_mosaic.version = 14 : i64} {
  func.func @_pool_body(%arg0: i32, %arg1: i32, %arg2: memref<819200xi32, #tpu.memory_space<hbm>>, %arg3: memref<102400x32xi32, #tpu.memory_space<hbm>>, %arg4: memref<4096x64xf32, #tpu.memory_space<hbm>>, %arg5: memref<25600xi32, #tpu.memory_space<vmem>>, %arg6: memref<2x800x32xi32, #tpu.memory_space<vmem>>, %arg7: memref<4x64xf32, #tpu.memory_space<vmem>>, %arg8: memref<!tpu.dma_semaphore, #tpu.memory_space<semaphore_mem>>, %arg9: memref<!tpu.dma_semaphore, #tpu.memory_space<semaphore_mem>>) attributes {dimension_semantics = [#tpu.dimension_semantics<core_parallel>, #tpu.dimension_semantics<subcore_parallel>], iteration_bounds = array<i64: 2, 16>, scalar_prefetch = 0 : i64, scratch_operands = 5 : i64, tpu.core_type = #tpu.core_type<sc_vector_subcore>, window_params = [{transform_indices = #map}, {transform_indices = #map1}, {transform_indices = #map1}]} {
    %mul3A = arith.constant 2 : i32
    %mul3A_0 = arith.muli %arg1, %mul3A : i32
    %add3A = arith.addi %mul3A_0, %arg0 : i32
    %mul3A_1 = arith.constant 25600 : i32
    %mul3A_2 = arith.muli %add3A, %mul3A_1 : i32
    "tpu.region"() ({
      %run_scoped3A = tpu.sem_alloc : memref<!tpu.dma_semaphore, #tpu.memory_space<semaphore_mem>>
      %dma_start3A_213 = tpu.memref_slice %arg2[%mul3A_2] : memref<819200xi32, #tpu.memory_space<hbm>> -> memref<25600xi32, #tpu.memory_space<hbm>>
      %dma_start3A_214 = tpu.memref_slice %arg2[%mul3A_2] : memref<819200xi32, #tpu.memory_space<hbm>> -> memref<25600xi32, #tpu.memory_space<hbm>>
      tpu.enqueue_dma source(%dma_start3A_214 : memref<25600xi32, #tpu.memory_space<hbm>>) target(%arg5 : memref<25600xi32, #tpu.memory_space<vmem>>) target_semaphore(%run_scoped3A : memref<!tpu.dma_semaphore, #tpu.memory_space<semaphore_mem>>)
      %dma_wait3A = tpu.memref_slice %arg2[%mul3A_2] : memref<819200xi32, #tpu.memory_space<hbm>> -> memref<25600xi32, #tpu.memory_space<hbm>>
      %dma_wait3A_215 = tpu.memref_slice %arg2[%mul3A_2] : memref<819200xi32, #tpu.memory_space<hbm>> -> memref<25600xi32, #tpu.memory_space<hbm>>
      tpu.wait_dma2 semaphore(%run_scoped3A : memref<!tpu.dma_semaphore, #tpu.memory_space<semaphore_mem>>) src(%dma_wait3A_215 : memref<25600xi32, #tpu.memory_space<hbm>>) dst(%arg5 : memref<25600xi32, #tpu.memory_space<vmem>>)
      tpu.yield
    }) : () -> ()
    %scan3A = arith.constant 0 : i32
    %scan3A_3 = arith.constant 0 : i32
    %scan3A_4 = arith.constant 1600 : i32
    %scan3A_5 = arith.addi %scan3A_3, %scan3A_4 : i32
    %scan3A_6 = arith.constant 1 : i32
    scf.for %scan3A_213 = %scan3A_3 to %scan3A_5 step %scan3A_6  : i32 {
      %mul3A_214 = arith.constant 16 : i32
      %mul3A_215 = arith.muli %mul3A_214, %scan3A_213 : i32
      %get3A = arith.index_cast %mul3A_215 : i32 to index
      %get3A_216 = tpu.vector_load %arg5[%get3A] {strides = array<i32>} : memref<25600xi32, #tpu.memory_space<vmem>>, vector<16xi32>,
      %and3A = arith.constant -4096 : i32
      %and3A_217 = vector.broadcast %and3A : i32 to vector<16xi32>
      %and3A_218 = arith.andi %get3A_216, %and3A_217 : vector<16xi32>
      %and3A_219 = arith.constant 1023 : i32
      %and3A_220 = vector.broadcast %and3A_219 : i32 to vector<16xi32>
      %and3A_221 = arith.andi %get3A_216, %and3A_220 : vector<16xi32>
      %shift_left3A = arith.constant 2 : i32
      %shift_left3A_222 = vector.broadcast %shift_left3A : i32 to vector<16xi32>
      %shift_left3A_223 = arith.shli %and3A_221, %shift_left3A_222 : vector<16xi32>
      %or3A = arith.ori %and3A_218, %shift_left3A_223 : vector<16xi32>
      %shift_right_logical3A = arith.constant 10 : i32
      %shift_right_logical3A_224 = vector.broadcast %shift_right_logical3A : i32 to vector<16xi32>
      %shift_right_logical3A_225 = arith.shrui %get3A_216, %shift_right_logical3A_224 : vector<16xi32>
      %and3A_226 = arith.constant 3 : i32
      %and3A_227 = vector.broadcast %and3A_226 : i32 to vector<16xi32>
      %and3A_228 = arith.andi %shift_right_logical3A_225, %and3A_227 : vector<16xi32>
      %or3A_229 = arith.ori %or3A, %and3A_228 : vector<16xi32>
      %mul3A_230 = arith.constant 16 : i32
      %mul3A_231 = arith.muli %mul3A_230, %scan3A_213 : i32
      %swap3A = arith.index_cast %mul3A_231 : i32 to index
      %swap3A_232 = tpu.vector_load %arg5[%swap3A] {strides = array<i32>} : memref<25600xi32, #tpu.memory_space<vmem>>, vector<16xi32>,
      tpu.vector_store %arg5[%swap3A], %or3A_229 {strides = array<i32>} : memref<25600xi32, #tpu.memory_space<vmem>>, vector<16xi32>,
    }
    %scan3A_7 = arith.constant 1600 : i32
    %dma_start3A = arith.constant 0 : i32
    %dma_start3A_8 = arith.constant 0 : i32
    %dma_start3A_9 = arith.constant 0 : i32
    %dma_start3A_10 = tpu.memref_slice %arg6[%dma_start3A, %dma_start3A_8, %dma_start3A_9] : memref<2x800x32xi32, #tpu.memory_space<vmem>> -> memref<1x40x32xi32, #tpu.memory_space<vmem>>
    %dma_start3A_11 = tpu.memref_squeeze %dma_start3A_10 : memref<1x40x32xi32, #tpu.memory_space<vmem>> -> memref<40x32xi32, #tpu.memory_space<vmem>>
    %dma_start3A_12 = arith.constant 0 : i32
    %dma_start3A_13 = tpu.memref_slice %arg5[%dma_start3A_12] : memref<25600xi32, #tpu.memory_space<vmem>> -> memref<40xi32, #tpu.memory_space<vmem>>
    %dma_start3A_14 = arith.constant 0 : i32
    %dma_start3A_15 = arith.constant 0 : i32
    %dma_start3A_16 = tpu.memref_slice %arg3[%dma_start3A_14, %dma_start3A_15] : memref<102400x32xi32, #tpu.memory_space<hbm>> -> memref<102400x32xi32, #tpu.memory_space<hbm>>
    tpu.enqueue_indirect_dma source(%dma_start3A_16 : memref<102400x32xi32, #tpu.memory_space<hbm>>) target(%dma_start3A_11 : memref<40x32xi32, #tpu.memory_space<vmem>>) offsets(%dma_start3A_13 : memref<40xi32, #tpu.memory_space<vmem>>) semaphore(%arg8 : memref<!tpu.dma_semaphore, #tpu.memory_space<semaphore_mem>>)
    %dma_start3A_17 = arith.constant 0 : i32
    %dma_start3A_18 = arith.constant 40 : i32
    %dma_start3A_19 = arith.constant 0 : i32
    %dma_start3A_20 = tpu.memref_slice %arg6[%dma_start3A_17, %dma_start3A_18, %dma_start3A_19] : memref<2x800x32xi32, #tpu.memory_space<vmem>> -> memref<1x40x32xi32, #tpu.memory_space<vmem>>
    %dma_start3A_21 = tpu.memref_squeeze %dma_start3A_20 : memref<1x40x32xi32, #tpu.memory_space<vmem>> -> memref<40x32xi32, #tpu.memory_space<vmem>>
    %dma_start3A_22 = arith.constant 40 : i32
    %dma_start3A_23 = tpu.memref_slice %arg5[%dma_start3A_22] : memref<25600xi32, #tpu.memory_space<vmem>> -> memref<40xi32, #tpu.memory_space<vmem>>
    %dma_start3A_24 = arith.constant 0 : i32
    %dma_start3A_25 = arith.constant 0 : i32
    %dma_start3A_26 = tpu.memref_slice %arg3[%dma_start3A_24, %dma_start3A_25] : memref<102400x32xi32, #tpu.memory_space<hbm>> -> memref<102400x32xi32, #tpu.memory_space<hbm>>
    tpu.enqueue_indirect_dma source(%dma_start3A_26 : memref<102400x32xi32, #tpu.memory_space<hbm>>) target(%dma_start3A_21 : memref<40x32xi32, #tpu.memory_space<vmem>>) offsets(%dma_start3A_23 : memref<40xi32, #tpu.memory_space<vmem>>) semaphore(%arg8 : memref<!tpu.dma_semaphore, #tpu.memory_space<semaphore_mem>>)
    %dma_start3A_27 = arith.constant 0 : i32
    %dma_start3A_28 = arith.constant 80 : i32
    %dma_start3A_29 = arith.constant 0 : i32
    %dma_start3A_30 = tpu.memref_slice %arg6[%dma_start3A_27, %dma_start3A_28, %dma_start3A_29] : memref<2x800x32xi32, #tpu.memory_space<vmem>> -> memref<1x40x32xi32, #tpu.memory_space<vmem>>
    %dma_start3A_31 = tpu.memref_squeeze %dma_start3A_30 : memref<1x40x32xi32, #tpu.memory_space<vmem>> -> memref<40x32xi32, #tpu.memory_space<vmem>>
    %dma_start3A_32 = arith.constant 80 : i32
    %dma_start3A_33 = tpu.memref_slice %arg5[%dma_start3A_32] : memref<25600xi32, #tpu.memory_space<vmem>> -> memref<40xi32, #tpu.memory_space<vmem>>
    %dma_start3A_34 = arith.constant 0 : i32
    %dma_start3A_35 = arith.constant 0 : i32
    %dma_start3A_36 = tpu.memref_slice %arg3[%dma_start3A_34, %dma_start3A_35] : memref<102400x32xi32, #tpu.memory_space<hbm>> -> memref<102400x32xi32, #tpu.memory_space<hbm>>
    tpu.enqueue_indirect_dma source(%dma_start3A_36 : memref<102400x32xi32, #tpu.memory_space<hbm>>) target(%dma_start3A_31 : memref<40x32xi32, #tpu.memory_space<vmem>>) offsets(%dma_start3A_33 : memref<40xi32, #tpu.memory_space<vmem>>) semaphore(%arg8 : memref<!tpu.dma_semaphore, #tpu.memory_space<semaphore_mem>>)
    %dma_start3A_37 = arith.constant 0 : i32
    %dma_start3A_38 = arith.constant 120 : i32
    %dma_start3A_39 = arith.constant 0 : i32
    %dma_start3A_40 = tpu.memref_slice %arg6[%dma_start3A_37, %dma_start3A_38, %dma_start3A_39] : memref<2x800x32xi32, #tpu.memory_space<vmem>> -> memref<1x40x32xi32, #tpu.memory_space<vmem>>
    %dma_start3A_41 = tpu.memref_squeeze %dma_start3A_40 : memref<1x40x32xi32, #tpu.memory_space<vmem>> -> memref<40x32xi32, #tpu.memory_space<vmem>>
    %dma_start3A_42 = arith.constant 120 : i32
    %dma_start3A_43 = tpu.memref_slice %arg5[%dma_start3A_42] : memref<25600xi32, #tpu.memory_space<vmem>> -> memref<40xi32, #tpu.memory_space<vmem>>
    %dma_start3A_44 = arith.constant 0 : i32
    %dma_start3A_45 = arith.constant 0 : i32
    %dma_start3A_46 = tpu.memref_slice %arg3[%dma_start3A_44, %dma_start3A_45] : memref<102400x32xi32, #tpu.memory_space<hbm>> -> memref<102400x32xi32, #tpu.memory_space<hbm>>
    tpu.enqueue_indirect_dma source(%dma_start3A_46 : memref<102400x32xi32, #tpu.memory_space<hbm>>) target(%dma_start3A_41 : memref<40x32xi32, #tpu.memory_space<vmem>>) offsets(%dma_start3A_43 : memref<40xi32, #tpu.memory_space<vmem>>) semaphore(%arg8 : memref<!tpu.dma_semaphore, #tpu.memory_space<semaphore_mem>>)
    %dma_start3A_47 = arith.constant 0 : i32
    %dma_start3A_48 = arith.constant 160 : i32
    %dma_start3A_49 = arith.constant 0 : i32
    %dma_start3A_50 = tpu.memref_slice %arg6[%dma_start3A_47, %dma_start3A_48, %dma_start3A_49] : memref<2x800x32xi32, #tpu.memory_space<vmem>> -> memref<1x40x32xi32, #tpu.memory_space<vmem>>
    %dma_start3A_51 = tpu.memref_squeeze %dma_start3A_50 : memref<1x40x32xi32, #tpu.memory_space<vmem>> -> memref<40x32xi32, #tpu.memory_space<vmem>>
    %dma_start3A_52 = arith.constant 160 : i32
    %dma_start3A_53 = tpu.memref_slice %arg5[%dma_start3A_52] : memref<25600xi32, #tpu.memory_space<vmem>> -> memref<40xi32, #tpu.memory_space<vmem>>
    %dma_start3A_54 = arith.constant 0 : i32
    %dma_start3A_55 = arith.constant 0 : i32
    %dma_start3A_56 = tpu.memref_slice %arg3[%dma_start3A_54, %dma_start3A_55] : memref<102400x32xi32, #tpu.memory_space<hbm>> -> memref<102400x32xi32, #tpu.memory_space<hbm>>
    tpu.enqueue_indirect_dma source(%dma_start3A_56 : memref<102400x32xi32, #tpu.memory_space<hbm>>) target(%dma_start3A_51 : memref<40x32xi32, #tpu.memory_space<vmem>>) offsets(%dma_start3A_53 : memref<40xi32, #tpu.memory_space<vmem>>) semaphore(%arg8 : memref<!tpu.dma_semaphore, #tpu.memory_space<semaphore_mem>>)
    %dma_start3A_57 = arith.constant 0 : i32
    %dma_start3A_58 = arith.constant 200 : i32
    %dma_start3A_59 = arith.constant 0 : i32
    %dma_start3A_60 = tpu.memref_slice %arg6[%dma_start3A_57, %dma_start3A_58, %dma_start3A_59] : memref<2x800x32xi32, #tpu.memory_space<vmem>> -> memref<1x40x32xi32, #tpu.memory_space<vmem>>
    %dma_start3A_61 = tpu.memref_squeeze %dma_start3A_60 : memref<1x40x32xi32, #tpu.memory_space<vmem>> -> memref<40x32xi32, #tpu.memory_space<vmem>>
    %dma_start3A_62 = arith.constant 200 : i32
    %dma_start3A_63 = tpu.memref_slice %arg5[%dma_start3A_62] : memref<25600xi32, #tpu.memory_space<vmem>> -> memref<40xi32, #tpu.memory_space<vmem>>
    %dma_start3A_64 = arith.constant 0 : i32
    %dma_start3A_65 = arith.constant 0 : i32
    %dma_start3A_66 = tpu.memref_slice %arg3[%dma_start3A_64, %dma_start3A_65] : memref<102400x32xi32, #tpu.memory_space<hbm>> -> memref<102400x32xi32, #tpu.memory_space<hbm>>
    tpu.enqueue_indirect_dma source(%dma_start3A_66 : memref<102400x32xi32, #tpu.memory_space<hbm>>) target(%dma_start3A_61 : memref<40x32xi32, #tpu.memory_space<vmem>>) offsets(%dma_start3A_63 : memref<40xi32, #tpu.memory_space<vmem>>) semaphore(%arg8 : memref<!tpu.dma_semaphore, #tpu.memory_space<semaphore_mem>>)
    %dma_start3A_67 = arith.constant 0 : i32
    %dma_start3A_68 = arith.constant 240 : i32
    %dma_start3A_69 = arith.constant 0 : i32
    %dma_start3A_70 = tpu.memref_slice %arg6[%dma_start3A_67, %dma_start3A_68, %dma_start3A_69] : memref<2x800x32xi32, #tpu.memory_space<vmem>> -> memref<1x40x32xi32, #tpu.memory_space<vmem>>
    %dma_start3A_71 = tpu.memref_squeeze %dma_start3A_70 : memref<1x40x32xi32, #tpu.memory_space<vmem>> -> memref<40x32xi32, #tpu.memory_space<vmem>>
    %dma_start3A_72 = arith.constant 240 : i32
    %dma_start3A_73 = tpu.memref_slice %arg5[%dma_start3A_72] : memref<25600xi32, #tpu.memory_space<vmem>> -> memref<40xi32, #tpu.memory_space<vmem>>
    %dma_start3A_74 = arith.constant 0 : i32
    %dma_start3A_75 = arith.constant 0 : i32
    %dma_start3A_76 = tpu.memref_slice %arg3[%dma_start3A_74, %dma_start3A_75] : memref<102400x32xi32, #tpu.memory_space<hbm>> -> memref<102400x32xi32, #tpu.memory_space<hbm>>
    tpu.enqueue_indirect_dma source(%dma_start3A_76 : memref<102400x32xi32, #tpu.memory_space<hbm>>) target(%dma_start3A_71 : memref<40x32xi32, #tpu.memory_space<vmem>>) offsets(%dma_start3A_73 : memref<40xi32, #tpu.memory_space<vmem>>) semaphore(%arg8 : memref<!tpu.dma_semaphore, #tpu.memory_space<semaphore_mem>>)
    %dma_start3A_77 = arith.constant 0 : i32
    %dma_start3A_78 = arith.constant 280 : i32
    %dma_start3A_79 = arith.constant 0 : i32
    %dma_start3A_80 = tpu.memref_slice %arg6[%dma_start3A_77, %dma_start3A_78, %dma_start3A_79] : memref<2x800x32xi32, #tpu.memory_space<vmem>> -> memref<1x40x32xi32, #tpu.memory_space<vmem>>
    %dma_start3A_81 = tpu.memref_squeeze %dma_start3A_80 : memref<1x40x32xi32, #tpu.memory_space<vmem>> -> memref<40x32xi32, #tpu.memory_space<vmem>>
    %dma_start3A_82 = arith.constant 280 : i32
    %dma_start3A_83 = tpu.memref_slice %arg5[%dma_start3A_82] : memref<25600xi32, #tpu.memory_space<vmem>> -> memref<40xi32, #tpu.memory_space<vmem>>
    %dma_start3A_84 = arith.constant 0 : i32
    %dma_start3A_85 = arith.constant 0 : i32
    %dma_start3A_86 = tpu.memref_slice %arg3[%dma_start3A_84, %dma_start3A_85] : memref<102400x32xi32, #tpu.memory_space<hbm>> -> memref<102400x32xi32, #tpu.memory_space<hbm>>
    tpu.enqueue_indirect_dma source(%dma_start3A_86 : memref<102400x32xi32, #tpu.memory_space<hbm>>) target(%dma_start3A_81 : memref<40x32xi32, #tpu.memory_space<vmem>>) offsets(%dma_start3A_83 : memref<40xi32, #tpu.memory_space<vmem>>) semaphore(%arg8 : memref<!tpu.dma_semaphore, #tpu.memory_space<semaphore_mem>>)
    %dma_start3A_87 = arith.constant 0 : i32
    %dma_start3A_88 = arith.constant 320 : i32
    %dma_start3A_89 = arith.constant 0 : i32
    %dma_start3A_90 = tpu.memref_slice %arg6[%dma_start3A_87, %dma_start3A_88, %dma_start3A_89] : memref<2x800x32xi32, #tpu.memory_space<vmem>> -> memref<1x40x32xi32, #tpu.memory_space<vmem>>
    %dma_start3A_91 = tpu.memref_squeeze %dma_start3A_90 : memref<1x40x32xi32, #tpu.memory_space<vmem>> -> memref<40x32xi32, #tpu.memory_space<vmem>>
    %dma_start3A_92 = arith.constant 320 : i32
    %dma_start3A_93 = tpu.memref_slice %arg5[%dma_start3A_92] : memref<25600xi32, #tpu.memory_space<vmem>> -> memref<40xi32, #tpu.memory_space<vmem>>
    %dma_start3A_94 = arith.constant 0 : i32
    %dma_start3A_95 = arith.constant 0 : i32
    %dma_start3A_96 = tpu.memref_slice %arg3[%dma_start3A_94, %dma_start3A_95] : memref<102400x32xi32, #tpu.memory_space<hbm>> -> memref<102400x32xi32, #tpu.memory_space<hbm>>
    tpu.enqueue_indirect_dma source(%dma_start3A_96 : memref<102400x32xi32, #tpu.memory_space<hbm>>) target(%dma_start3A_91 : memref<40x32xi32, #tpu.memory_space<vmem>>) offsets(%dma_start3A_93 : memref<40xi32, #tpu.memory_space<vmem>>) semaphore(%arg8 : memref<!tpu.dma_semaphore, #tpu.memory_space<semaphore_mem>>)
    %dma_start3A_97 = arith.constant 0 : i32
    %dma_start3A_98 = arith.constant 360 : i32
    %dma_start3A_99 = arith.constant 0 : i32
    %dma_start3A_100 = tpu.memref_slice %arg6[%dma_start3A_97, %dma_start3A_98, %dma_start3A_99] : memref<2x800x32xi32, #tpu.memory_space<vmem>> -> memref<1x40x32xi32, #tpu.memory_space<vmem>>
    %dma_start3A_101 = tpu.memref_squeeze %dma_start3A_100 : memref<1x40x32xi32, #tpu.memory_space<vmem>> -> memref<40x32xi32, #tpu.memory_space<vmem>>
    %dma_start3A_102 = arith.constant 360 : i32
    %dma_start3A_103 = tpu.memref_slice %arg5[%dma_start3A_102] : memref<25600xi32, #tpu.memory_space<vmem>> -> memref<40xi32, #tpu.memory_space<vmem>>
    %dma_start3A_104 = arith.constant 0 : i32
    %dma_start3A_105 = arith.constant 0 : i32
    %dma_start3A_106 = tpu.memref_slice %arg3[%dma_start3A_104, %dma_start3A_105] : memref<102400x32xi32, #tpu.memory_space<hbm>> -> memref<102400x32xi32, #tpu.memory_space<hbm>>
    tpu.enqueue_indirect_dma source(%dma_start3A_106 : memref<102400x32xi32, #tpu.memory_space<hbm>>) target(%dma_start3A_101 : memref<40x32xi32, #tpu.memory_space<vmem>>) offsets(%dma_start3A_103 : memref<40xi32, #tpu.memory_space<vmem>>) semaphore(%arg8 : memref<!tpu.dma_semaphore, #tpu.memory_space<semaphore_mem>>)
    %dma_start3A_107 = arith.constant 0 : i32
    %dma_start3A_108 = arith.constant 400 : i32
    %dma_start3A_109 = arith.constant 0 : i32
    %dma_start3A_110 = tpu.memref_slice %arg6[%dma_start3A_107, %dma_start3A_108, %dma_start3A_109] : memref<2x800x32xi32, #tpu.memory_space<vmem>> -> memref<1x40x32xi32, #tpu.memory_space<vmem>>
    %dma_start3A_111 = tpu.memref_squeeze %dma_start3A_110 : memref<1x40x32xi32, #tpu.memory_space<vmem>> -> memref<40x32xi32, #tpu.memory_space<vmem>>
    %dma_start3A_112 = arith.constant 400 : i32
    %dma_start3A_113 = tpu.memref_slice %arg5[%dma_start3A_112] : memref<25600xi32, #tpu.memory_space<vmem>> -> memref<40xi32, #tpu.memory_space<vmem>>
    %dma_start3A_114 = arith.constant 0 : i32
    %dma_start3A_115 = arith.constant 0 : i32
    %dma_start3A_116 = tpu.memref_slice %arg3[%dma_start3A_114, %dma_start3A_115] : memref<102400x32xi32, #tpu.memory_space<hbm>> -> memref<102400x32xi32, #tpu.memory_space<hbm>>
    tpu.enqueue_indirect_dma source(%dma_start3A_116 : memref<102400x32xi32, #tpu.memory_space<hbm>>) target(%dma_start3A_111 : memref<40x32xi32, #tpu.memory_space<vmem>>) offsets(%dma_start3A_113 : memref<40xi32, #tpu.memory_space<vmem>>) semaphore(%arg8 : memref<!tpu.dma_semaphore, #tpu.memory_space<semaphore_mem>>)
    %dma_start3A_117 = arith.constant 0 : i32
    %dma_start3A_118 = arith.constant 440 : i32
    %dma_start3A_119 = arith.constant 0 : i32
    %dma_start3A_120 = tpu.memref_slice %arg6[%dma_start3A_117, %dma_start3A_118, %dma_start3A_119] : memref<2x800x32xi32, #tpu.memory_space<vmem>> -> memref<1x40x32xi32, #tpu.memory_space<vmem>>
    %dma_start3A_121 = tpu.memref_squeeze %dma_start3A_120 : memref<1x40x32xi32, #tpu.memory_space<vmem>> -> memref<40x32xi32, #tpu.memory_space<vmem>>
    %dma_start3A_122 = arith.constant 440 : i32
    %dma_start3A_123 = tpu.memref_slice %arg5[%dma_start3A_122] : memref<25600xi32, #tpu.memory_space<vmem>> -> memref<40xi32, #tpu.memory_space<vmem>>
    %dma_start3A_124 = arith.constant 0 : i32
    %dma_start3A_125 = arith.constant 0 : i32
    %dma_start3A_126 = tpu.memref_slice %arg3[%dma_start3A_124, %dma_start3A_125] : memref<102400x32xi32, #tpu.memory_space<hbm>> -> memref<102400x32xi32, #tpu.memory_space<hbm>>
    tpu.enqueue_indirect_dma source(%dma_start3A_126 : memref<102400x32xi32, #tpu.memory_space<hbm>>) target(%dma_start3A_121 : memref<40x32xi32, #tpu.memory_space<vmem>>) offsets(%dma_start3A_123 : memref<40xi32, #tpu.memory_space<vmem>>) semaphore(%arg8 : memref<!tpu.dma_semaphore, #tpu.memory_space<semaphore_mem>>)
    %dma_start3A_127 = arith.constant 0 : i32
    %dma_start3A_128 = arith.constant 480 : i32
    %dma_start3A_129 = arith.constant 0 : i32
    %dma_start3A_130 = tpu.memref_slice %arg6[%dma_start3A_127, %dma_start3A_128, %dma_start3A_129] : memref<2x800x32xi32, #tpu.memory_space<vmem>> -> memref<1x40x32xi32, #tpu.memory_space<vmem>>
    %dma_start3A_131 = tpu.memref_squeeze %dma_start3A_130 : memref<1x40x32xi32, #tpu.memory_space<vmem>> -> memref<40x32xi32, #tpu.memory_space<vmem>>
    %dma_start3A_132 = arith.constant 480 : i32
    %dma_start3A_133 = tpu.memref_slice %arg5[%dma_start3A_132] : memref<25600xi32, #tpu.memory_space<vmem>> -> memref<40xi32, #tpu.memory_space<vmem>>
    %dma_start3A_134 = arith.constant 0 : i32
    %dma_start3A_135 = arith.constant 0 : i32
    %dma_start3A_136 = tpu.memref_slice %arg3[%dma_start3A_134, %dma_start3A_135] : memref<102400x32xi32, #tpu.memory_space<hbm>> -> memref<102400x32xi32, #tpu.memory_space<hbm>>
    tpu.enqueue_indirect_dma source(%dma_start3A_136 : memref<102400x32xi32, #tpu.memory_space<hbm>>) target(%dma_start3A_131 : memref<40x32xi32, #tpu.memory_space<vmem>>) offsets(%dma_start3A_133 : memref<40xi32, #tpu.memory_space<vmem>>) semaphore(%arg8 : memref<!tpu.dma_semaphore, #tpu.memory_space<semaphore_mem>>)
    %dma_start3A_137 = arith.constant 0 : i32
    %dma_start3A_138 = arith.constant 520 : i32
    %dma_start3A_139 = arith.constant 0 : i32
    %dma_start3A_140 = tpu.memref_slice %arg6[%dma_start3A_137, %dma_start3A_138, %dma_start3A_139] : memref<2x800x32xi32, #tpu.memory_space<vmem>> -> memref<1x40x32xi32, #tpu.memory_space<vmem>>
    %dma_start3A_141 = tpu.memref_squeeze %dma_start3A_140 : memref<1x40x32xi32, #tpu.memory_space<vmem>> -> memref<40x32xi32, #tpu.memory_space<vmem>>
    %dma_start3A_142 = arith.constant 520 : i32
    %dma_start3A_143 = tpu.memref_slice %arg5[%dma_start3A_142] : memref<25600xi32, #tpu.memory_space<vmem>> -> memref<40xi32, #tpu.memory_space<vmem>>
    %dma_start3A_144 = arith.constant 0 : i32
    %dma_start3A_145 = arith.constant 0 : i32
    %dma_start3A_146 = tpu.memref_slice %arg3[%dma_start3A_144, %dma_start3A_145] : memref<102400x32xi32, #tpu.memory_space<hbm>> -> memref<102400x32xi32, #tpu.memory_space<hbm>>
    tpu.enqueue_indirect_dma source(%dma_start3A_146 : memref<102400x32xi32, #tpu.memory_space<hbm>>) target(%dma_start3A_141 : memref<40x32xi32, #tpu.memory_space<vmem>>) offsets(%dma_start3A_143 : memref<40xi32, #tpu.memory_space<vmem>>) semaphore(%arg8 : memref<!tpu.dma_semaphore, #tpu.memory_space<semaphore_mem>>)
    %dma_start3A_147 = arith.constant 0 : i32
    %dma_start3A_148 = arith.constant 560 : i32
    %dma_start3A_149 = arith.constant 0 : i32
    %dma_start3A_150 = tpu.memref_slice %arg6[%dma_start3A_147, %dma_start3A_148, %dma_start3A_149] : memref<2x800x32xi32, #tpu.memory_space<vmem>> -> memref<1x40x32xi32, #tpu.memory_space<vmem>>
    %dma_start3A_151 = tpu.memref_squeeze %dma_start3A_150 : memref<1x40x32xi32, #tpu.memory_space<vmem>> -> memref<40x32xi32, #tpu.memory_space<vmem>>
    %dma_start3A_152 = arith.constant 560 : i32
    %dma_start3A_153 = tpu.memref_slice %arg5[%dma_start3A_152] : memref<25600xi32, #tpu.memory_space<vmem>> -> memref<40xi32, #tpu.memory_space<vmem>>
    %dma_start3A_154 = arith.constant 0 : i32
    %dma_start3A_155 = arith.constant 0 : i32
    %dma_start3A_156 = tpu.memref_slice %arg3[%dma_start3A_154, %dma_start3A_155] : memref<102400x32xi32, #tpu.memory_space<hbm>> -> memref<102400x32xi32, #tpu.memory_space<hbm>>
    tpu.enqueue_indirect_dma source(%dma_start3A_156 : memref<102400x32xi32, #tpu.memory_space<hbm>>) target(%dma_start3A_151 : memref<40x32xi32, #tpu.memory_space<vmem>>) offsets(%dma_start3A_153 : memref<40xi32, #tpu.memory_space<vmem>>) semaphore(%arg8 : memref<!tpu.dma_semaphore, #tpu.memory_space<semaphore_mem>>)
    %dma_start3A_157 = arith.constant 0 : i32
    %dma_start3A_158 = arith.constant 600 : i32
    %dma_start3A_159 = arith.constant 0 : i32
    %dma_start3A_160 = tpu.memref_slice %arg6[%dma_start3A_157, %dma_start3A_158, %dma_start3A_159] : memref<2x800x32xi32, #tpu.memory_space<vmem>> -> memref<1x40x32xi32, #tpu.memory_space<vmem>>
    %dma_start3A_161 = tpu.memref_squeeze %dma_start3A_160 : memref<1x40x32xi32, #tpu.memory_space<vmem>> -> memref<40x32xi32, #tpu.memory_space<vmem>>
    %dma_start3A_162 = arith.constant 600 : i32
    %dma_start3A_163 = tpu.memref_slice %arg5[%dma_start3A_162] : memref<25600xi32, #tpu.memory_space<vmem>> -> memref<40xi32, #tpu.memory_space<vmem>>
    %dma_start3A_164 = arith.constant 0 : i32
    %dma_start3A_165 = arith.constant 0 : i32
    %dma_start3A_166 = tpu.memref_slice %arg3[%dma_start3A_164, %dma_start3A_165] : memref<102400x32xi32, #tpu.memory_space<hbm>> -> memref<102400x32xi32, #tpu.memory_space<hbm>>
    tpu.enqueue_indirect_dma source(%dma_start3A_166 : memref<102400x32xi32, #tpu.memory_space<hbm>>) target(%dma_start3A_161 : memref<40x32xi32, #tpu.memory_space<vmem>>) offsets(%dma_start3A_163 : memref<40xi32, #tpu.memory_space<vmem>>) semaphore(%arg8 : memref<!tpu.dma_semaphore, #tpu.memory_space<semaphore_mem>>)
    %dma_start3A_167 = arith.constant 0 : i32
    %dma_start3A_168 = arith.constant 640 : i32
    %dma_start3A_169 = arith.constant 0 : i32
    %dma_start3A_170 = tpu.memref_slice %arg6[%dma_start3A_167, %dma_start3A_168, %dma_start3A_169] : memref<2x800x32xi32, #tpu.memory_space<vmem>> -> memref<1x40x32xi32, #tpu.memory_space<vmem>>
    %dma_start3A_171 = tpu.memref_squeeze %dma_start3A_170 : memref<1x40x32xi32, #tpu.memory_space<vmem>> -> memref<40x32xi32, #tpu.memory_space<vmem>>
    %dma_start3A_172 = arith.constant 640 : i32
    %dma_start3A_173 = tpu.memref_slice %arg5[%dma_start3A_172] : memref<25600xi32, #tpu.memory_space<vmem>> -> memref<40xi32, #tpu.memory_space<vmem>>
    %dma_start3A_174 = arith.constant 0 : i32
    %dma_start3A_175 = arith.constant 0 : i32
    %dma_start3A_176 = tpu.memref_slice %arg3[%dma_start3A_174, %dma_start3A_175] : memref<102400x32xi32, #tpu.memory_space<hbm>> -> memref<102400x32xi32, #tpu.memory_space<hbm>>
    tpu.enqueue_indirect_dma source(%dma_start3A_176 : memref<102400x32xi32, #tpu.memory_space<hbm>>) target(%dma_start3A_171 : memref<40x32xi32, #tpu.memory_space<vmem>>) offsets(%dma_start3A_173 : memref<40xi32, #tpu.memory_space<vmem>>) semaphore(%arg8 : memref<!tpu.dma_semaphore, #tpu.memory_space<semaphore_mem>>)
    %dma_start3A_177 = arith.constant 0 : i32
    %dma_start3A_178 = arith.constant 680 : i32
    %dma_start3A_179 = arith.constant 0 : i32
    %dma_start3A_180 = tpu.memref_slice %arg6[%dma_start3A_177, %dma_start3A_178, %dma_start3A_179] : memref<2x800x32xi32, #tpu.memory_space<vmem>> -> memref<1x40x32xi32, #tpu.memory_space<vmem>>
    %dma_start3A_181 = tpu.memref_squeeze %dma_start3A_180 : memref<1x40x32xi32, #tpu.memory_space<vmem>> -> memref<40x32xi32, #tpu.memory_space<vmem>>
    %dma_start3A_182 = arith.constant 680 : i32
    %dma_start3A_183 = tpu.memref_slice %arg5[%dma_start3A_182] : memref<25600xi32, #tpu.memory_space<vmem>> -> memref<40xi32, #tpu.memory_space<vmem>>
    %dma_start3A_184 = arith.constant 0 : i32
    %dma_start3A_185 = arith.constant 0 : i32
    %dma_start3A_186 = tpu.memref_slice %arg3[%dma_start3A_184, %dma_start3A_185] : memref<102400x32xi32, #tpu.memory_space<hbm>> -> memref<102400x32xi32, #tpu.memory_space<hbm>>
    tpu.enqueue_indirect_dma source(%dma_start3A_186 : memref<102400x32xi32, #tpu.memory_space<hbm>>) target(%dma_start3A_181 : memref<40x32xi32, #tpu.memory_space<vmem>>) offsets(%dma_start3A_183 : memref<40xi32, #tpu.memory_space<vmem>>) semaphore(%arg8 : memref<!tpu.dma_semaphore, #tpu.memory_space<semaphore_mem>>)
    %dma_start3A_187 = arith.constant 0 : i32
    %dma_start3A_188 = arith.constant 720 : i32
    %dma_start3A_189 = arith.constant 0 : i32
    %dma_start3A_190 = tpu.memref_slice %arg6[%dma_start3A_187, %dma_start3A_188, %dma_start3A_189] : memref<2x800x32xi32, #tpu.memory_space<vmem>> -> memref<1x40x32xi32, #tpu.memory_space<vmem>>
    %dma_start3A_191 = tpu.memref_squeeze %dma_start3A_190 : memref<1x40x32xi32, #tpu.memory_space<vmem>> -> memref<40x32xi32, #tpu.memory_space<vmem>>
    %dma_start3A_192 = arith.constant 720 : i32
    %dma_start3A_193 = tpu.memref_slice %arg5[%dma_start3A_192] : memref<25600xi32, #tpu.memory_space<vmem>> -> memref<40xi32, #tpu.memory_space<vmem>>
    %dma_start3A_194 = arith.constant 0 : i32
    %dma_start3A_195 = arith.constant 0 : i32
    %dma_start3A_196 = tpu.memref_slice %arg3[%dma_start3A_194, %dma_start3A_195] : memref<102400x32xi32, #tpu.memory_space<hbm>> -> memref<102400x32xi32, #tpu.memory_space<hbm>>
    tpu.enqueue_indirect_dma source(%dma_start3A_196 : memref<102400x32xi32, #tpu.memory_space<hbm>>) target(%dma_start3A_191 : memref<40x32xi32, #tpu.memory_space<vmem>>) offsets(%dma_start3A_193 : memref<40xi32, #tpu.memory_space<vmem>>) semaphore(%arg8 : memref<!tpu.dma_semaphore, #tpu.memory_space<semaphore_mem>>)
    %dma_start3A_197 = arith.constant 0 : i32
    %dma_start3A_198 = arith.constant 760 : i32
    %dma_start3A_199 = arith.constant 0 : i32
    %dma_start3A_200 = tpu.memref_slice %arg6[%dma_start3A_197, %dma_start3A_198, %dma_start3A_199] : memref<2x800x32xi32, #tpu.memory_space<vmem>> -> memref<1x40x32xi32, #tpu.memory_space<vmem>>
    %dma_start3A_201 = tpu.memref_squeeze %dma_start3A_200 : memref<1x40x32xi32, #tpu.memory_space<vmem>> -> memref<40x32xi32, #tpu.memory_space<vmem>>
    %dma_start3A_202 = arith.constant 760 : i32
    %dma_start3A_203 = tpu.memref_slice %arg5[%dma_start3A_202] : memref<25600xi32, #tpu.memory_space<vmem>> -> memref<40xi32, #tpu.memory_space<vmem>>
    %dma_start3A_204 = arith.constant 0 : i32
    %dma_start3A_205 = arith.constant 0 : i32
    %dma_start3A_206 = tpu.memref_slice %arg3[%dma_start3A_204, %dma_start3A_205] : memref<102400x32xi32, #tpu.memory_space<hbm>> -> memref<102400x32xi32, #tpu.memory_space<hbm>>
    tpu.enqueue_indirect_dma source(%dma_start3A_206 : memref<102400x32xi32, #tpu.memory_space<hbm>>) target(%dma_start3A_201 : memref<40x32xi32, #tpu.memory_space<vmem>>) offsets(%dma_start3A_203 : memref<40xi32, #tpu.memory_space<vmem>>) semaphore(%arg8 : memref<!tpu.dma_semaphore, #tpu.memory_space<semaphore_mem>>)
    %scan3A_207 = arith.constant 0 : i32
    %scan3A_208 = arith.constant 0 : i32
    %scan3A_209 = arith.constant 16 : i32
    %scan3A_210 = arith.addi %scan3A_208, %scan3A_209 : i32
    %scan3A_211 = arith.constant 1 : i32
    scf.for %scan3A_213 = %scan3A_208 to %scan3A_210 step %scan3A_211  : i32 {
      %mul3A_214 = arith.constant 2 : i32
      %mul3A_215 = arith.muli %mul3A_214, %scan3A_213 : i32
      %add3A_216 = arith.constant 1 : i32
      %add3A_217 = arith.addi %mul3A_215, %add3A_216 : i32
      %mul3A_218 = arith.constant 800 : i32
      %mul3A_219 = arith.muli %add3A_217, %mul3A_218 : i32
      %add3A_220 = arith.constant 0 : i32
      %add3A_221 = arith.addi %mul3A_219, %add3A_220 : i32
      %dma_start3A_222 = arith.constant 1 : i32
      %dma_start3A_223 = arith.constant 0 : i32
      %dma_start3A_224 = arith.constant 0 : i32
      %dma_start3A_225 = tpu.memref_slice %arg6[%dma_start3A_222, %dma_start3A_223, %dma_start3A_224] : memref<2x800x32xi32, #tpu.memory_space<vmem>> -> memref<1x40x32xi32, #tpu.memory_space<vmem>>
      %dma_start3A_226 = tpu.memref_squeeze %dma_start3A_225 : memref<1x40x32xi32, #tpu.memory_space<vmem>> -> memref<40x32xi32, #tpu.memory_space<vmem>>
      %dma_start3A_227 = tpu.memref_slice %arg5[%add3A_221] : memref<25600xi32, #tpu.memory_space<vmem>> -> memref<40xi32, #tpu.memory_space<vmem>>
      %dma_start3A_228 = arith.constant 0 : i32
      %dma_start3A_229 = arith.constant 0 : i32
      %dma_start3A_230 = tpu.memref_slice %arg3[%dma_start3A_228, %dma_start3A_229] : memref<102400x32xi32, #tpu.memory_space<hbm>> -> memref<102400x32xi32, #tpu.memory_space<hbm>>
      tpu.enqueue_indirect_dma source(%dma_start3A_230 : memref<102400x32xi32, #tpu.memory_space<hbm>>) target(%dma_start3A_226 : memref<40x32xi32, #tpu.memory_space<vmem>>) offsets(%dma_start3A_227 : memref<40xi32, #tpu.memory_space<vmem>>) semaphore(%arg9 : memref<!tpu.dma_semaphore, #tpu.memory_space<semaphore_mem>>)
      %mul3A_231 = arith.constant 800 : i32
      %mul3A_232 = arith.muli %add3A_217, %mul3A_231 : i32
      %add3A_233 = arith.constant 40 : i32
      %add3A_234 = arith.addi %mul3A_232, %add3A_233 : i32
      %dma_start3A_235 = arith.constant 1 : i32
      %dma_start3A_236 = arith.constant 40 : i32
      %dma_start3A_237 = arith.constant 0 : i32
      %dma_start3A_238 = tpu.memref_slice %arg6[%dma_start3A_235, %dma_start3A_236, %dma_start3A_237] : memref<2x800x32xi32, #tpu.memory_space<vmem>> -> memref<1x40x32xi32, #tpu.memory_space<vmem>>
      %dma_start3A_239 = tpu.memref_squeeze %dma_start3A_238 : memref<1x40x32xi32, #tpu.memory_space<vmem>> -> memref<40x32xi32, #tpu.memory_space<vmem>>
      %dma_start3A_240 = tpu.memref_slice %arg5[%add3A_234] : memref<25600xi32, #tpu.memory_space<vmem>> -> memref<40xi32, #tpu.memory_space<vmem>>
      %dma_start3A_241 = arith.constant 0 : i32
      %dma_start3A_242 = arith.constant 0 : i32
      %dma_start3A_243 = tpu.memref_slice %arg3[%dma_start3A_241, %dma_start3A_242] : memref<102400x32xi32, #tpu.memory_space<hbm>> -> memref<102400x32xi32, #tpu.memory_space<hbm>>
      tpu.enqueue_indirect_dma source(%dma_start3A_243 : memref<102400x32xi32, #tpu.memory_space<hbm>>) target(%dma_start3A_239 : memref<40x32xi32, #tpu.memory_space<vmem>>) offsets(%dma_start3A_240 : memref<40xi32, #tpu.memory_space<vmem>>) semaphore(%arg9 : memref<!tpu.dma_semaphore, #tpu.memory_space<semaphore_mem>>)
      %mul3A_244 = arith.constant 800 : i32
      %mul3A_245 = arith.muli %add3A_217, %mul3A_244 : i32
      %add3A_246 = arith.constant 80 : i32
      %add3A_247 = arith.addi %mul3A_245, %add3A_246 : i32
      %dma_start3A_248 = arith.constant 1 : i32
      %dma_start3A_249 = arith.constant 80 : i32
      %dma_start3A_250 = arith.constant 0 : i32
      %dma_start3A_251 = tpu.memref_slice %arg6[%dma_start3A_248, %dma_start3A_249, %dma_start3A_250] : memref<2x800x32xi32, #tpu.memory_space<vmem>> -> memref<1x40x32xi32, #tpu.memory_space<vmem>>
      %dma_start3A_252 = tpu.memref_squeeze %dma_start3A_251 : memref<1x40x32xi32, #tpu.memory_space<vmem>> -> memref<40x32xi32, #tpu.memory_space<vmem>>
      %dma_start3A_253 = tpu.memref_slice %arg5[%add3A_247] : memref<25600xi32, #tpu.memory_space<vmem>> -> memref<40xi32, #tpu.memory_space<vmem>>
      %dma_start3A_254 = arith.constant 0 : i32
      %dma_start3A_255 = arith.constant 0 : i32
      %dma_start3A_256 = tpu.memref_slice %arg3[%dma_start3A_254, %dma_start3A_255] : memref<102400x32xi32, #tpu.memory_space<hbm>> -> memref<102400x32xi32, #tpu.memory_space<hbm>>
      tpu.enqueue_indirect_dma source(%dma_start3A_256 : memref<102400x32xi32, #tpu.memory_space<hbm>>) target(%dma_start3A_252 : memref<40x32xi32, #tpu.memory_space<vmem>>) offsets(%dma_start3A_253 : memref<40xi32, #tpu.memory_space<vmem>>) semaphore(%arg9 : memref<!tpu.dma_semaphore, #tpu.memory_space<semaphore_mem>>)
      %mul3A_257 = arith.constant 800 : i32
      %mul3A_258 = arith.muli %add3A_217, %mul3A_257 : i32
      %add3A_259 = arith.constant 120 : i32
      %add3A_260 = arith.addi %mul3A_258, %add3A_259 : i32
      %dma_start3A_261 = arith.constant 1 : i32
      %dma_start3A_262 = arith.constant 120 : i32
      %dma_start3A_263 = arith.constant 0 : i32
      %dma_start3A_264 = tpu.memref_slice %arg6[%dma_start3A_261, %dma_start3A_262, %dma_start3A_263] : memref<2x800x32xi32, #tpu.memory_space<vmem>> -> memref<1x40x32xi32, #tpu.memory_space<vmem>>
      %dma_start3A_265 = tpu.memref_squeeze %dma_start3A_264 : memref<1x40x32xi32, #tpu.memory_space<vmem>> -> memref<40x32xi32, #tpu.memory_space<vmem>>
      %dma_start3A_266 = tpu.memref_slice %arg5[%add3A_260] : memref<25600xi32, #tpu.memory_space<vmem>> -> memref<40xi32, #tpu.memory_space<vmem>>
      %dma_start3A_267 = arith.constant 0 : i32
      %dma_start3A_268 = arith.constant 0 : i32
      %dma_start3A_269 = tpu.memref_slice %arg3[%dma_start3A_267, %dma_start3A_268] : memref<102400x32xi32, #tpu.memory_space<hbm>> -> memref<102400x32xi32, #tpu.memory_space<hbm>>
      tpu.enqueue_indirect_dma source(%dma_start3A_269 : memref<102400x32xi32, #tpu.memory_space<hbm>>) target(%dma_start3A_265 : memref<40x32xi32, #tpu.memory_space<vmem>>) offsets(%dma_start3A_266 : memref<40xi32, #tpu.memory_space<vmem>>) semaphore(%arg9 : memref<!tpu.dma_semaphore, #tpu.memory_space<semaphore_mem>>)
      %mul3A_270 = arith.constant 800 : i32
      %mul3A_271 = arith.muli %add3A_217, %mul3A_270 : i32
      %add3A_272 = arith.constant 160 : i32
      %add3A_273 = arith.addi %mul3A_271, %add3A_272 : i32
      %dma_start3A_274 = arith.constant 1 : i32
      %dma_start3A_275 = arith.constant 160 : i32
      %dma_start3A_276 = arith.constant 0 : i32
      %dma_start3A_277 = tpu.memref_slice %arg6[%dma_start3A_274, %dma_start3A_275, %dma_start3A_276] : memref<2x800x32xi32, #tpu.memory_space<vmem>> -> memref<1x40x32xi32, #tpu.memory_space<vmem>>
      %dma_start3A_278 = tpu.memref_squeeze %dma_start3A_277 : memref<1x40x32xi32, #tpu.memory_space<vmem>> -> memref<40x32xi32, #tpu.memory_space<vmem>>
      %dma_start3A_279 = tpu.memref_slice %arg5[%add3A_273] : memref<25600xi32, #tpu.memory_space<vmem>> -> memref<40xi32, #tpu.memory_space<vmem>>
      %dma_start3A_280 = arith.constant 0 : i32
      %dma_start3A_281 = arith.constant 0 : i32
      %dma_start3A_282 = tpu.memref_slice %arg3[%dma_start3A_280, %dma_start3A_281] : memref<102400x32xi32, #tpu.memory_space<hbm>> -> memref<102400x32xi32, #tpu.memory_space<hbm>>
      tpu.enqueue_indirect_dma source(%dma_start3A_282 : memref<102400x32xi32, #tpu.memory_space<hbm>>) target(%dma_start3A_278 : memref<40x32xi32, #tpu.memory_space<vmem>>) offsets(%dma_start3A_279 : memref<40xi32, #tpu.memory_space<vmem>>) semaphore(%arg9 : memref<!tpu.dma_semaphore, #tpu.memory_space<semaphore_mem>>)
      %mul3A_283 = arith.constant 800 : i32
      %mul3A_284 = arith.muli %add3A_217, %mul3A_283 : i32
      %add3A_285 = arith.constant 200 : i32
      %add3A_286 = arith.addi %mul3A_284, %add3A_285 : i32
      %dma_start3A_287 = arith.constant 1 : i32
      %dma_start3A_288 = arith.constant 200 : i32
      %dma_start3A_289 = arith.constant 0 : i32
      %dma_start3A_290 = tpu.memref_slice %arg6[%dma_start3A_287, %dma_start3A_288, %dma_start3A_289] : memref<2x800x32xi32, #tpu.memory_space<vmem>> -> memref<1x40x32xi32, #tpu.memory_space<vmem>>
      %dma_start3A_291 = tpu.memref_squeeze %dma_start3A_290 : memref<1x40x32xi32, #tpu.memory_space<vmem>> -> memref<40x32xi32, #tpu.memory_space<vmem>>
      %dma_start3A_292 = tpu.memref_slice %arg5[%add3A_286] : memref<25600xi32, #tpu.memory_space<vmem>> -> memref<40xi32, #tpu.memory_space<vmem>>
      %dma_start3A_293 = arith.constant 0 : i32
      %dma_start3A_294 = arith.constant 0 : i32
      %dma_start3A_295 = tpu.memref_slice %arg3[%dma_start3A_293, %dma_start3A_294] : memref<102400x32xi32, #tpu.memory_space<hbm>> -> memref<102400x32xi32, #tpu.memory_space<hbm>>
      tpu.enqueue_indirect_dma source(%dma_start3A_295 : memref<102400x32xi32, #tpu.memory_space<hbm>>) target(%dma_start3A_291 : memref<40x32xi32, #tpu.memory_space<vmem>>) offsets(%dma_start3A_292 : memref<40xi32, #tpu.memory_space<vmem>>) semaphore(%arg9 : memref<!tpu.dma_semaphore, #tpu.memory_space<semaphore_mem>>)
      %mul3A_296 = arith.constant 800 : i32
      %mul3A_297 = arith.muli %add3A_217, %mul3A_296 : i32
      %add3A_298 = arith.constant 240 : i32
      %add3A_299 = arith.addi %mul3A_297, %add3A_298 : i32
      %dma_start3A_300 = arith.constant 1 : i32
      %dma_start3A_301 = arith.constant 240 : i32
      %dma_start3A_302 = arith.constant 0 : i32
      %dma_start3A_303 = tpu.memref_slice %arg6[%dma_start3A_300, %dma_start3A_301, %dma_start3A_302] : memref<2x800x32xi32, #tpu.memory_space<vmem>> -> memref<1x40x32xi32, #tpu.memory_space<vmem>>
      %dma_start3A_304 = tpu.memref_squeeze %dma_start3A_303 : memref<1x40x32xi32, #tpu.memory_space<vmem>> -> memref<40x32xi32, #tpu.memory_space<vmem>>
      %dma_start3A_305 = tpu.memref_slice %arg5[%add3A_299] : memref<25600xi32, #tpu.memory_space<vmem>> -> memref<40xi32, #tpu.memory_space<vmem>>
      %dma_start3A_306 = arith.constant 0 : i32
      %dma_start3A_307 = arith.constant 0 : i32
      %dma_start3A_308 = tpu.memref_slice %arg3[%dma_start3A_306, %dma_start3A_307] : memref<102400x32xi32, #tpu.memory_space<hbm>> -> memref<102400x32xi32, #tpu.memory_space<hbm>>
      tpu.enqueue_indirect_dma source(%dma_start3A_308 : memref<102400x32xi32, #tpu.memory_space<hbm>>) target(%dma_start3A_304 : memref<40x32xi32, #tpu.memory_space<vmem>>) offsets(%dma_start3A_305 : memref<40xi32, #tpu.memory_space<vmem>>) semaphore(%arg9 : memref<!tpu.dma_semaphore, #tpu.memory_space<semaphore_mem>>)
      %mul3A_309 = arith.constant 800 : i32
      %mul3A_310 = arith.muli %add3A_217, %mul3A_309 : i32
      %add3A_311 = arith.constant 280 : i32
      %add3A_312 = arith.addi %mul3A_310, %add3A_311 : i32
      %dma_start3A_313 = arith.constant 1 : i32
      %dma_start3A_314 = arith.constant 280 : i32
      %dma_start3A_315 = arith.constant 0 : i32
      %dma_start3A_316 = tpu.memref_slice %arg6[%dma_start3A_313, %dma_start3A_314, %dma_start3A_315] : memref<2x800x32xi32, #tpu.memory_space<vmem>> -> memref<1x40x32xi32, #tpu.memory_space<vmem>>
      %dma_start3A_317 = tpu.memref_squeeze %dma_start3A_316 : memref<1x40x32xi32, #tpu.memory_space<vmem>> -> memref<40x32xi32, #tpu.memory_space<vmem>>
      %dma_start3A_318 = tpu.memref_slice %arg5[%add3A_312] : memref<25600xi32, #tpu.memory_space<vmem>> -> memref<40xi32, #tpu.memory_space<vmem>>
      %dma_start3A_319 = arith.constant 0 : i32
      %dma_start3A_320 = arith.constant 0 : i32
      %dma_start3A_321 = tpu.memref_slice %arg3[%dma_start3A_319, %dma_start3A_320] : memref<102400x32xi32, #tpu.memory_space<hbm>> -> memref<102400x32xi32, #tpu.memory_space<hbm>>
      tpu.enqueue_indirect_dma source(%dma_start3A_321 : memref<102400x32xi32, #tpu.memory_space<hbm>>) target(%dma_start3A_317 : memref<40x32xi32, #tpu.memory_space<vmem>>) offsets(%dma_start3A_318 : memref<40xi32, #tpu.memory_space<vmem>>) semaphore(%arg9 : memref<!tpu.dma_semaphore, #tpu.memory_space<semaphore_mem>>)
      %mul3A_322 = arith.constant 800 : i32
      %mul3A_323 = arith.muli %add3A_217, %mul3A_322 : i32
      %add3A_324 = arith.constant 320 : i32
      %add3A_325 = arith.addi %mul3A_323, %add3A_324 : i32
      %dma_start3A_326 = arith.constant 1 : i32
      %dma_start3A_327 = arith.constant 320 : i32
      %dma_start3A_328 = arith.constant 0 : i32
      %dma_start3A_329 = tpu.memref_slice %arg6[%dma_start3A_326, %dma_start3A_327, %dma_start3A_328] : memref<2x800x32xi32, #tpu.memory_space<vmem>> -> memref<1x40x32xi32, #tpu.memory_space<vmem>>
      %dma_start3A_330 = tpu.memref_squeeze %dma_start3A_329 : memref<1x40x32xi32, #tpu.memory_space<vmem>> -> memref<40x32xi32, #tpu.memory_space<vmem>>
      %dma_start3A_331 = tpu.memref_slice %arg5[%add3A_325] : memref<25600xi32, #tpu.memory_space<vmem>> -> memref<40xi32, #tpu.memory_space<vmem>>
      %dma_start3A_332 = arith.constant 0 : i32
      %dma_start3A_333 = arith.constant 0 : i32
      %dma_start3A_334 = tpu.memref_slice %arg3[%dma_start3A_332, %dma_start3A_333] : memref<102400x32xi32, #tpu.memory_space<hbm>> -> memref<102400x32xi32, #tpu.memory_space<hbm>>
      tpu.enqueue_indirect_dma source(%dma_start3A_334 : memref<102400x32xi32, #tpu.memory_space<hbm>>) target(%dma_start3A_330 : memref<40x32xi32, #tpu.memory_space<vmem>>) offsets(%dma_start3A_331 : memref<40xi32, #tpu.memory_space<vmem>>) semaphore(%arg9 : memref<!tpu.dma_semaphore, #tpu.memory_space<semaphore_mem>>)
      %mul3A_335 = arith.constant 800 : i32
      %mul3A_336 = arith.muli %add3A_217, %mul3A_335 : i32
      %add3A_337 = arith.constant 360 : i32
      %add3A_338 = arith.addi %mul3A_336, %add3A_337 : i32
      %dma_start3A_339 = arith.constant 1 : i32
      %dma_start3A_340 = arith.constant 360 : i32
      %dma_start3A_341 = arith.constant 0 : i32
      %dma_start3A_342 = tpu.memref_slice %arg6[%dma_start3A_339, %dma_start3A_340, %dma_start3A_341] : memref<2x800x32xi32, #tpu.memory_space<vmem>> -> memref<1x40x32xi32, #tpu.memory_space<vmem>>
      %dma_start3A_343 = tpu.memref_squeeze %dma_start3A_342 : memref<1x40x32xi32, #tpu.memory_space<vmem>> -> memref<40x32xi32, #tpu.memory_space<vmem>>
      %dma_start3A_344 = tpu.memref_slice %arg5[%add3A_338] : memref<25600xi32, #tpu.memory_space<vmem>> -> memref<40xi32, #tpu.memory_space<vmem>>
      %dma_start3A_345 = arith.constant 0 : i32
      %dma_start3A_346 = arith.constant 0 : i32
      %dma_start3A_347 = tpu.memref_slice %arg3[%dma_start3A_345, %dma_start3A_346] : memref<102400x32xi32, #tpu.memory_space<hbm>> -> memref<102400x32xi32, #tpu.memory_space<hbm>>
      tpu.enqueue_indirect_dma source(%dma_start3A_347 : memref<102400x32xi32, #tpu.memory_space<hbm>>) target(%dma_start3A_343 : memref<40x32xi32, #tpu.memory_space<vmem>>) offsets(%dma_start3A_344 : memref<40xi32, #tpu.memory_space<vmem>>) semaphore(%arg9 : memref<!tpu.dma_semaphore, #tpu.memory_space<semaphore_mem>>)
      %mul3A_348 = arith.constant 800 : i32
      %mul3A_349 = arith.muli %add3A_217, %mul3A_348 : i32
      %add3A_350 = arith.constant 400 : i32
      %add3A_351 = arith.addi %mul3A_349, %add3A_350 : i32
      %dma_start3A_352 = arith.constant 1 : i32
      %dma_start3A_353 = arith.constant 400 : i32
      %dma_start3A_354 = arith.constant 0 : i32
      %dma_start3A_355 = tpu.memref_slice %arg6[%dma_start3A_352, %dma_start3A_353, %dma_start3A_354] : memref<2x800x32xi32, #tpu.memory_space<vmem>> -> memref<1x40x32xi32, #tpu.memory_space<vmem>>
      %dma_start3A_356 = tpu.memref_squeeze %dma_start3A_355 : memref<1x40x32xi32, #tpu.memory_space<vmem>> -> memref<40x32xi32, #tpu.memory_space<vmem>>
      %dma_start3A_357 = tpu.memref_slice %arg5[%add3A_351] : memref<25600xi32, #tpu.memory_space<vmem>> -> memref<40xi32, #tpu.memory_space<vmem>>
      %dma_start3A_358 = arith.constant 0 : i32
      %dma_start3A_359 = arith.constant 0 : i32
      %dma_start3A_360 = tpu.memref_slice %arg3[%dma_start3A_358, %dma_start3A_359] : memref<102400x32xi32, #tpu.memory_space<hbm>> -> memref<102400x32xi32, #tpu.memory_space<hbm>>
      tpu.enqueue_indirect_dma source(%dma_start3A_360 : memref<102400x32xi32, #tpu.memory_space<hbm>>) target(%dma_start3A_356 : memref<40x32xi32, #tpu.memory_space<vmem>>) offsets(%dma_start3A_357 : memref<40xi32, #tpu.memory_space<vmem>>) semaphore(%arg9 : memref<!tpu.dma_semaphore, #tpu.memory_space<semaphore_mem>>)
      %mul3A_361 = arith.constant 800 : i32
      %mul3A_362 = arith.muli %add3A_217, %mul3A_361 : i32
      %add3A_363 = arith.constant 440 : i32
      %add3A_364 = arith.addi %mul3A_362, %add3A_363 : i32
      %dma_start3A_365 = arith.constant 1 : i32
      %dma_start3A_366 = arith.constant 440 : i32
      %dma_start3A_367 = arith.constant 0 : i32
      %dma_start3A_368 = tpu.memref_slice %arg6[%dma_start3A_365, %dma_start3A_366, %dma_start3A_367] : memref<2x800x32xi32, #tpu.memory_space<vmem>> -> memref<1x40x32xi32, #tpu.memory_space<vmem>>
      %dma_start3A_369 = tpu.memref_squeeze %dma_start3A_368 : memref<1x40x32xi32, #tpu.memory_space<vmem>> -> memref<40x32xi32, #tpu.memory_space<vmem>>
      %dma_start3A_370 = tpu.memref_slice %arg5[%add3A_364] : memref<25600xi32, #tpu.memory_space<vmem>> -> memref<40xi32, #tpu.memory_space<vmem>>
      %dma_start3A_371 = arith.constant 0 : i32
      %dma_start3A_372 = arith.constant 0 : i32
      %dma_start3A_373 = tpu.memref_slice %arg3[%dma_start3A_371, %dma_start3A_372] : memref<102400x32xi32, #tpu.memory_space<hbm>> -> memref<102400x32xi32, #tpu.memory_space<hbm>>
      tpu.enqueue_indirect_dma source(%dma_start3A_373 : memref<102400x32xi32, #tpu.memory_space<hbm>>) target(%dma_start3A_369 : memref<40x32xi32, #tpu.memory_space<vmem>>) offsets(%dma_start3A_370 : memref<40xi32, #tpu.memory_space<vmem>>) semaphore(%arg9 : memref<!tpu.dma_semaphore, #tpu.memory_space<semaphore_mem>>)
      %mul3A_374 = arith.constant 800 : i32
      %mul3A_375 = arith.muli %add3A_217, %mul3A_374 : i32
      %add3A_376 = arith.constant 480 : i32
      %add3A_377 = arith.addi %mul3A_375, %add3A_376 : i32
      %dma_start3A_378 = arith.constant 1 : i32
      %dma_start3A_379 = arith.constant 480 : i32
      %dma_start3A_380 = arith.constant 0 : i32
      %dma_start3A_381 = tpu.memref_slice %arg6[%dma_start3A_378, %dma_start3A_379, %dma_start3A_380] : memref<2x800x32xi32, #tpu.memory_space<vmem>> -> memref<1x40x32xi32, #tpu.memory_space<vmem>>
      %dma_start3A_382 = tpu.memref_squeeze %dma_start3A_381 : memref<1x40x32xi32, #tpu.memory_space<vmem>> -> memref<40x32xi32, #tpu.memory_space<vmem>>
      %dma_start3A_383 = tpu.memref_slice %arg5[%add3A_377] : memref<25600xi32, #tpu.memory_space<vmem>> -> memref<40xi32, #tpu.memory_space<vmem>>
      %dma_start3A_384 = arith.constant 0 : i32
      %dma_start3A_385 = arith.constant 0 : i32
      %dma_start3A_386 = tpu.memref_slice %arg3[%dma_start3A_384, %dma_start3A_385] : memref<102400x32xi32, #tpu.memory_space<hbm>> -> memref<102400x32xi32, #tpu.memory_space<hbm>>
      tpu.enqueue_indirect_dma source(%dma_start3A_386 : memref<102400x32xi32, #tpu.memory_space<hbm>>) target(%dma_start3A_382 : memref<40x32xi32, #tpu.memory_space<vmem>>) offsets(%dma_start3A_383 : memref<40xi32, #tpu.memory_space<vmem>>) semaphore(%arg9 : memref<!tpu.dma_semaphore, #tpu.memory_space<semaphore_mem>>)
      %mul3A_387 = arith.constant 800 : i32
      %mul3A_388 = arith.muli %add3A_217, %mul3A_387 : i32
      %add3A_389 = arith.constant 520 : i32
      %add3A_390 = arith.addi %mul3A_388, %add3A_389 : i32
      %dma_start3A_391 = arith.constant 1 : i32
      %dma_start3A_392 = arith.constant 520 : i32
      %dma_start3A_393 = arith.constant 0 : i32
      %dma_start3A_394 = tpu.memref_slice %arg6[%dma_start3A_391, %dma_start3A_392, %dma_start3A_393] : memref<2x800x32xi32, #tpu.memory_space<vmem>> -> memref<1x40x32xi32, #tpu.memory_space<vmem>>
      %dma_start3A_395 = tpu.memref_squeeze %dma_start3A_394 : memref<1x40x32xi32, #tpu.memory_space<vmem>> -> memref<40x32xi32, #tpu.memory_space<vmem>>
      %dma_start3A_396 = tpu.memref_slice %arg5[%add3A_390] : memref<25600xi32, #tpu.memory_space<vmem>> -> memref<40xi32, #tpu.memory_space<vmem>>
      %dma_start3A_397 = arith.constant 0 : i32
      %dma_start3A_398 = arith.constant 0 : i32
      %dma_start3A_399 = tpu.memref_slice %arg3[%dma_start3A_397, %dma_start3A_398] : memref<102400x32xi32, #tpu.memory_space<hbm>> -> memref<102400x32xi32, #tpu.memory_space<hbm>>
      tpu.enqueue_indirect_dma source(%dma_start3A_399 : memref<102400x32xi32, #tpu.memory_space<hbm>>) target(%dma_start3A_395 : memref<40x32xi32, #tpu.memory_space<vmem>>) offsets(%dma_start3A_396 : memref<40xi32, #tpu.memory_space<vmem>>) semaphore(%arg9 : memref<!tpu.dma_semaphore, #tpu.memory_space<semaphore_mem>>)
      %mul3A_400 = arith.constant 800 : i32
      %mul3A_401 = arith.muli %add3A_217, %mul3A_400 : i32
      %add3A_402 = arith.constant 560 : i32
      %add3A_403 = arith.addi %mul3A_401, %add3A_402 : i32
      %dma_start3A_404 = arith.constant 1 : i32
      %dma_start3A_405 = arith.constant 560 : i32
      %dma_start3A_406 = arith.constant 0 : i32
      %dma_start3A_407 = tpu.memref_slice %arg6[%dma_start3A_404, %dma_start3A_405, %dma_start3A_406] : memref<2x800x32xi32, #tpu.memory_space<vmem>> -> memref<1x40x32xi32, #tpu.memory_space<vmem>>
      %dma_start3A_408 = tpu.memref_squeeze %dma_start3A_407 : memref<1x40x32xi32, #tpu.memory_space<vmem>> -> memref<40x32xi32, #tpu.memory_space<vmem>>
      %dma_start3A_409 = tpu.memref_slice %arg5[%add3A_403] : memref<25600xi32, #tpu.memory_space<vmem>> -> memref<40xi32, #tpu.memory_space<vmem>>
      %dma_start3A_410 = arith.constant 0 : i32
      %dma_start3A_411 = arith.constant 0 : i32
      %dma_start3A_412 = tpu.memref_slice %arg3[%dma_start3A_410, %dma_start3A_411] : memref<102400x32xi32, #tpu.memory_space<hbm>> -> memref<102400x32xi32, #tpu.memory_space<hbm>>
      tpu.enqueue_indirect_dma source(%dma_start3A_412 : memref<102400x32xi32, #tpu.memory_space<hbm>>) target(%dma_start3A_408 : memref<40x32xi32, #tpu.memory_space<vmem>>) offsets(%dma_start3A_409 : memref<40xi32, #tpu.memory_space<vmem>>) semaphore(%arg9 : memref<!tpu.dma_semaphore, #tpu.memory_space<semaphore_mem>>)
      %mul3A_413 = arith.constant 800 : i32
      %mul3A_414 = arith.muli %add3A_217, %mul3A_413 : i32
      %add3A_415 = arith.constant 600 : i32
      %add3A_416 = arith.addi %mul3A_414, %add3A_415 : i32
      %dma_start3A_417 = arith.constant 1 : i32
      %dma_start3A_418 = arith.constant 600 : i32
      %dma_start3A_419 = arith.constant 0 : i32
      %dma_start3A_420 = tpu.memref_slice %arg6[%dma_start3A_417, %dma_start3A_418, %dma_start3A_419] : memref<2x800x32xi32, #tpu.memory_space<vmem>> -> memref<1x40x32xi32, #tpu.memory_space<vmem>>
      %dma_start3A_421 = tpu.memref_squeeze %dma_start3A_420 : memref<1x40x32xi32, #tpu.memory_space<vmem>> -> memref<40x32xi32, #tpu.memory_space<vmem>>
      %dma_start3A_422 = tpu.memref_slice %arg5[%add3A_416] : memref<25600xi32, #tpu.memory_space<vmem>> -> memref<40xi32, #tpu.memory_space<vmem>>
      %dma_start3A_423 = arith.constant 0 : i32
      %dma_start3A_424 = arith.constant 0 : i32
      %dma_start3A_425 = tpu.memref_slice %arg3[%dma_start3A_423, %dma_start3A_424] : memref<102400x32xi32, #tpu.memory_space<hbm>> -> memref<102400x32xi32, #tpu.memory_space<hbm>>
      tpu.enqueue_indirect_dma source(%dma_start3A_425 : memref<102400x32xi32, #tpu.memory_space<hbm>>) target(%dma_start3A_421 : memref<40x32xi32, #tpu.memory_space<vmem>>) offsets(%dma_start3A_422 : memref<40xi32, #tpu.memory_space<vmem>>) semaphore(%arg9 : memref<!tpu.dma_semaphore, #tpu.memory_space<semaphore_mem>>)
      %mul3A_426 = arith.constant 800 : i32
      %mul3A_427 = arith.muli %add3A_217, %mul3A_426 : i32
      %add3A_428 = arith.constant 640 : i32
      %add3A_429 = arith.addi %mul3A_427, %add3A_428 : i32
      %dma_start3A_430 = arith.constant 1 : i32
      %dma_start3A_431 = arith.constant 640 : i32
      %dma_start3A_432 = arith.constant 0 : i32
      %dma_start3A_433 = tpu.memref_slice %arg6[%dma_start3A_430, %dma_start3A_431, %dma_start3A_432] : memref<2x800x32xi32, #tpu.memory_space<vmem>> -> memref<1x40x32xi32, #tpu.memory_space<vmem>>
      %dma_start3A_434 = tpu.memref_squeeze %dma_start3A_433 : memref<1x40x32xi32, #tpu.memory_space<vmem>> -> memref<40x32xi32, #tpu.memory_space<vmem>>
      %dma_start3A_435 = tpu.memref_slice %arg5[%add3A_429] : memref<25600xi32, #tpu.memory_space<vmem>> -> memref<40xi32, #tpu.memory_space<vmem>>
      %dma_start3A_436 = arith.constant 0 : i32
      %dma_start3A_437 = arith.constant 0 : i32
      %dma_start3A_438 = tpu.memref_slice %arg3[%dma_start3A_436, %dma_start3A_437] : memref<102400x32xi32, #tpu.memory_space<hbm>> -> memref<102400x32xi32, #tpu.memory_space<hbm>>
      tpu.enqueue_indirect_dma source(%dma_start3A_438 : memref<102400x32xi32, #tpu.memory_space<hbm>>) target(%dma_start3A_434 : memref<40x32xi32, #tpu.memory_space<vmem>>) offsets(%dma_start3A_435 : memref<40xi32, #tpu.memory_space<vmem>>) semaphore(%arg9 : memref<!tpu.dma_semaphore, #tpu.memory_space<semaphore_mem>>)
      %mul3A_439 = arith.constant 800 : i32
      %mul3A_440 = arith.muli %add3A_217, %mul3A_439 : i32
      %add3A_441 = arith.constant 680 : i32
      %add3A_442 = arith.addi %mul3A_440, %add3A_441 : i32
      %dma_start3A_443 = arith.constant 1 : i32
      %dma_start3A_444 = arith.constant 680 : i32
      %dma_start3A_445 = arith.constant 0 : i32
      %dma_start3A_446 = tpu.memref_slice %arg6[%dma_start3A_443, %dma_start3A_444, %dma_start3A_445] : memref<2x800x32xi32, #tpu.memory_space<vmem>> -> memref<1x40x32xi32, #tpu.memory_space<vmem>>
      %dma_start3A_447 = tpu.memref_squeeze %dma_start3A_446 : memref<1x40x32xi32, #tpu.memory_space<vmem>> -> memref<40x32xi32, #tpu.memory_space<vmem>>
      %dma_start3A_448 = tpu.memref_slice %arg5[%add3A_442] : memref<25600xi32, #tpu.memory_space<vmem>> -> memref<40xi32, #tpu.memory_space<vmem>>
      %dma_start3A_449 = arith.constant 0 : i32
      %dma_start3A_450 = arith.constant 0 : i32
      %dma_start3A_451 = tpu.memref_slice %arg3[%dma_start3A_449, %dma_start3A_450] : memref<102400x32xi32, #tpu.memory_space<hbm>> -> memref<102400x32xi32, #tpu.memory_space<hbm>>
      tpu.enqueue_indirect_dma source(%dma_start3A_451 : memref<102400x32xi32, #tpu.memory_space<hbm>>) target(%dma_start3A_447 : memref<40x32xi32, #tpu.memory_space<vmem>>) offsets(%dma_start3A_448 : memref<40xi32, #tpu.memory_space<vmem>>) semaphore(%arg9 : memref<!tpu.dma_semaphore, #tpu.memory_space<semaphore_mem>>)
      %mul3A_452 = arith.constant 800 : i32
      %mul3A_453 = arith.muli %add3A_217, %mul3A_452 : i32
      %add3A_454 = arith.constant 720 : i32
      %add3A_455 = arith.addi %mul3A_453, %add3A_454 : i32
      %dma_start3A_456 = arith.constant 1 : i32
      %dma_start3A_457 = arith.constant 720 : i32
      %dma_start3A_458 = arith.constant 0 : i32
      %dma_start3A_459 = tpu.memref_slice %arg6[%dma_start3A_456, %dma_start3A_457, %dma_start3A_458] : memref<2x800x32xi32, #tpu.memory_space<vmem>> -> memref<1x40x32xi32, #tpu.memory_space<vmem>>
      %dma_start3A_460 = tpu.memref_squeeze %dma_start3A_459 : memref<1x40x32xi32, #tpu.memory_space<vmem>> -> memref<40x32xi32, #tpu.memory_space<vmem>>
      %dma_start3A_461 = tpu.memref_slice %arg5[%add3A_455] : memref<25600xi32, #tpu.memory_space<vmem>> -> memref<40xi32, #tpu.memory_space<vmem>>
      %dma_start3A_462 = arith.constant 0 : i32
      %dma_start3A_463 = arith.constant 0 : i32
      %dma_start3A_464 = tpu.memref_slice %arg3[%dma_start3A_462, %dma_start3A_463] : memref<102400x32xi32, #tpu.memory_space<hbm>> -> memref<102400x32xi32, #tpu.memory_space<hbm>>
      tpu.enqueue_indirect_dma source(%dma_start3A_464 : memref<102400x32xi32, #tpu.memory_space<hbm>>) target(%dma_start3A_460 : memref<40x32xi32, #tpu.memory_space<vmem>>) offsets(%dma_start3A_461 : memref<40xi32, #tpu.memory_space<vmem>>) semaphore(%arg9 : memref<!tpu.dma_semaphore, #tpu.memory_space<semaphore_mem>>)
      %mul3A_465 = arith.constant 800 : i32
      %mul3A_466 = arith.muli %add3A_217, %mul3A_465 : i32
      %add3A_467 = arith.constant 760 : i32
      %add3A_468 = arith.addi %mul3A_466, %add3A_467 : i32
      %dma_start3A_469 = arith.constant 1 : i32
      %dma_start3A_470 = arith.constant 760 : i32
      %dma_start3A_471 = arith.constant 0 : i32
      %dma_start3A_472 = tpu.memref_slice %arg6[%dma_start3A_469, %dma_start3A_470, %dma_start3A_471] : memref<2x800x32xi32, #tpu.memory_space<vmem>> -> memref<1x40x32xi32, #tpu.memory_space<vmem>>
      %dma_start3A_473 = tpu.memref_squeeze %dma_start3A_472 : memref<1x40x32xi32, #tpu.memory_space<vmem>> -> memref<40x32xi32, #tpu.memory_space<vmem>>
      %dma_start3A_474 = tpu.memref_slice %arg5[%add3A_468] : memref<25600xi32, #tpu.memory_space<vmem>> -> memref<40xi32, #tpu.memory_space<vmem>>
      %dma_start3A_475 = arith.constant 0 : i32
      %dma_start3A_476 = arith.constant 0 : i32
      %dma_start3A_477 = tpu.memref_slice %arg3[%dma_start3A_475, %dma_start3A_476] : memref<102400x32xi32, #tpu.memory_space<hbm>> -> memref<102400x32xi32, #tpu.memory_space<hbm>>
      tpu.enqueue_indirect_dma source(%dma_start3A_477 : memref<102400x32xi32, #tpu.memory_space<hbm>>) target(%dma_start3A_473 : memref<40x32xi32, #tpu.memory_space<vmem>>) offsets(%dma_start3A_474 : memref<40xi32, #tpu.memory_space<vmem>>) semaphore(%arg9 : memref<!tpu.dma_semaphore, #tpu.memory_space<semaphore_mem>>)
      %dma_wait3A = arith.constant 0 : i32
      %dma_wait3A_478 = arith.constant 0 : i32
      %dma_wait3A_479 = arith.constant 0 : i32
      %dma_wait3A_480 = tpu.memref_slice %arg6[%dma_wait3A, %dma_wait3A_478, %dma_wait3A_479] : memref<2x800x32xi32, #tpu.memory_space<vmem>> -> memref<1x800x32xi32, #tpu.memory_space<vmem>>
      %dma_wait3A_481 = tpu.memref_squeeze %dma_wait3A_480 : memref<1x800x32xi32, #tpu.memory_space<vmem>> -> memref<800x32xi32, #tpu.memory_space<vmem>>
      %dma_wait3A_482 = arith.constant 0 : i32
      %dma_wait3A_483 = arith.constant 0 : i32
      %dma_wait3A_484 = tpu.memref_slice %arg3[%dma_wait3A_482, %dma_wait3A_483] : memref<102400x32xi32, #tpu.memory_space<hbm>> -> memref<800x32xi32, #tpu.memory_space<hbm>>
      %dma_wait3A_485 = arith.constant 0 : i32
      %dma_wait3A_486 = arith.constant 0 : i32
      %dma_wait3A_487 = tpu.memref_slice %arg6[%dma_wait3A, %dma_wait3A_485, %dma_wait3A_486] : memref<2x800x32xi32, #tpu.memory_space<vmem>> -> memref<1x800x32xi32, #tpu.memory_space<vmem>>
      %dma_wait3A_488 = tpu.memref_squeeze %dma_wait3A_487 : memref<1x800x32xi32, #tpu.memory_space<vmem>> -> memref<800x32xi32, #tpu.memory_space<vmem>>
      %dma_wait3A_489 = arith.constant 0 : i32
      %dma_wait3A_490 = arith.constant 0 : i32
      %dma_wait3A_491 = tpu.memref_slice %arg3[%dma_wait3A_489, %dma_wait3A_490] : memref<102400x32xi32, #tpu.memory_space<hbm>> -> memref<800x32xi32, #tpu.memory_space<hbm>>
      tpu.wait_dma2 semaphore(%arg8 : memref<!tpu.dma_semaphore, #tpu.memory_space<semaphore_mem>>) src(%dma_wait3A_491 : memref<800x32xi32, #tpu.memory_space<hbm>>) dst(%dma_wait3A_488 : memref<800x32xi32, #tpu.memory_space<vmem>>)
      %mul3A_492 = arith.constant 128 : i32
      %mul3A_493 = arith.muli %add3A, %mul3A_492 : i32
      %mul3A_494 = arith.constant 4 : i32
      %mul3A_495 = arith.muli %mul3A_215, %mul3A_494 : i32
      %add3A_496 = arith.addi %mul3A_493, %mul3A_495 : i32
      %broadcast_in_dim3A = arith.constant 0.000000e+00 : f32
      %broadcast_in_dim3A_497 = vector.broadcast %broadcast_in_dim3A : f32 to vector<16xf32>
      %broadcast_in_dim3A_498 = arith.constant 0.000000e+00 : f32
      %broadcast_in_dim3A_499 = vector.broadcast %broadcast_in_dim3A_498 : f32 to vector<16xf32>
      %broadcast_in_dim3A_500 = arith.constant 0.000000e+00 : f32
      %broadcast_in_dim3A_501 = vector.broadcast %broadcast_in_dim3A_500 : f32 to vector<16xf32>
      %broadcast_in_dim3A_502 = arith.constant 0.000000e+00 : f32
      %broadcast_in_dim3A_503 = vector.broadcast %broadcast_in_dim3A_502 : f32 to vector<16xf32>
      %scan3A_504 = arith.constant 0 : i32
      %scan3A_505 = arith.constant 100 : i32
      %scan3A_506 = arith.addi %scan3A_504, %scan3A_505 : i32
      %scan3A_507 = arith.constant 1 : i32
      %scan3A_508:4 = scf.for %scan3A_857 = %scan3A_504 to %scan3A_506 step %scan3A_507 iter_args(%scan3A_858 = %broadcast_in_dim3A_497, %scan3A_859 = %broadcast_in_dim3A_499, %scan3A_860 = %broadcast_in_dim3A_501, %scan3A_861 = %broadcast_in_dim3A_503) -> (vector<16xf32>, vector<16xf32>, vector<16xf32>, vector<16xf32>)  : i32 {
        %mul3A_862 = arith.constant 2 : i32
        %mul3A_863 = arith.muli %mul3A_862, %scan3A_857 : i32
        %add3A_864 = arith.constant 0 : i32
        %add3A_865 = arith.addi %add3A_864, %mul3A_863 : i32
        %add3A_866 = arith.constant 0 : i32
        %add3A_867 = arith.addi %add3A_865, %add3A_866 : i32
        %get3A = arith.constant 0 : i32
        %get3A_868 = arith.index_cast %get3A : i32 to index
        %get3A_869 = arith.index_cast %add3A_867 : i32 to index
        %get3A_870 = arith.constant 0 : index
        %get3A_871 = tpu.vector_load %arg6[%get3A_868, %get3A_869, %get3A_870] {strides = array<i32>} : memref<2x800x32xi32, #tpu.memory_space<vmem>>, vector<16xi32>,
        %shift_left3A = arith.constant 16 : i32
        %shift_left3A_872 = vector.broadcast %shift_left3A : i32 to vector<16xi32>
        %shift_left3A_873 = arith.shli %get3A_871, %shift_left3A_872 : vector<16xi32>
        %bitcast3A = vector.bitcast %shift_left3A_873 : vector<16xi32> to vector<16xf32>
        %and3A = arith.constant -65536 : i32
        %and3A_874 = vector.broadcast %and3A : i32 to vector<16xi32>
        %and3A_875 = arith.andi %get3A_871, %and3A_874 : vector<16xi32>
        %bitcast3A_876 = vector.bitcast %and3A_875 : vector<16xi32> to vector<16xf32>
        %add3A_877 = arith.addf %scan3A_858, %bitcast3A : vector<16xf32>
        %add3A_878 = arith.addf %scan3A_859, %bitcast3A_876 : vector<16xf32>
        %get3A_879 = arith.constant 0 : i32
        %get3A_880 = arith.index_cast %get3A_879 : i32 to index
        %get3A_881 = arith.index_cast %add3A_867 : i32 to index
        %get3A_882 = arith.constant 16 : index
        %get3A_883 = tpu.vector_load %arg6[%get3A_880, %get3A_881, %get3A_882] {strides = array<i32>} : memref<2x800x32xi32, #tpu.memory_space<vmem>>, vector<16xi32>,
        %shift_left3A_884 = arith.constant 16 : i32
        %shift_left3A_885 = vector.broadcast %shift_left3A_884 : i32 to vector<16xi32>
        %shift_left3A_886 = arith.shli %get3A_883, %shift_left3A_885 : vector<16xi32>
        %bitcast3A_887 = vector.bitcast %shift_left3A_886 : vector<16xi32> to vector<16xf32>
        %and3A_888 = arith.constant -65536 : i32
        %and3A_889 = vector.broadcast %and3A_888 : i32 to vector<16xi32>
        %and3A_890 = arith.andi %get3A_883, %and3A_889 : vector<16xi32>
        %bitcast3A_891 = vector.bitcast %and3A_890 : vector<16xi32> to vector<16xf32>
        %add3A_892 = arith.addf %scan3A_860, %bitcast3A_887 : vector<16xf32>
        %add3A_893 = arith.addf %scan3A_861, %bitcast3A_891 : vector<16xf32>
        %mul3A_894 = arith.constant 2 : i32
        %mul3A_895 = arith.muli %mul3A_894, %scan3A_857 : i32
        %add3A_896 = arith.constant 0 : i32
        %add3A_897 = arith.addi %add3A_896, %mul3A_895 : i32
        %add3A_898 = arith.constant 1 : i32
        %add3A_899 = arith.addi %add3A_897, %add3A_898 : i32
        %get3A_900 = arith.constant 0 : i32
        %get3A_901 = arith.index_cast %get3A_900 : i32 to index
        %get3A_902 = arith.index_cast %add3A_899 : i32 to index
        %get3A_903 = arith.constant 0 : index
        %get3A_904 = tpu.vector_load %arg6[%get3A_901, %get3A_902, %get3A_903] {strides = array<i32>} : memref<2x800x32xi32, #tpu.memory_space<vmem>>, vector<16xi32>,
        %shift_left3A_905 = arith.constant 16 : i32
        %shift_left3A_906 = vector.broadcast %shift_left3A_905 : i32 to vector<16xi32>
        %shift_left3A_907 = arith.shli %get3A_904, %shift_left3A_906 : vector<16xi32>
        %bitcast3A_908 = vector.bitcast %shift_left3A_907 : vector<16xi32> to vector<16xf32>
        %and3A_909 = arith.constant -65536 : i32
        %and3A_910 = vector.broadcast %and3A_909 : i32 to vector<16xi32>
        %and3A_911 = arith.andi %get3A_904, %and3A_910 : vector<16xi32>
        %bitcast3A_912 = vector.bitcast %and3A_911 : vector<16xi32> to vector<16xf32>
        %add3A_913 = arith.addf %add3A_877, %bitcast3A_908 : vector<16xf32>
        %add3A_914 = arith.addf %add3A_878, %bitcast3A_912 : vector<16xf32>
        %get3A_915 = arith.constant 0 : i32
        %get3A_916 = arith.index_cast %get3A_915 : i32 to index
        %get3A_917 = arith.index_cast %add3A_899 : i32 to index
        %get3A_918 = arith.constant 16 : index
        %get3A_919 = tpu.vector_load %arg6[%get3A_916, %get3A_917, %get3A_918] {strides = array<i32>} : memref<2x800x32xi32, #tpu.memory_space<vmem>>, vector<16xi32>,
        %shift_left3A_920 = arith.constant 16 : i32
        %shift_left3A_921 = vector.broadcast %shift_left3A_920 : i32 to vector<16xi32>
        %shift_left3A_922 = arith.shli %get3A_919, %shift_left3A_921 : vector<16xi32>
        %bitcast3A_923 = vector.bitcast %shift_left3A_922 : vector<16xi32> to vector<16xf32>
        %and3A_924 = arith.constant -65536 : i32
        %and3A_925 = vector.broadcast %and3A_924 : i32 to vector<16xi32>
        %and3A_926 = arith.andi %get3A_919, %and3A_925 : vector<16xi32>
        %bitcast3A_927 = vector.bitcast %and3A_926 : vector<16xi32> to vector<16xf32>
        %add3A_928 = arith.addf %add3A_892, %bitcast3A_923 : vector<16xf32>
        %add3A_929 = arith.addf %add3A_893, %bitcast3A_927 : vector<16xf32>
        scf.yield %add3A_913, %add3A_914, %add3A_928, %add3A_929 : vector<16xf32>, vector<16xf32>, vector<16xf32>, vector<16xf32>
      }
      %scan3A_509 = arith.constant 100 : i32
      %mul3A_510 = arith.constant 5.000000e-03 : f32
      %mul3A_511 = vector.broadcast %mul3A_510 : f32 to vector<16xf32>
      %mul3A_512 = arith.mulf %scan3A_508#0, %mul3A_511 : vector<16xf32>
      %swap3A = arith.constant 0 : i32
      %swap3A_513 = arith.index_cast %swap3A : i32 to index
      %swap3A_514 = arith.constant 0 : index
      %swap3A_515 = tpu.vector_load %arg7[%swap3A_513, %swap3A_514] {strides = array<i32>} : memref<4x64xf32, #tpu.memory_space<vmem>>, vector<16xf32>,
      tpu.vector_store %arg7[%swap3A_513, %swap3A_514], %mul3A_512 {strides = array<i32>} : memref<4x64xf32, #tpu.memory_space<vmem>>, vector<16xf32>,
      %mul3A_516 = arith.constant 5.000000e-03 : f32
      %mul3A_517 = vector.broadcast %mul3A_516 : f32 to vector<16xf32>
      %mul3A_518 = arith.mulf %scan3A_508#1, %mul3A_517 : vector<16xf32>
      %swap3A_519 = arith.constant 0 : i32
      %swap3A_520 = arith.index_cast %swap3A_519 : i32 to index
      %swap3A_521 = arith.constant 16 : index
      %swap3A_522 = tpu.vector_load %arg7[%swap3A_520, %swap3A_521] {strides = array<i32>} : memref<4x64xf32, #tpu.memory_space<vmem>>, vector<16xf32>,
      tpu.vector_store %arg7[%swap3A_520, %swap3A_521], %mul3A_518 {strides = array<i32>} : memref<4x64xf32, #tpu.memory_space<vmem>>, vector<16xf32>,
      %mul3A_523 = arith.constant 5.000000e-03 : f32
      %mul3A_524 = vector.broadcast %mul3A_523 : f32 to vector<16xf32>
      %mul3A_525 = arith.mulf %scan3A_508#2, %mul3A_524 : vector<16xf32>
      %swap3A_526 = arith.constant 0 : i32
      %swap3A_527 = arith.index_cast %swap3A_526 : i32 to index
      %swap3A_528 = arith.constant 32 : index
      %swap3A_529 = tpu.vector_load %arg7[%swap3A_527, %swap3A_528] {strides = array<i32>} : memref<4x64xf32, #tpu.memory_space<vmem>>, vector<16xf32>,
      tpu.vector_store %arg7[%swap3A_527, %swap3A_528], %mul3A_525 {strides = array<i32>} : memref<4x64xf32, #tpu.memory_space<vmem>>, vector<16xf32>,
      %mul3A_530 = arith.constant 5.000000e-03 : f32
      %mul3A_531 = vector.broadcast %mul3A_530 : f32 to vector<16xf32>
      %mul3A_532 = arith.mulf %scan3A_508#3, %mul3A_531 : vector<16xf32>
      %swap3A_533 = arith.constant 0 : i32
      %swap3A_534 = arith.index_cast %swap3A_533 : i32 to index
      %swap3A_535 = arith.constant 48 : index
      %swap3A_536 = tpu.vector_load %arg7[%swap3A_534, %swap3A_535] {strides = array<i32>} : memref<4x64xf32, #tpu.memory_space<vmem>>, vector<16xf32>,
      tpu.vector_store %arg7[%swap3A_534, %swap3A_535], %mul3A_532 {strides = array<i32>} : memref<4x64xf32, #tpu.memory_space<vmem>>, vector<16xf32>,
      %broadcast_in_dim3A_537 = arith.constant 0.000000e+00 : f32
      %broadcast_in_dim3A_538 = vector.broadcast %broadcast_in_dim3A_537 : f32 to vector<16xf32>
      %broadcast_in_dim3A_539 = arith.constant 0.000000e+00 : f32
      %broadcast_in_dim3A_540 = vector.broadcast %broadcast_in_dim3A_539 : f32 to vector<16xf32>
      %broadcast_in_dim3A_541 = arith.constant 0.000000e+00 : f32
      %broadcast_in_dim3A_542 = vector.broadcast %broadcast_in_dim3A_541 : f32 to vector<16xf32>
      %broadcast_in_dim3A_543 = arith.constant 0.000000e+00 : f32
      %broadcast_in_dim3A_544 = vector.broadcast %broadcast_in_dim3A_543 : f32 to vector<16xf32>
      %scan3A_545 = arith.constant 0 : i32
      %scan3A_546 = arith.constant 100 : i32
      %scan3A_547 = arith.addi %scan3A_545, %scan3A_546 : i32
      %scan3A_548 = arith.constant 1 : i32
      %scan3A_549:4 = scf.for %scan3A_857 = %scan3A_545 to %scan3A_547 step %scan3A_548 iter_args(%scan3A_858 = %broadcast_in_dim3A_538, %scan3A_859 = %broadcast_in_dim3A_540, %scan3A_860 = %broadcast_in_dim3A_542, %scan3A_861 = %broadcast_in_dim3A_544) -> (vector<16xf32>, vector<16xf32>, vector<16xf32>, vector<16xf32>)  : i32 {
        %mul3A_862 = arith.constant 2 : i32
        %mul3A_863 = arith.muli %mul3A_862, %scan3A_857 : i32
        %add3A_864 = arith.constant 200 : i32
        %add3A_865 = arith.addi %add3A_864, %mul3A_863 : i32
        %add3A_866 = arith.constant 0 : i32
        %add3A_867 = arith.addi %add3A_865, %add3A_866 : i32
        %get3A = arith.constant 0 : i32
        %get3A_868 = arith.index_cast %get3A : i32 to index
        %get3A_869 = arith.index_cast %add3A_867 : i32 to index
        %get3A_870 = arith.constant 0 : index
        %get3A_871 = tpu.vector_load %arg6[%get3A_868, %get3A_869, %get3A_870] {strides = array<i32>} : memref<2x800x32xi32, #tpu.memory_space<vmem>>, vector<16xi32>,
        %shift_left3A = arith.constant 16 : i32
        %shift_left3A_872 = vector.broadcast %shift_left3A : i32 to vector<16xi32>
        %shift_left3A_873 = arith.shli %get3A_871, %shift_left3A_872 : vector<16xi32>
        %bitcast3A = vector.bitcast %shift_left3A_873 : vector<16xi32> to vector<16xf32>
        %and3A = arith.constant -65536 : i32
        %and3A_874 = vector.broadcast %and3A : i32 to vector<16xi32>
        %and3A_875 = arith.andi %get3A_871, %and3A_874 : vector<16xi32>
        %bitcast3A_876 = vector.bitcast %and3A_875 : vector<16xi32> to vector<16xf32>
        %add3A_877 = arith.addf %scan3A_858, %bitcast3A : vector<16xf32>
        %add3A_878 = arith.addf %scan3A_859, %bitcast3A_876 : vector<16xf32>
        %get3A_879 = arith.constant 0 : i32
        %get3A_880 = arith.index_cast %get3A_879 : i32 to index
        %get3A_881 = arith.index_cast %add3A_867 : i32 to index
        %get3A_882 = arith.constant 16 : index
        %get3A_883 = tpu.vector_load %arg6[%get3A_880, %get3A_881, %get3A_882] {strides = array<i32>} : memref<2x800x32xi32, #tpu.memory_space<vmem>>, vector<16xi32>,
        %shift_left3A_884 = arith.constant 16 : i32
        %shift_left3A_885 = vector.broadcast %shift_left3A_884 : i32 to vector<16xi32>
        %shift_left3A_886 = arith.shli %get3A_883, %shift_left3A_885 : vector<16xi32>
        %bitcast3A_887 = vector.bitcast %shift_left3A_886 : vector<16xi32> to vector<16xf32>
        %and3A_888 = arith.constant -65536 : i32
        %and3A_889 = vector.broadcast %and3A_888 : i32 to vector<16xi32>
        %and3A_890 = arith.andi %get3A_883, %and3A_889 : vector<16xi32>
        %bitcast3A_891 = vector.bitcast %and3A_890 : vector<16xi32> to vector<16xf32>
        %add3A_892 = arith.addf %scan3A_860, %bitcast3A_887 : vector<16xf32>
        %add3A_893 = arith.addf %scan3A_861, %bitcast3A_891 : vector<16xf32>
        %mul3A_894 = arith.constant 2 : i32
        %mul3A_895 = arith.muli %mul3A_894, %scan3A_857 : i32
        %add3A_896 = arith.constant 200 : i32
        %add3A_897 = arith.addi %add3A_896, %mul3A_895 : i32
        %add3A_898 = arith.constant 1 : i32
        %add3A_899 = arith.addi %add3A_897, %add3A_898 : i32
        %get3A_900 = arith.constant 0 : i32
        %get3A_901 = arith.index_cast %get3A_900 : i32 to index
        %get3A_902 = arith.index_cast %add3A_899 : i32 to index
        %get3A_903 = arith.constant 0 : index
        %get3A_904 = tpu.vector_load %arg6[%get3A_901, %get3A_902, %get3A_903] {strides = array<i32>} : memref<2x800x32xi32, #tpu.memory_space<vmem>>, vector<16xi32>,
        %shift_left3A_905 = arith.constant 16 : i32
        %shift_left3A_906 = vector.broadcast %shift_left3A_905 : i32 to vector<16xi32>
        %shift_left3A_907 = arith.shli %get3A_904, %shift_left3A_906 : vector<16xi32>
        %bitcast3A_908 = vector.bitcast %shift_left3A_907 : vector<16xi32> to vector<16xf32>
        %and3A_909 = arith.constant -65536 : i32
        %and3A_910 = vector.broadcast %and3A_909 : i32 to vector<16xi32>
        %and3A_911 = arith.andi %get3A_904, %and3A_910 : vector<16xi32>
        %bitcast3A_912 = vector.bitcast %and3A_911 : vector<16xi32> to vector<16xf32>
        %add3A_913 = arith.addf %add3A_877, %bitcast3A_908 : vector<16xf32>
        %add3A_914 = arith.addf %add3A_878, %bitcast3A_912 : vector<16xf32>
        %get3A_915 = arith.constant 0 : i32
        %get3A_916 = arith.index_cast %get3A_915 : i32 to index
        %get3A_917 = arith.index_cast %add3A_899 : i32 to index
        %get3A_918 = arith.constant 16 : index
        %get3A_919 = tpu.vector_load %arg6[%get3A_916, %get3A_917, %get3A_918] {strides = array<i32>} : memref<2x800x32xi32, #tpu.memory_space<vmem>>, vector<16xi32>,
        %shift_left3A_920 = arith.constant 16 : i32
        %shift_left3A_921 = vector.broadcast %shift_left3A_920 : i32 to vector<16xi32>
        %shift_left3A_922 = arith.shli %get3A_919, %shift_left3A_921 : vector<16xi32>
        %bitcast3A_923 = vector.bitcast %shift_left3A_922 : vector<16xi32> to vector<16xf32>
        %and3A_924 = arith.constant -65536 : i32
        %and3A_925 = vector.broadcast %and3A_924 : i32 to vector<16xi32>
        %and3A_926 = arith.andi %get3A_919, %and3A_925 : vector<16xi32>
        %bitcast3A_927 = vector.bitcast %and3A_926 : vector<16xi32> to vector<16xf32>
        %add3A_928 = arith.addf %add3A_892, %bitcast3A_923 : vector<16xf32>
        %add3A_929 = arith.addf %add3A_893, %bitcast3A_927 : vector<16xf32>
        scf.yield %add3A_913, %add3A_914, %add3A_928, %add3A_929 : vector<16xf32>, vector<16xf32>, vector<16xf32>, vector<16xf32>
      }
      %scan3A_550 = arith.constant 100 : i32
      %mul3A_551 = arith.constant 5.000000e-03 : f32
      %mul3A_552 = vector.broadcast %mul3A_551 : f32 to vector<16xf32>
      %mul3A_553 = arith.mulf %scan3A_549#0, %mul3A_552 : vector<16xf32>
      %swap3A_554 = arith.constant 1 : i32
      %swap3A_555 = arith.index_cast %swap3A_554 : i32 to index
      %swap3A_556 = arith.constant 0 : index
      %swap3A_557 = tpu.vector_load %arg7[%swap3A_555, %swap3A_556] {strides = array<i32>} : memref<4x64xf32, #tpu.memory_space<vmem>>, vector<16xf32>,
      tpu.vector_store %arg7[%swap3A_555, %swap3A_556], %mul3A_553 {strides = array<i32>} : memref<4x64xf32, #tpu.memory_space<vmem>>, vector<16xf32>,
      %mul3A_558 = arith.constant 5.000000e-03 : f32
      %mul3A_559 = vector.broadcast %mul3A_558 : f32 to vector<16xf32>
      %mul3A_560 = arith.mulf %scan3A_549#1, %mul3A_559 : vector<16xf32>
      %swap3A_561 = arith.constant 1 : i32
      %swap3A_562 = arith.index_cast %swap3A_561 : i32 to index
      %swap3A_563 = arith.constant 16 : index
      %swap3A_564 = tpu.vector_load %arg7[%swap3A_562, %swap3A_563] {strides = array<i32>} : memref<4x64xf32, #tpu.memory_space<vmem>>, vector<16xf32>,
      tpu.vector_store %arg7[%swap3A_562, %swap3A_563], %mul3A_560 {strides = array<i32>} : memref<4x64xf32, #tpu.memory_space<vmem>>, vector<16xf32>,
      %mul3A_565 = arith.constant 5.000000e-03 : f32
      %mul3A_566 = vector.broadcast %mul3A_565 : f32 to vector<16xf32>
      %mul3A_567 = arith.mulf %scan3A_549#2, %mul3A_566 : vector<16xf32>
      %swap3A_568 = arith.constant 1 : i32
      %swap3A_569 = arith.index_cast %swap3A_568 : i32 to index
      %swap3A_570 = arith.constant 32 : index
      %swap3A_571 = tpu.vector_load %arg7[%swap3A_569, %swap3A_570] {strides = array<i32>} : memref<4x64xf32, #tpu.memory_space<vmem>>, vector<16xf32>,
      tpu.vector_store %arg7[%swap3A_569, %swap3A_570], %mul3A_567 {strides = array<i32>} : memref<4x64xf32, #tpu.memory_space<vmem>>, vector<16xf32>,
      %mul3A_572 = arith.constant 5.000000e-03 : f32
      %mul3A_573 = vector.broadcast %mul3A_572 : f32 to vector<16xf32>
      %mul3A_574 = arith.mulf %scan3A_549#3, %mul3A_573 : vector<16xf32>
      %swap3A_575 = arith.constant 1 : i32
      %swap3A_576 = arith.index_cast %swap3A_575 : i32 to index
      %swap3A_577 = arith.constant 48 : index
      %swap3A_578 = tpu.vector_load %arg7[%swap3A_576, %swap3A_577] {strides = array<i32>} : memref<4x64xf32, #tpu.memory_space<vmem>>, vector<16xf32>,
      tpu.vector_store %arg7[%swap3A_576, %swap3A_577], %mul3A_574 {strides = array<i32>} : memref<4x64xf32, #tpu.memory_space<vmem>>, vector<16xf32>,
      %broadcast_in_dim3A_579 = arith.constant 0.000000e+00 : f32
      %broadcast_in_dim3A_580 = vector.broadcast %broadcast_in_dim3A_579 : f32 to vector<16xf32>
      %broadcast_in_dim3A_581 = arith.constant 0.000000e+00 : f32
      %broadcast_in_dim3A_582 = vector.broadcast %broadcast_in_dim3A_581 : f32 to vector<16xf32>
      %broadcast_in_dim3A_583 = arith.constant 0.000000e+00 : f32
      %broadcast_in_dim3A_584 = vector.broadcast %broadcast_in_dim3A_583 : f32 to vector<16xf32>
      %broadcast_in_dim3A_585 = arith.constant 0.000000e+00 : f32
      %broadcast_in_dim3A_586 = vector.broadcast %broadcast_in_dim3A_585 : f32 to vector<16xf32>
      %scan3A_587 = arith.constant 0 : i32
      %scan3A_588 = arith.constant 100 : i32
      %scan3A_589 = arith.addi %scan3A_587, %scan3A_588 : i32
      %scan3A_590 = arith.constant 1 : i32
      %scan3A_591:4 = scf.for %scan3A_857 = %scan3A_587 to %scan3A_589 step %scan3A_590 iter_args(%scan3A_858 = %broadcast_in_dim3A_580, %scan3A_859 = %broadcast_in_dim3A_582, %scan3A_860 = %broadcast_in_dim3A_584, %scan3A_861 = %broadcast_in_dim3A_586) -> (vector<16xf32>, vector<16xf32>, vector<16xf32>, vector<16xf32>)  : i32 {
        %mul3A_862 = arith.constant 2 : i32
        %mul3A_863 = arith.muli %mul3A_862, %scan3A_857 : i32
        %add3A_864 = arith.constant 400 : i32
        %add3A_865 = arith.addi %add3A_864, %mul3A_863 : i32
        %add3A_866 = arith.constant 0 : i32
        %add3A_867 = arith.addi %add3A_865, %add3A_866 : i32
        %get3A = arith.constant 0 : i32
        %get3A_868 = arith.index_cast %get3A : i32 to index
        %get3A_869 = arith.index_cast %add3A_867 : i32 to index
        %get3A_870 = arith.constant 0 : index
        %get3A_871 = tpu.vector_load %arg6[%get3A_868, %get3A_869, %get3A_870] {strides = array<i32>} : memref<2x800x32xi32, #tpu.memory_space<vmem>>, vector<16xi32>,
        %shift_left3A = arith.constant 16 : i32
        %shift_left3A_872 = vector.broadcast %shift_left3A : i32 to vector<16xi32>
        %shift_left3A_873 = arith.shli %get3A_871, %shift_left3A_872 : vector<16xi32>
        %bitcast3A = vector.bitcast %shift_left3A_873 : vector<16xi32> to vector<16xf32>
        %and3A = arith.constant -65536 : i32
        %and3A_874 = vector.broadcast %and3A : i32 to vector<16xi32>
        %and3A_875 = arith.andi %get3A_871, %and3A_874 : vector<16xi32>
        %bitcast3A_876 = vector.bitcast %and3A_875 : vector<16xi32> to vector<16xf32>
        %add3A_877 = arith.addf %scan3A_858, %bitcast3A : vector<16xf32>
        %add3A_878 = arith.addf %scan3A_859, %bitcast3A_876 : vector<16xf32>
        %get3A_879 = arith.constant 0 : i32
        %get3A_880 = arith.index_cast %get3A_879 : i32 to index
        %get3A_881 = arith.index_cast %add3A_867 : i32 to index
        %get3A_882 = arith.constant 16 : index
        %get3A_883 = tpu.vector_load %arg6[%get3A_880, %get3A_881, %get3A_882] {strides = array<i32>} : memref<2x800x32xi32, #tpu.memory_space<vmem>>, vector<16xi32>,
        %shift_left3A_884 = arith.constant 16 : i32
        %shift_left3A_885 = vector.broadcast %shift_left3A_884 : i32 to vector<16xi32>
        %shift_left3A_886 = arith.shli %get3A_883, %shift_left3A_885 : vector<16xi32>
        %bitcast3A_887 = vector.bitcast %shift_left3A_886 : vector<16xi32> to vector<16xf32>
        %and3A_888 = arith.constant -65536 : i32
        %and3A_889 = vector.broadcast %and3A_888 : i32 to vector<16xi32>
        %and3A_890 = arith.andi %get3A_883, %and3A_889 : vector<16xi32>
        %bitcast3A_891 = vector.bitcast %and3A_890 : vector<16xi32> to vector<16xf32>
        %add3A_892 = arith.addf %scan3A_860, %bitcast3A_887 : vector<16xf32>
        %add3A_893 = arith.addf %scan3A_861, %bitcast3A_891 : vector<16xf32>
        %mul3A_894 = arith.constant 2 : i32
        %mul3A_895 = arith.muli %mul3A_894, %scan3A_857 : i32
        %add3A_896 = arith.constant 400 : i32
        %add3A_897 = arith.addi %add3A_896, %mul3A_895 : i32
        %add3A_898 = arith.constant 1 : i32
        %add3A_899 = arith.addi %add3A_897, %add3A_898 : i32
        %get3A_900 = arith.constant 0 : i32
        %get3A_901 = arith.index_cast %get3A_900 : i32 to index
        %get3A_902 = arith.index_cast %add3A_899 : i32 to index
        %get3A_903 = arith.constant 0 : index
        %get3A_904 = tpu.vector_load %arg6[%get3A_901, %get3A_902, %get3A_903] {strides = array<i32>} : memref<2x800x32xi32, #tpu.memory_space<vmem>>, vector<16xi32>,
        %shift_left3A_905 = arith.constant 16 : i32
        %shift_left3A_906 = vector.broadcast %shift_left3A_905 : i32 to vector<16xi32>
        %shift_left3A_907 = arith.shli %get3A_904, %shift_left3A_906 : vector<16xi32>
        %bitcast3A_908 = vector.bitcast %shift_left3A_907 : vector<16xi32> to vector<16xf32>
        %and3A_909 = arith.constant -65536 : i32
        %and3A_910 = vector.broadcast %and3A_909 : i32 to vector<16xi32>
        %and3A_911 = arith.andi %get3A_904, %and3A_910 : vector<16xi32>
        %bitcast3A_912 = vector.bitcast %and3A_911 : vector<16xi32> to vector<16xf32>
        %add3A_913 = arith.addf %add3A_877, %bitcast3A_908 : vector<16xf32>
        %add3A_914 = arith.addf %add3A_878, %bitcast3A_912 : vector<16xf32>
        %get3A_915 = arith.constant 0 : i32
        %get3A_916 = arith.index_cast %get3A_915 : i32 to index
        %get3A_917 = arith.index_cast %add3A_899 : i32 to index
        %get3A_918 = arith.constant 16 : index
        %get3A_919 = tpu.vector_load %arg6[%get3A_916, %get3A_917, %get3A_918] {strides = array<i32>} : memref<2x800x32xi32, #tpu.memory_space<vmem>>, vector<16xi32>,
        %shift_left3A_920 = arith.constant 16 : i32
        %shift_left3A_921 = vector.broadcast %shift_left3A_920 : i32 to vector<16xi32>
        %shift_left3A_922 = arith.shli %get3A_919, %shift_left3A_921 : vector<16xi32>
        %bitcast3A_923 = vector.bitcast %shift_left3A_922 : vector<16xi32> to vector<16xf32>
        %and3A_924 = arith.constant -65536 : i32
        %and3A_925 = vector.broadcast %and3A_924 : i32 to vector<16xi32>
        %and3A_926 = arith.andi %get3A_919, %and3A_925 : vector<16xi32>
        %bitcast3A_927 = vector.bitcast %and3A_926 : vector<16xi32> to vector<16xf32>
        %add3A_928 = arith.addf %add3A_892, %bitcast3A_923 : vector<16xf32>
        %add3A_929 = arith.addf %add3A_893, %bitcast3A_927 : vector<16xf32>
        scf.yield %add3A_913, %add3A_914, %add3A_928, %add3A_929 : vector<16xf32>, vector<16xf32>, vector<16xf32>, vector<16xf32>
      }
      %scan3A_592 = arith.constant 100 : i32
      %mul3A_593 = arith.constant 5.000000e-03 : f32
      %mul3A_594 = vector.broadcast %mul3A_593 : f32 to vector<16xf32>
      %mul3A_595 = arith.mulf %scan3A_591#0, %mul3A_594 : vector<16xf32>
      %swap3A_596 = arith.constant 2 : i32
      %swap3A_597 = arith.index_cast %swap3A_596 : i32 to index
      %swap3A_598 = arith.constant 0 : index
      %swap3A_599 = tpu.vector_load %arg7[%swap3A_597, %swap3A_598] {strides = array<i32>} : memref<4x64xf32, #tpu.memory_space<vmem>>, vector<16xf32>,
      tpu.vector_store %arg7[%swap3A_597, %swap3A_598], %mul3A_595 {strides = array<i32>} : memref<4x64xf32, #tpu.memory_space<vmem>>, vector<16xf32>,
      %mul3A_600 = arith.constant 5.000000e-03 : f32
      %mul3A_601 = vector.broadcast %mul3A_600 : f32 to vector<16xf32>
      %mul3A_602 = arith.mulf %scan3A_591#1, %mul3A_601 : vector<16xf32>
      %swap3A_603 = arith.constant 2 : i32
      %swap3A_604 = arith.index_cast %swap3A_603 : i32 to index
      %swap3A_605 = arith.constant 16 : index
      %swap3A_606 = tpu.vector_load %arg7[%swap3A_604, %swap3A_605] {strides = array<i32>} : memref<4x64xf32, #tpu.memory_space<vmem>>, vector<16xf32>,
      tpu.vector_store %arg7[%swap3A_604, %swap3A_605], %mul3A_602 {strides = array<i32>} : memref<4x64xf32, #tpu.memory_space<vmem>>, vector<16xf32>,
      %mul3A_607 = arith.constant 5.000000e-03 : f32
      %mul3A_608 = vector.broadcast %mul3A_607 : f32 to vector<16xf32>
      %mul3A_609 = arith.mulf %scan3A_591#2, %mul3A_608 : vector<16xf32>
      %swap3A_610 = arith.constant 2 : i32
      %swap3A_611 = arith.index_cast %swap3A_610 : i32 to index
      %swap3A_612 = arith.constant 32 : index
      %swap3A_613 = tpu.vector_load %arg7[%swap3A_611, %swap3A_612] {strides = array<i32>} : memref<4x64xf32, #tpu.memory_space<vmem>>, vector<16xf32>,
      tpu.vector_store %arg7[%swap3A_611, %swap3A_612], %mul3A_609 {strides = array<i32>} : memref<4x64xf32, #tpu.memory_space<vmem>>, vector<16xf32>,
      %mul3A_614 = arith.constant 5.000000e-03 : f32
      %mul3A_615 = vector.broadcast %mul3A_614 : f32 to vector<16xf32>
      %mul3A_616 = arith.mulf %scan3A_591#3, %mul3A_615 : vector<16xf32>
      %swap3A_617 = arith.constant 2 : i32
      %swap3A_618 = arith.index_cast %swap3A_617 : i32 to index
      %swap3A_619 = arith.constant 48 : index
      %swap3A_620 = tpu.vector_load %arg7[%swap3A_618, %swap3A_619] {strides = array<i32>} : memref<4x64xf32, #tpu.memory_space<vmem>>, vector<16xf32>,
      tpu.vector_store %arg7[%swap3A_618, %swap3A_619], %mul3A_616 {strides = array<i32>} : memref<4x64xf32, #tpu.memory_space<vmem>>, vector<16xf32>,
      %broadcast_in_dim3A_621 = arith.constant 0.000000e+00 : f32
      %broadcast_in_dim3A_622 = vector.broadcast %broadcast_in_dim3A_621 : f32 to vector<16xf32>
      %broadcast_in_dim3A_623 = arith.constant 0.000000e+00 : f32
      %broadcast_in_dim3A_624 = vector.broadcast %broadcast_in_dim3A_623 : f32 to vector<16xf32>
      %broadcast_in_dim3A_625 = arith.constant 0.000000e+00 : f32
      %broadcast_in_dim3A_626 = vector.broadcast %broadcast_in_dim3A_625 : f32 to vector<16xf32>
      %broadcast_in_dim3A_627 = arith.constant 0.000000e+00 : f32
      %broadcast_in_dim3A_628 = vector.broadcast %broadcast_in_dim3A_627 : f32 to vector<16xf32>
      %scan3A_629 = arith.constant 0 : i32
      %scan3A_630 = arith.constant 100 : i32
      %scan3A_631 = arith.addi %scan3A_629, %scan3A_630 : i32
      %scan3A_632 = arith.constant 1 : i32
      %scan3A_633:4 = scf.for %scan3A_857 = %scan3A_629 to %scan3A_631 step %scan3A_632 iter_args(%scan3A_858 = %broadcast_in_dim3A_622, %scan3A_859 = %broadcast_in_dim3A_624, %scan3A_860 = %broadcast_in_dim3A_626, %scan3A_861 = %broadcast_in_dim3A_628) -> (vector<16xf32>, vector<16xf32>, vector<16xf32>, vector<16xf32>)  : i32 {
        %mul3A_862 = arith.constant 2 : i32
        %mul3A_863 = arith.muli %mul3A_862, %scan3A_857 : i32
        %add3A_864 = arith.constant 600 : i32
        %add3A_865 = arith.addi %add3A_864, %mul3A_863 : i32
        %add3A_866 = arith.constant 0 : i32
        %add3A_867 = arith.addi %add3A_865, %add3A_866 : i32
        %get3A = arith.constant 0 : i32
        %get3A_868 = arith.index_cast %get3A : i32 to index
        %get3A_869 = arith.index_cast %add3A_867 : i32 to index
        %get3A_870 = arith.constant 0 : index
        %get3A_871 = tpu.vector_load %arg6[%get3A_868, %get3A_869, %get3A_870] {strides = array<i32>} : memref<2x800x32xi32, #tpu.memory_space<vmem>>, vector<16xi32>,
        %shift_left3A = arith.constant 16 : i32
        %shift_left3A_872 = vector.broadcast %shift_left3A : i32 to vector<16xi32>
        %shift_left3A_873 = arith.shli %get3A_871, %shift_left3A_872 : vector<16xi32>
        %bitcast3A = vector.bitcast %shift_left3A_873 : vector<16xi32> to vector<16xf32>
        %and3A = arith.constant -65536 : i32
        %and3A_874 = vector.broadcast %and3A : i32 to vector<16xi32>
        %and3A_875 = arith.andi %get3A_871, %and3A_874 : vector<16xi32>
        %bitcast3A_876 = vector.bitcast %and3A_875 : vector<16xi32> to vector<16xf32>
        %add3A_877 = arith.addf %scan3A_858, %bitcast3A : vector<16xf32>
        %add3A_878 = arith.addf %scan3A_859, %bitcast3A_876 : vector<16xf32>
        %get3A_879 = arith.constant 0 : i32
        %get3A_880 = arith.index_cast %get3A_879 : i32 to index
        %get3A_881 = arith.index_cast %add3A_867 : i32 to index
        %get3A_882 = arith.constant 16 : index
        %get3A_883 = tpu.vector_load %arg6[%get3A_880, %get3A_881, %get3A_882] {strides = array<i32>} : memref<2x800x32xi32, #tpu.memory_space<vmem>>, vector<16xi32>,
        %shift_left3A_884 = arith.constant 16 : i32
        %shift_left3A_885 = vector.broadcast %shift_left3A_884 : i32 to vector<16xi32>
        %shift_left3A_886 = arith.shli %get3A_883, %shift_left3A_885 : vector<16xi32>
        %bitcast3A_887 = vector.bitcast %shift_left3A_886 : vector<16xi32> to vector<16xf32>
        %and3A_888 = arith.constant -65536 : i32
        %and3A_889 = vector.broadcast %and3A_888 : i32 to vector<16xi32>
        %and3A_890 = arith.andi %get3A_883, %and3A_889 : vector<16xi32>
        %bitcast3A_891 = vector.bitcast %and3A_890 : vector<16xi32> to vector<16xf32>
        %add3A_892 = arith.addf %scan3A_860, %bitcast3A_887 : vector<16xf32>
        %add3A_893 = arith.addf %scan3A_861, %bitcast3A_891 : vector<16xf32>
        %mul3A_894 = arith.constant 2 : i32
        %mul3A_895 = arith.muli %mul3A_894, %scan3A_857 : i32
        %add3A_896 = arith.constant 600 : i32
        %add3A_897 = arith.addi %add3A_896, %mul3A_895 : i32
        %add3A_898 = arith.constant 1 : i32
        %add3A_899 = arith.addi %add3A_897, %add3A_898 : i32
        %get3A_900 = arith.constant 0 : i32
        %get3A_901 = arith.index_cast %get3A_900 : i32 to index
        %get3A_902 = arith.index_cast %add3A_899 : i32 to index
        %get3A_903 = arith.constant 0 : index
        %get3A_904 = tpu.vector_load %arg6[%get3A_901, %get3A_902, %get3A_903] {strides = array<i32>} : memref<2x800x32xi32, #tpu.memory_space<vmem>>, vector<16xi32>,
        %shift_left3A_905 = arith.constant 16 : i32
        %shift_left3A_906 = vector.broadcast %shift_left3A_905 : i32 to vector<16xi32>
        %shift_left3A_907 = arith.shli %get3A_904, %shift_left3A_906 : vector<16xi32>
        %bitcast3A_908 = vector.bitcast %shift_left3A_907 : vector<16xi32> to vector<16xf32>
        %and3A_909 = arith.constant -65536 : i32
        %and3A_910 = vector.broadcast %and3A_909 : i32 to vector<16xi32>
        %and3A_911 = arith.andi %get3A_904, %and3A_910 : vector<16xi32>
        %bitcast3A_912 = vector.bitcast %and3A_911 : vector<16xi32> to vector<16xf32>
        %add3A_913 = arith.addf %add3A_877, %bitcast3A_908 : vector<16xf32>
        %add3A_914 = arith.addf %add3A_878, %bitcast3A_912 : vector<16xf32>
        %get3A_915 = arith.constant 0 : i32
        %get3A_916 = arith.index_cast %get3A_915 : i32 to index
        %get3A_917 = arith.index_cast %add3A_899 : i32 to index
        %get3A_918 = arith.constant 16 : index
        %get3A_919 = tpu.vector_load %arg6[%get3A_916, %get3A_917, %get3A_918] {strides = array<i32>} : memref<2x800x32xi32, #tpu.memory_space<vmem>>, vector<16xi32>,
        %shift_left3A_920 = arith.constant 16 : i32
        %shift_left3A_921 = vector.broadcast %shift_left3A_920 : i32 to vector<16xi32>
        %shift_left3A_922 = arith.shli %get3A_919, %shift_left3A_921 : vector<16xi32>
        %bitcast3A_923 = vector.bitcast %shift_left3A_922 : vector<16xi32> to vector<16xf32>
        %and3A_924 = arith.constant -65536 : i32
        %and3A_925 = vector.broadcast %and3A_924 : i32 to vector<16xi32>
        %and3A_926 = arith.andi %get3A_919, %and3A_925 : vector<16xi32>
        %bitcast3A_927 = vector.bitcast %and3A_926 : vector<16xi32> to vector<16xf32>
        %add3A_928 = arith.addf %add3A_892, %bitcast3A_923 : vector<16xf32>
        %add3A_929 = arith.addf %add3A_893, %bitcast3A_927 : vector<16xf32>
        scf.yield %add3A_913, %add3A_914, %add3A_928, %add3A_929 : vector<16xf32>, vector<16xf32>, vector<16xf32>, vector<16xf32>
      }
      %scan3A_634 = arith.constant 100 : i32
      %mul3A_635 = arith.constant 5.000000e-03 : f32
      %mul3A_636 = vector.broadcast %mul3A_635 : f32 to vector<16xf32>
      %mul3A_637 = arith.mulf %scan3A_633#0, %mul3A_636 : vector<16xf32>
      %swap3A_638 = arith.constant 3 : i32
      %swap3A_639 = arith.index_cast %swap3A_638 : i32 to index
      %swap3A_640 = arith.constant 0 : index
      %swap3A_641 = tpu.vector_load %arg7[%swap3A_639, %swap3A_640] {strides = array<i32>} : memref<4x64xf32, #tpu.memory_space<vmem>>, vector<16xf32>,
      tpu.vector_store %arg7[%swap3A_639, %swap3A_640], %mul3A_637 {strides = array<i32>} : memref<4x64xf32, #tpu.memory_space<vmem>>, vector<16xf32>,
      %mul3A_642 = arith.constant 5.000000e-03 : f32
      %mul3A_643 = vector.broadcast %mul3A_642 : f32 to vector<16xf32>
      %mul3A_644 = arith.mulf %scan3A_633#1, %mul3A_643 : vector<16xf32>
      %swap3A_645 = arith.constant 3 : i32
      %swap3A_646 = arith.index_cast %swap3A_645 : i32 to index
      %swap3A_647 = arith.constant 16 : index
      %swap3A_648 = tpu.vector_load %arg7[%swap3A_646, %swap3A_647] {strides = array<i32>} : memref<4x64xf32, #tpu.memory_space<vmem>>, vector<16xf32>,
      tpu.vector_store %arg7[%swap3A_646, %swap3A_647], %mul3A_644 {strides = array<i32>} : memref<4x64xf32, #tpu.memory_space<vmem>>, vector<16xf32>,
      %mul3A_649 = arith.constant 5.000000e-03 : f32
      %mul3A_650 = vector.broadcast %mul3A_649 : f32 to vector<16xf32>
      %mul3A_651 = arith.mulf %scan3A_633#2, %mul3A_650 : vector<16xf32>
      %swap3A_652 = arith.constant 3 : i32
      %swap3A_653 = arith.index_cast %swap3A_652 : i32 to index
      %swap3A_654 = arith.constant 32 : index
      %swap3A_655 = tpu.vector_load %arg7[%swap3A_653, %swap3A_654] {strides = array<i32>} : memref<4x64xf32, #tpu.memory_space<vmem>>, vector<16xf32>,
      tpu.vector_store %arg7[%swap3A_653, %swap3A_654], %mul3A_651 {strides = array<i32>} : memref<4x64xf32, #tpu.memory_space<vmem>>, vector<16xf32>,
      %mul3A_656 = arith.constant 5.000000e-03 : f32
      %mul3A_657 = vector.broadcast %mul3A_656 : f32 to vector<16xf32>
      %mul3A_658 = arith.mulf %scan3A_633#3, %mul3A_657 : vector<16xf32>
      %swap3A_659 = arith.constant 3 : i32
      %swap3A_660 = arith.index_cast %swap3A_659 : i32 to index
      %swap3A_661 = arith.constant 48 : index
      %swap3A_662 = tpu.vector_load %arg7[%swap3A_660, %swap3A_661] {strides = array<i32>} : memref<4x64xf32, #tpu.memory_space<vmem>>, vector<16xf32>,
      tpu.vector_store %arg7[%swap3A_660, %swap3A_661], %mul3A_658 {strides = array<i32>} : memref<4x64xf32, #tpu.memory_space<vmem>>, vector<16xf32>,
      "tpu.region"() ({
        %run_scoped3A = tpu.sem_alloc : memref<!tpu.dma_semaphore, #tpu.memory_space<semaphore_mem>>
        %dma_start3A_857 = arith.constant 0 : i32
        %dma_start3A_858 = tpu.memref_slice %arg4[%add3A_496, %dma_start3A_857] : memref<4096x64xf32, #tpu.memory_space<hbm>> -> memref<4x64xf32, #tpu.memory_space<hbm>>
        %dma_start3A_859 = arith.constant 0 : i32
        %dma_start3A_860 = tpu.memref_slice %arg4[%add3A_496, %dma_start3A_859] : memref<4096x64xf32, #tpu.memory_space<hbm>> -> memref<4x64xf32, #tpu.memory_space<hbm>>
        tpu.enqueue_dma source(%arg7 : memref<4x64xf32, #tpu.memory_space<vmem>>) target(%dma_start3A_860 : memref<4x64xf32, #tpu.memory_space<hbm>>) target_semaphore(%run_scoped3A : memref<!tpu.dma_semaphore, #tpu.memory_space<semaphore_mem>>)
        %dma_wait3A_861 = arith.constant 0 : i32
        %dma_wait3A_862 = tpu.memref_slice %arg4[%add3A_496, %dma_wait3A_861] : memref<4096x64xf32, #tpu.memory_space<hbm>> -> memref<4x64xf32, #tpu.memory_space<hbm>>
        %dma_wait3A_863 = arith.constant 0 : i32
        %dma_wait3A_864 = tpu.memref_slice %arg4[%add3A_496, %dma_wait3A_863] : memref<4096x64xf32, #tpu.memory_space<hbm>> -> memref<4x64xf32, #tpu.memory_space<hbm>>
        tpu.wait_dma2 semaphore(%run_scoped3A : memref<!tpu.dma_semaphore, #tpu.memory_space<semaphore_mem>>) src(%arg7 : memref<4x64xf32, #tpu.memory_space<vmem>>) dst(%dma_wait3A_864 : memref<4x64xf32, #tpu.memory_space<hbm>>)
        tpu.yield
      }) : () -> ()
      %add3A_663 = arith.constant 2 : i32
      %add3A_664 = arith.addi %mul3A_215, %add3A_663 : i32
      %lt3A = arith.constant 32 : i32
      %lt3A_665 = arith.cmpi slt, %add3A_664, %lt3A : i32
      %convert_element_type3A = arith.extui %lt3A_665 : i1 to i32
      %cond3A = arith.constant 0 : i32
      %cond3A_666 = arith.cmpi ne, %convert_element_type3A, %cond3A : i32
      scf.if %cond3A_666 {
        %add3A_857 = arith.constant 2 : i32
        %add3A_858 = arith.addi %mul3A_215, %add3A_857 : i32
        %mul3A_859 = arith.constant 800 : i32
        %mul3A_860 = arith.muli %add3A_858, %mul3A_859 : i32
        %add3A_861 = arith.constant 0 : i32
        %add3A_862 = arith.addi %mul3A_860, %add3A_861 : i32
        %dma_start3A_863 = arith.constant 0 : i32
        %dma_start3A_864 = arith.constant 0 : i32
        %dma_start3A_865 = arith.constant 0 : i32
        %dma_start3A_866 = tpu.memref_slice %arg6[%dma_start3A_863, %dma_start3A_864, %dma_start3A_865] : memref<2x800x32xi32, #tpu.memory_space<vmem>> -> memref<1x40x32xi32, #tpu.memory_space<vmem>>
        %dma_start3A_867 = tpu.memref_squeeze %dma_start3A_866 : memref<1x40x32xi32, #tpu.memory_space<vmem>> -> memref<40x32xi32, #tpu.memory_space<vmem>>
        %dma_start3A_868 = tpu.memref_slice %arg5[%add3A_862] : memref<25600xi32, #tpu.memory_space<vmem>> -> memref<40xi32, #tpu.memory_space<vmem>>
        %dma_start3A_869 = arith.constant 0 : i32
        %dma_start3A_870 = arith.constant 0 : i32
        %dma_start3A_871 = tpu.memref_slice %arg3[%dma_start3A_869, %dma_start3A_870] : memref<102400x32xi32, #tpu.memory_space<hbm>> -> memref<102400x32xi32, #tpu.memory_space<hbm>>
        tpu.enqueue_indirect_dma source(%dma_start3A_871 : memref<102400x32xi32, #tpu.memory_space<hbm>>) target(%dma_start3A_867 : memref<40x32xi32, #tpu.memory_space<vmem>>) offsets(%dma_start3A_868 : memref<40xi32, #tpu.memory_space<vmem>>) semaphore(%arg8 : memref<!tpu.dma_semaphore, #tpu.memory_space<semaphore_mem>>)
        %mul3A_872 = arith.constant 800 : i32
        %mul3A_873 = arith.muli %add3A_858, %mul3A_872 : i32
        %add3A_874 = arith.constant 40 : i32
        %add3A_875 = arith.addi %mul3A_873, %add3A_874 : i32
        %dma_start3A_876 = arith.constant 0 : i32
        %dma_start3A_877 = arith.constant 40 : i32
        %dma_start3A_878 = arith.constant 0 : i32
        %dma_start3A_879 = tpu.memref_slice %arg6[%dma_start3A_876, %dma_start3A_877, %dma_start3A_878] : memref<2x800x32xi32, #tpu.memory_space<vmem>> -> memref<1x40x32xi32, #tpu.memory_space<vmem>>
        %dma_start3A_880 = tpu.memref_squeeze %dma_start3A_879 : memref<1x40x32xi32, #tpu.memory_space<vmem>> -> memref<40x32xi32, #tpu.memory_space<vmem>>
        %dma_start3A_881 = tpu.memref_slice %arg5[%add3A_875] : memref<25600xi32, #tpu.memory_space<vmem>> -> memref<40xi32, #tpu.memory_space<vmem>>
        %dma_start3A_882 = arith.constant 0 : i32
        %dma_start3A_883 = arith.constant 0 : i32
        %dma_start3A_884 = tpu.memref_slice %arg3[%dma_start3A_882, %dma_start3A_883] : memref<102400x32xi32, #tpu.memory_space<hbm>> -> memref<102400x32xi32, #tpu.memory_space<hbm>>
        tpu.enqueue_indirect_dma source(%dma_start3A_884 : memref<102400x32xi32, #tpu.memory_space<hbm>>) target(%dma_start3A_880 : memref<40x32xi32, #tpu.memory_space<vmem>>) offsets(%dma_start3A_881 : memref<40xi32, #tpu.memory_space<vmem>>) semaphore(%arg8 : memref<!tpu.dma_semaphore, #tpu.memory_space<semaphore_mem>>)
        %mul3A_885 = arith.constant 800 : i32
        %mul3A_886 = arith.muli %add3A_858, %mul3A_885 : i32
        %add3A_887 = arith.constant 80 : i32
        %add3A_888 = arith.addi %mul3A_886, %add3A_887 : i32
        %dma_start3A_889 = arith.constant 0 : i32
        %dma_start3A_890 = arith.constant 80 : i32
        %dma_start3A_891 = arith.constant 0 : i32
        %dma_start3A_892 = tpu.memref_slice %arg6[%dma_start3A_889, %dma_start3A_890, %dma_start3A_891] : memref<2x800x32xi32, #tpu.memory_space<vmem>> -> memref<1x40x32xi32, #tpu.memory_space<vmem>>
        %dma_start3A_893 = tpu.memref_squeeze %dma_start3A_892 : memref<1x40x32xi32, #tpu.memory_space<vmem>> -> memref<40x32xi32, #tpu.memory_space<vmem>>
        %dma_start3A_894 = tpu.memref_slice %arg5[%add3A_888] : memref<25600xi32, #tpu.memory_space<vmem>> -> memref<40xi32, #tpu.memory_space<vmem>>
        %dma_start3A_895 = arith.constant 0 : i32
        %dma_start3A_896 = arith.constant 0 : i32
        %dma_start3A_897 = tpu.memref_slice %arg3[%dma_start3A_895, %dma_start3A_896] : memref<102400x32xi32, #tpu.memory_space<hbm>> -> memref<102400x32xi32, #tpu.memory_space<hbm>>
        tpu.enqueue_indirect_dma source(%dma_start3A_897 : memref<102400x32xi32, #tpu.memory_space<hbm>>) target(%dma_start3A_893 : memref<40x32xi32, #tpu.memory_space<vmem>>) offsets(%dma_start3A_894 : memref<40xi32, #tpu.memory_space<vmem>>) semaphore(%arg8 : memref<!tpu.dma_semaphore, #tpu.memory_space<semaphore_mem>>)
        %mul3A_898 = arith.constant 800 : i32
        %mul3A_899 = arith.muli %add3A_858, %mul3A_898 : i32
        %add3A_900 = arith.constant 120 : i32
        %add3A_901 = arith.addi %mul3A_899, %add3A_900 : i32
        %dma_start3A_902 = arith.constant 0 : i32
        %dma_start3A_903 = arith.constant 120 : i32
        %dma_start3A_904 = arith.constant 0 : i32
        %dma_start3A_905 = tpu.memref_slice %arg6[%dma_start3A_902, %dma_start3A_903, %dma_start3A_904] : memref<2x800x32xi32, #tpu.memory_space<vmem>> -> memref<1x40x32xi32, #tpu.memory_space<vmem>>
        %dma_start3A_906 = tpu.memref_squeeze %dma_start3A_905 : memref<1x40x32xi32, #tpu.memory_space<vmem>> -> memref<40x32xi32, #tpu.memory_space<vmem>>
        %dma_start3A_907 = tpu.memref_slice %arg5[%add3A_901] : memref<25600xi32, #tpu.memory_space<vmem>> -> memref<40xi32, #tpu.memory_space<vmem>>
        %dma_start3A_908 = arith.constant 0 : i32
        %dma_start3A_909 = arith.constant 0 : i32
        %dma_start3A_910 = tpu.memref_slice %arg3[%dma_start3A_908, %dma_start3A_909] : memref<102400x32xi32, #tpu.memory_space<hbm>> -> memref<102400x32xi32, #tpu.memory_space<hbm>>
        tpu.enqueue_indirect_dma source(%dma_start3A_910 : memref<102400x32xi32, #tpu.memory_space<hbm>>) target(%dma_start3A_906 : memref<40x32xi32, #tpu.memory_space<vmem>>) offsets(%dma_start3A_907 : memref<40xi32, #tpu.memory_space<vmem>>) semaphore(%arg8 : memref<!tpu.dma_semaphore, #tpu.memory_space<semaphore_mem>>)
        %mul3A_911 = arith.constant 800 : i32
        %mul3A_912 = arith.muli %add3A_858, %mul3A_911 : i32
        %add3A_913 = arith.constant 160 : i32
        %add3A_914 = arith.addi %mul3A_912, %add3A_913 : i32
        %dma_start3A_915 = arith.constant 0 : i32
        %dma_start3A_916 = arith.constant 160 : i32
        %dma_start3A_917 = arith.constant 0 : i32
        %dma_start3A_918 = tpu.memref_slice %arg6[%dma_start3A_915, %dma_start3A_916, %dma_start3A_917] : memref<2x800x32xi32, #tpu.memory_space<vmem>> -> memref<1x40x32xi32, #tpu.memory_space<vmem>>
        %dma_start3A_919 = tpu.memref_squeeze %dma_start3A_918 : memref<1x40x32xi32, #tpu.memory_space<vmem>> -> memref<40x32xi32, #tpu.memory_space<vmem>>
        %dma_start3A_920 = tpu.memref_slice %arg5[%add3A_914] : memref<25600xi32, #tpu.memory_space<vmem>> -> memref<40xi32, #tpu.memory_space<vmem>>
        %dma_start3A_921 = arith.constant 0 : i32
        %dma_start3A_922 = arith.constant 0 : i32
        %dma_start3A_923 = tpu.memref_slice %arg3[%dma_start3A_921, %dma_start3A_922] : memref<102400x32xi32, #tpu.memory_space<hbm>> -> memref<102400x32xi32, #tpu.memory_space<hbm>>
        tpu.enqueue_indirect_dma source(%dma_start3A_923 : memref<102400x32xi32, #tpu.memory_space<hbm>>) target(%dma_start3A_919 : memref<40x32xi32, #tpu.memory_space<vmem>>) offsets(%dma_start3A_920 : memref<40xi32, #tpu.memory_space<vmem>>) semaphore(%arg8 : memref<!tpu.dma_semaphore, #tpu.memory_space<semaphore_mem>>)
        %mul3A_924 = arith.constant 800 : i32
        %mul3A_925 = arith.muli %add3A_858, %mul3A_924 : i32
        %add3A_926 = arith.constant 200 : i32
        %add3A_927 = arith.addi %mul3A_925, %add3A_926 : i32
        %dma_start3A_928 = arith.constant 0 : i32
        %dma_start3A_929 = arith.constant 200 : i32
        %dma_start3A_930 = arith.constant 0 : i32
        %dma_start3A_931 = tpu.memref_slice %arg6[%dma_start3A_928, %dma_start3A_929, %dma_start3A_930] : memref<2x800x32xi32, #tpu.memory_space<vmem>> -> memref<1x40x32xi32, #tpu.memory_space<vmem>>
        %dma_start3A_932 = tpu.memref_squeeze %dma_start3A_931 : memref<1x40x32xi32, #tpu.memory_space<vmem>> -> memref<40x32xi32, #tpu.memory_space<vmem>>
        %dma_start3A_933 = tpu.memref_slice %arg5[%add3A_927] : memref<25600xi32, #tpu.memory_space<vmem>> -> memref<40xi32, #tpu.memory_space<vmem>>
        %dma_start3A_934 = arith.constant 0 : i32
        %dma_start3A_935 = arith.constant 0 : i32
        %dma_start3A_936 = tpu.memref_slice %arg3[%dma_start3A_934, %dma_start3A_935] : memref<102400x32xi32, #tpu.memory_space<hbm>> -> memref<102400x32xi32, #tpu.memory_space<hbm>>
        tpu.enqueue_indirect_dma source(%dma_start3A_936 : memref<102400x32xi32, #tpu.memory_space<hbm>>) target(%dma_start3A_932 : memref<40x32xi32, #tpu.memory_space<vmem>>) offsets(%dma_start3A_933 : memref<40xi32, #tpu.memory_space<vmem>>) semaphore(%arg8 : memref<!tpu.dma_semaphore, #tpu.memory_space<semaphore_mem>>)
        %mul3A_937 = arith.constant 800 : i32
        %mul3A_938 = arith.muli %add3A_858, %mul3A_937 : i32
        %add3A_939 = arith.constant 240 : i32
        %add3A_940 = arith.addi %mul3A_938, %add3A_939 : i32
        %dma_start3A_941 = arith.constant 0 : i32
        %dma_start3A_942 = arith.constant 240 : i32
        %dma_start3A_943 = arith.constant 0 : i32
        %dma_start3A_944 = tpu.memref_slice %arg6[%dma_start3A_941, %dma_start3A_942, %dma_start3A_943] : memref<2x800x32xi32, #tpu.memory_space<vmem>> -> memref<1x40x32xi32, #tpu.memory_space<vmem>>
        %dma_start3A_945 = tpu.memref_squeeze %dma_start3A_944 : memref<1x40x32xi32, #tpu.memory_space<vmem>> -> memref<40x32xi32, #tpu.memory_space<vmem>>
        %dma_start3A_946 = tpu.memref_slice %arg5[%add3A_940] : memref<25600xi32, #tpu.memory_space<vmem>> -> memref<40xi32, #tpu.memory_space<vmem>>
        %dma_start3A_947 = arith.constant 0 : i32
        %dma_start3A_948 = arith.constant 0 : i32
        %dma_start3A_949 = tpu.memref_slice %arg3[%dma_start3A_947, %dma_start3A_948] : memref<102400x32xi32, #tpu.memory_space<hbm>> -> memref<102400x32xi32, #tpu.memory_space<hbm>>
        tpu.enqueue_indirect_dma source(%dma_start3A_949 : memref<102400x32xi32, #tpu.memory_space<hbm>>) target(%dma_start3A_945 : memref<40x32xi32, #tpu.memory_space<vmem>>) offsets(%dma_start3A_946 : memref<40xi32, #tpu.memory_space<vmem>>) semaphore(%arg8 : memref<!tpu.dma_semaphore, #tpu.memory_space<semaphore_mem>>)
        %mul3A_950 = arith.constant 800 : i32
        %mul3A_951 = arith.muli %add3A_858, %mul3A_950 : i32
        %add3A_952 = arith.constant 280 : i32
        %add3A_953 = arith.addi %mul3A_951, %add3A_952 : i32
        %dma_start3A_954 = arith.constant 0 : i32
        %dma_start3A_955 = arith.constant 280 : i32
        %dma_start3A_956 = arith.constant 0 : i32
        %dma_start3A_957 = tpu.memref_slice %arg6[%dma_start3A_954, %dma_start3A_955, %dma_start3A_956] : memref<2x800x32xi32, #tpu.memory_space<vmem>> -> memref<1x40x32xi32, #tpu.memory_space<vmem>>
        %dma_start3A_958 = tpu.memref_squeeze %dma_start3A_957 : memref<1x40x32xi32, #tpu.memory_space<vmem>> -> memref<40x32xi32, #tpu.memory_space<vmem>>
        %dma_start3A_959 = tpu.memref_slice %arg5[%add3A_953] : memref<25600xi32, #tpu.memory_space<vmem>> -> memref<40xi32, #tpu.memory_space<vmem>>
        %dma_start3A_960 = arith.constant 0 : i32
        %dma_start3A_961 = arith.constant 0 : i32
        %dma_start3A_962 = tpu.memref_slice %arg3[%dma_start3A_960, %dma_start3A_961] : memref<102400x32xi32, #tpu.memory_space<hbm>> -> memref<102400x32xi32, #tpu.memory_space<hbm>>
        tpu.enqueue_indirect_dma source(%dma_start3A_962 : memref<102400x32xi32, #tpu.memory_space<hbm>>) target(%dma_start3A_958 : memref<40x32xi32, #tpu.memory_space<vmem>>) offsets(%dma_start3A_959 : memref<40xi32, #tpu.memory_space<vmem>>) semaphore(%arg8 : memref<!tpu.dma_semaphore, #tpu.memory_space<semaphore_mem>>)
        %mul3A_963 = arith.constant 800 : i32
        %mul3A_964 = arith.muli %add3A_858, %mul3A_963 : i32
        %add3A_965 = arith.constant 320 : i32
        %add3A_966 = arith.addi %mul3A_964, %add3A_965 : i32
        %dma_start3A_967 = arith.constant 0 : i32
        %dma_start3A_968 = arith.constant 320 : i32
        %dma_start3A_969 = arith.constant 0 : i32
        %dma_start3A_970 = tpu.memref_slice %arg6[%dma_start3A_967, %dma_start3A_968, %dma_start3A_969] : memref<2x800x32xi32, #tpu.memory_space<vmem>> -> memref<1x40x32xi32, #tpu.memory_space<vmem>>
        %dma_start3A_971 = tpu.memref_squeeze %dma_start3A_970 : memref<1x40x32xi32, #tpu.memory_space<vmem>> -> memref<40x32xi32, #tpu.memory_space<vmem>>
        %dma_start3A_972 = tpu.memref_slice %arg5[%add3A_966] : memref<25600xi32, #tpu.memory_space<vmem>> -> memref<40xi32, #tpu.memory_space<vmem>>
        %dma_start3A_973 = arith.constant 0 : i32
        %dma_start3A_974 = arith.constant 0 : i32
        %dma_start3A_975 = tpu.memref_slice %arg3[%dma_start3A_973, %dma_start3A_974] : memref<102400x32xi32, #tpu.memory_space<hbm>> -> memref<102400x32xi32, #tpu.memory_space<hbm>>
        tpu.enqueue_indirect_dma source(%dma_start3A_975 : memref<102400x32xi32, #tpu.memory_space<hbm>>) target(%dma_start3A_971 : memref<40x32xi32, #tpu.memory_space<vmem>>) offsets(%dma_start3A_972 : memref<40xi32, #tpu.memory_space<vmem>>) semaphore(%arg8 : memref<!tpu.dma_semaphore, #tpu.memory_space<semaphore_mem>>)
        %mul3A_976 = arith.constant 800 : i32
        %mul3A_977 = arith.muli %add3A_858, %mul3A_976 : i32
        %add3A_978 = arith.constant 360 : i32
        %add3A_979 = arith.addi %mul3A_977, %add3A_978 : i32
        %dma_start3A_980 = arith.constant 0 : i32
        %dma_start3A_981 = arith.constant 360 : i32
        %dma_start3A_982 = arith.constant 0 : i32
        %dma_start3A_983 = tpu.memref_slice %arg6[%dma_start3A_980, %dma_start3A_981, %dma_start3A_982] : memref<2x800x32xi32, #tpu.memory_space<vmem>> -> memref<1x40x32xi32, #tpu.memory_space<vmem>>
        %dma_start3A_984 = tpu.memref_squeeze %dma_start3A_983 : memref<1x40x32xi32, #tpu.memory_space<vmem>> -> memref<40x32xi32, #tpu.memory_space<vmem>>
        %dma_start3A_985 = tpu.memref_slice %arg5[%add3A_979] : memref<25600xi32, #tpu.memory_space<vmem>> -> memref<40xi32, #tpu.memory_space<vmem>>
        %dma_start3A_986 = arith.constant 0 : i32
        %dma_start3A_987 = arith.constant 0 : i32
        %dma_start3A_988 = tpu.memref_slice %arg3[%dma_start3A_986, %dma_start3A_987] : memref<102400x32xi32, #tpu.memory_space<hbm>> -> memref<102400x32xi32, #tpu.memory_space<hbm>>
        tpu.enqueue_indirect_dma source(%dma_start3A_988 : memref<102400x32xi32, #tpu.memory_space<hbm>>) target(%dma_start3A_984 : memref<40x32xi32, #tpu.memory_space<vmem>>) offsets(%dma_start3A_985 : memref<40xi32, #tpu.memory_space<vmem>>) semaphore(%arg8 : memref<!tpu.dma_semaphore, #tpu.memory_space<semaphore_mem>>)
        %mul3A_989 = arith.constant 800 : i32
        %mul3A_990 = arith.muli %add3A_858, %mul3A_989 : i32
        %add3A_991 = arith.constant 400 : i32
        %add3A_992 = arith.addi %mul3A_990, %add3A_991 : i32
        %dma_start3A_993 = arith.constant 0 : i32
        %dma_start3A_994 = arith.constant 400 : i32
        %dma_start3A_995 = arith.constant 0 : i32
        %dma_start3A_996 = tpu.memref_slice %arg6[%dma_start3A_993, %dma_start3A_994, %dma_start3A_995] : memref<2x800x32xi32, #tpu.memory_space<vmem>> -> memref<1x40x32xi32, #tpu.memory_space<vmem>>
        %dma_start3A_997 = tpu.memref_squeeze %dma_start3A_996 : memref<1x40x32xi32, #tpu.memory_space<vmem>> -> memref<40x32xi32, #tpu.memory_space<vmem>>
        %dma_start3A_998 = tpu.memref_slice %arg5[%add3A_992] : memref<25600xi32, #tpu.memory_space<vmem>> -> memref<40xi32, #tpu.memory_space<vmem>>
        %dma_start3A_999 = arith.constant 0 : i32
        %dma_start3A_1000 = arith.constant 0 : i32
        %dma_start3A_1001 = tpu.memref_slice %arg3[%dma_start3A_999, %dma_start3A_1000] : memref<102400x32xi32, #tpu.memory_space<hbm>> -> memref<102400x32xi32, #tpu.memory_space<hbm>>
        tpu.enqueue_indirect_dma source(%dma_start3A_1001 : memref<102400x32xi32, #tpu.memory_space<hbm>>) target(%dma_start3A_997 : memref<40x32xi32, #tpu.memory_space<vmem>>) offsets(%dma_start3A_998 : memref<40xi32, #tpu.memory_space<vmem>>) semaphore(%arg8 : memref<!tpu.dma_semaphore, #tpu.memory_space<semaphore_mem>>)
        %mul3A_1002 = arith.constant 800 : i32
        %mul3A_1003 = arith.muli %add3A_858, %mul3A_1002 : i32
        %add3A_1004 = arith.constant 440 : i32
        %add3A_1005 = arith.addi %mul3A_1003, %add3A_1004 : i32
        %dma_start3A_1006 = arith.constant 0 : i32
        %dma_start3A_1007 = arith.constant 440 : i32
        %dma_start3A_1008 = arith.constant 0 : i32
        %dma_start3A_1009 = tpu.memref_slice %arg6[%dma_start3A_1006, %dma_start3A_1007, %dma_start3A_1008] : memref<2x800x32xi32, #tpu.memory_space<vmem>> -> memref<1x40x32xi32, #tpu.memory_space<vmem>>
        %dma_start3A_1010 = tpu.memref_squeeze %dma_start3A_1009 : memref<1x40x32xi32, #tpu.memory_space<vmem>> -> memref<40x32xi32, #tpu.memory_space<vmem>>
        %dma_start3A_1011 = tpu.memref_slice %arg5[%add3A_1005] : memref<25600xi32, #tpu.memory_space<vmem>> -> memref<40xi32, #tpu.memory_space<vmem>>
        %dma_start3A_1012 = arith.constant 0 : i32
        %dma_start3A_1013 = arith.constant 0 : i32
        %dma_start3A_1014 = tpu.memref_slice %arg3[%dma_start3A_1012, %dma_start3A_1013] : memref<102400x32xi32, #tpu.memory_space<hbm>> -> memref<102400x32xi32, #tpu.memory_space<hbm>>
        tpu.enqueue_indirect_dma source(%dma_start3A_1014 : memref<102400x32xi32, #tpu.memory_space<hbm>>) target(%dma_start3A_1010 : memref<40x32xi32, #tpu.memory_space<vmem>>) offsets(%dma_start3A_1011 : memref<40xi32, #tpu.memory_space<vmem>>) semaphore(%arg8 : memref<!tpu.dma_semaphore, #tpu.memory_space<semaphore_mem>>)
        %mul3A_1015 = arith.constant 800 : i32
        %mul3A_1016 = arith.muli %add3A_858, %mul3A_1015 : i32
        %add3A_1017 = arith.constant 480 : i32
        %add3A_1018 = arith.addi %mul3A_1016, %add3A_1017 : i32
        %dma_start3A_1019 = arith.constant 0 : i32
        %dma_start3A_1020 = arith.constant 480 : i32
        %dma_start3A_1021 = arith.constant 0 : i32
        %dma_start3A_1022 = tpu.memref_slice %arg6[%dma_start3A_1019, %dma_start3A_1020, %dma_start3A_1021] : memref<2x800x32xi32, #tpu.memory_space<vmem>> -> memref<1x40x32xi32, #tpu.memory_space<vmem>>
        %dma_start3A_1023 = tpu.memref_squeeze %dma_start3A_1022 : memref<1x40x32xi32, #tpu.memory_space<vmem>> -> memref<40x32xi32, #tpu.memory_space<vmem>>
        %dma_start3A_1024 = tpu.memref_slice %arg5[%add3A_1018] : memref<25600xi32, #tpu.memory_space<vmem>> -> memref<40xi32, #tpu.memory_space<vmem>>
        %dma_start3A_1025 = arith.constant 0 : i32
        %dma_start3A_1026 = arith.constant 0 : i32
        %dma_start3A_1027 = tpu.memref_slice %arg3[%dma_start3A_1025, %dma_start3A_1026] : memref<102400x32xi32, #tpu.memory_space<hbm>> -> memref<102400x32xi32, #tpu.memory_space<hbm>>
        tpu.enqueue_indirect_dma source(%dma_start3A_1027 : memref<102400x32xi32, #tpu.memory_space<hbm>>) target(%dma_start3A_1023 : memref<40x32xi32, #tpu.memory_space<vmem>>) offsets(%dma_start3A_1024 : memref<40xi32, #tpu.memory_space<vmem>>) semaphore(%arg8 : memref<!tpu.dma_semaphore, #tpu.memory_space<semaphore_mem>>)
        %mul3A_1028 = arith.constant 800 : i32
        %mul3A_1029 = arith.muli %add3A_858, %mul3A_1028 : i32
        %add3A_1030 = arith.constant 520 : i32
        %add3A_1031 = arith.addi %mul3A_1029, %add3A_1030 : i32
        %dma_start3A_1032 = arith.constant 0 : i32
        %dma_start3A_1033 = arith.constant 520 : i32
        %dma_start3A_1034 = arith.constant 0 : i32
        %dma_start3A_1035 = tpu.memref_slice %arg6[%dma_start3A_1032, %dma_start3A_1033, %dma_start3A_1034] : memref<2x800x32xi32, #tpu.memory_space<vmem>> -> memref<1x40x32xi32, #tpu.memory_space<vmem>>
        %dma_start3A_1036 = tpu.memref_squeeze %dma_start3A_1035 : memref<1x40x32xi32, #tpu.memory_space<vmem>> -> memref<40x32xi32, #tpu.memory_space<vmem>>
        %dma_start3A_1037 = tpu.memref_slice %arg5[%add3A_1031] : memref<25600xi32, #tpu.memory_space<vmem>> -> memref<40xi32, #tpu.memory_space<vmem>>
        %dma_start3A_1038 = arith.constant 0 : i32
        %dma_start3A_1039 = arith.constant 0 : i32
        %dma_start3A_1040 = tpu.memref_slice %arg3[%dma_start3A_1038, %dma_start3A_1039] : memref<102400x32xi32, #tpu.memory_space<hbm>> -> memref<102400x32xi32, #tpu.memory_space<hbm>>
        tpu.enqueue_indirect_dma source(%dma_start3A_1040 : memref<102400x32xi32, #tpu.memory_space<hbm>>) target(%dma_start3A_1036 : memref<40x32xi32, #tpu.memory_space<vmem>>) offsets(%dma_start3A_1037 : memref<40xi32, #tpu.memory_space<vmem>>) semaphore(%arg8 : memref<!tpu.dma_semaphore, #tpu.memory_space<semaphore_mem>>)
        %mul3A_1041 = arith.constant 800 : i32
        %mul3A_1042 = arith.muli %add3A_858, %mul3A_1041 : i32
        %add3A_1043 = arith.constant 560 : i32
        %add3A_1044 = arith.addi %mul3A_1042, %add3A_1043 : i32
        %dma_start3A_1045 = arith.constant 0 : i32
        %dma_start3A_1046 = arith.constant 560 : i32
        %dma_start3A_1047 = arith.constant 0 : i32
        %dma_start3A_1048 = tpu.memref_slice %arg6[%dma_start3A_1045, %dma_start3A_1046, %dma_start3A_1047] : memref<2x800x32xi32, #tpu.memory_space<vmem>> -> memref<1x40x32xi32, #tpu.memory_space<vmem>>
        %dma_start3A_1049 = tpu.memref_squeeze %dma_start3A_1048 : memref<1x40x32xi32, #tpu.memory_space<vmem>> -> memref<40x32xi32, #tpu.memory_space<vmem>>
        %dma_start3A_1050 = tpu.memref_slice %arg5[%add3A_1044] : memref<25600xi32, #tpu.memory_space<vmem>> -> memref<40xi32, #tpu.memory_space<vmem>>
        %dma_start3A_1051 = arith.constant 0 : i32
        %dma_start3A_1052 = arith.constant 0 : i32
        %dma_start3A_1053 = tpu.memref_slice %arg3[%dma_start3A_1051, %dma_start3A_1052] : memref<102400x32xi32, #tpu.memory_space<hbm>> -> memref<102400x32xi32, #tpu.memory_space<hbm>>
        tpu.enqueue_indirect_dma source(%dma_start3A_1053 : memref<102400x32xi32, #tpu.memory_space<hbm>>) target(%dma_start3A_1049 : memref<40x32xi32, #tpu.memory_space<vmem>>) offsets(%dma_start3A_1050 : memref<40xi32, #tpu.memory_space<vmem>>) semaphore(%arg8 : memref<!tpu.dma_semaphore, #tpu.memory_space<semaphore_mem>>)
        %mul3A_1054 = arith.constant 800 : i32
        %mul3A_1055 = arith.muli %add3A_858, %mul3A_1054 : i32
        %add3A_1056 = arith.constant 600 : i32
        %add3A_1057 = arith.addi %mul3A_1055, %add3A_1056 : i32
        %dma_start3A_1058 = arith.constant 0 : i32
        %dma_start3A_1059 = arith.constant 600 : i32
        %dma_start3A_1060 = arith.constant 0 : i32
        %dma_start3A_1061 = tpu.memref_slice %arg6[%dma_start3A_1058, %dma_start3A_1059, %dma_start3A_1060] : memref<2x800x32xi32, #tpu.memory_space<vmem>> -> memref<1x40x32xi32, #tpu.memory_space<vmem>>
        %dma_start3A_1062 = tpu.memref_squeeze %dma_start3A_1061 : memref<1x40x32xi32, #tpu.memory_space<vmem>> -> memref<40x32xi32, #tpu.memory_space<vmem>>
        %dma_start3A_1063 = tpu.memref_slice %arg5[%add3A_1057] : memref<25600xi32, #tpu.memory_space<vmem>> -> memref<40xi32, #tpu.memory_space<vmem>>
        %dma_start3A_1064 = arith.constant 0 : i32
        %dma_start3A_1065 = arith.constant 0 : i32
        %dma_start3A_1066 = tpu.memref_slice %arg3[%dma_start3A_1064, %dma_start3A_1065] : memref<102400x32xi32, #tpu.memory_space<hbm>> -> memref<102400x32xi32, #tpu.memory_space<hbm>>
        tpu.enqueue_indirect_dma source(%dma_start3A_1066 : memref<102400x32xi32, #tpu.memory_space<hbm>>) target(%dma_start3A_1062 : memref<40x32xi32, #tpu.memory_space<vmem>>) offsets(%dma_start3A_1063 : memref<40xi32, #tpu.memory_space<vmem>>) semaphore(%arg8 : memref<!tpu.dma_semaphore, #tpu.memory_space<semaphore_mem>>)
        %mul3A_1067 = arith.constant 800 : i32
        %mul3A_1068 = arith.muli %add3A_858, %mul3A_1067 : i32
        %add3A_1069 = arith.constant 640 : i32
        %add3A_1070 = arith.addi %mul3A_1068, %add3A_1069 : i32
        %dma_start3A_1071 = arith.constant 0 : i32
        %dma_start3A_1072 = arith.constant 640 : i32
        %dma_start3A_1073 = arith.constant 0 : i32
        %dma_start3A_1074 = tpu.memref_slice %arg6[%dma_start3A_1071, %dma_start3A_1072, %dma_start3A_1073] : memref<2x800x32xi32, #tpu.memory_space<vmem>> -> memref<1x40x32xi32, #tpu.memory_space<vmem>>
        %dma_start3A_1075 = tpu.memref_squeeze %dma_start3A_1074 : memref<1x40x32xi32, #tpu.memory_space<vmem>> -> memref<40x32xi32, #tpu.memory_space<vmem>>
        %dma_start3A_1076 = tpu.memref_slice %arg5[%add3A_1070] : memref<25600xi32, #tpu.memory_space<vmem>> -> memref<40xi32, #tpu.memory_space<vmem>>
        %dma_start3A_1077 = arith.constant 0 : i32
        %dma_start3A_1078 = arith.constant 0 : i32
        %dma_start3A_1079 = tpu.memref_slice %arg3[%dma_start3A_1077, %dma_start3A_1078] : memref<102400x32xi32, #tpu.memory_space<hbm>> -> memref<102400x32xi32, #tpu.memory_space<hbm>>
        tpu.enqueue_indirect_dma source(%dma_start3A_1079 : memref<102400x32xi32, #tpu.memory_space<hbm>>) target(%dma_start3A_1075 : memref<40x32xi32, #tpu.memory_space<vmem>>) offsets(%dma_start3A_1076 : memref<40xi32, #tpu.memory_space<vmem>>) semaphore(%arg8 : memref<!tpu.dma_semaphore, #tpu.memory_space<semaphore_mem>>)
        %mul3A_1080 = arith.constant 800 : i32
        %mul3A_1081 = arith.muli %add3A_858, %mul3A_1080 : i32
        %add3A_1082 = arith.constant 680 : i32
        %add3A_1083 = arith.addi %mul3A_1081, %add3A_1082 : i32
        %dma_start3A_1084 = arith.constant 0 : i32
        %dma_start3A_1085 = arith.constant 680 : i32
        %dma_start3A_1086 = arith.constant 0 : i32
        %dma_start3A_1087 = tpu.memref_slice %arg6[%dma_start3A_1084, %dma_start3A_1085, %dma_start3A_1086] : memref<2x800x32xi32, #tpu.memory_space<vmem>> -> memref<1x40x32xi32, #tpu.memory_space<vmem>>
        %dma_start3A_1088 = tpu.memref_squeeze %dma_start3A_1087 : memref<1x40x32xi32, #tpu.memory_space<vmem>> -> memref<40x32xi32, #tpu.memory_space<vmem>>
        %dma_start3A_1089 = tpu.memref_slice %arg5[%add3A_1083] : memref<25600xi32, #tpu.memory_space<vmem>> -> memref<40xi32, #tpu.memory_space<vmem>>
        %dma_start3A_1090 = arith.constant 0 : i32
        %dma_start3A_1091 = arith.constant 0 : i32
        %dma_start3A_1092 = tpu.memref_slice %arg3[%dma_start3A_1090, %dma_start3A_1091] : memref<102400x32xi32, #tpu.memory_space<hbm>> -> memref<102400x32xi32, #tpu.memory_space<hbm>>
        tpu.enqueue_indirect_dma source(%dma_start3A_1092 : memref<102400x32xi32, #tpu.memory_space<hbm>>) target(%dma_start3A_1088 : memref<40x32xi32, #tpu.memory_space<vmem>>) offsets(%dma_start3A_1089 : memref<40xi32, #tpu.memory_space<vmem>>) semaphore(%arg8 : memref<!tpu.dma_semaphore, #tpu.memory_space<semaphore_mem>>)
        %mul3A_1093 = arith.constant 800 : i32
        %mul3A_1094 = arith.muli %add3A_858, %mul3A_1093 : i32
        %add3A_1095 = arith.constant 720 : i32
        %add3A_1096 = arith.addi %mul3A_1094, %add3A_1095 : i32
        %dma_start3A_1097 = arith.constant 0 : i32
        %dma_start3A_1098 = arith.constant 720 : i32
        %dma_start3A_1099 = arith.constant 0 : i32
        %dma_start3A_1100 = tpu.memref_slice %arg6[%dma_start3A_1097, %dma_start3A_1098, %dma_start3A_1099] : memref<2x800x32xi32, #tpu.memory_space<vmem>> -> memref<1x40x32xi32, #tpu.memory_space<vmem>>
        %dma_start3A_1101 = tpu.memref_squeeze %dma_start3A_1100 : memref<1x40x32xi32, #tpu.memory_space<vmem>> -> memref<40x32xi32, #tpu.memory_space<vmem>>
        %dma_start3A_1102 = tpu.memref_slice %arg5[%add3A_1096] : memref<25600xi32, #tpu.memory_space<vmem>> -> memref<40xi32, #tpu.memory_space<vmem>>
        %dma_start3A_1103 = arith.constant 0 : i32
        %dma_start3A_1104 = arith.constant 0 : i32
        %dma_start3A_1105 = tpu.memref_slice %arg3[%dma_start3A_1103, %dma_start3A_1104] : memref<102400x32xi32, #tpu.memory_space<hbm>> -> memref<102400x32xi32, #tpu.memory_space<hbm>>
        tpu.enqueue_indirect_dma source(%dma_start3A_1105 : memref<102400x32xi32, #tpu.memory_space<hbm>>) target(%dma_start3A_1101 : memref<40x32xi32, #tpu.memory_space<vmem>>) offsets(%dma_start3A_1102 : memref<40xi32, #tpu.memory_space<vmem>>) semaphore(%arg8 : memref<!tpu.dma_semaphore, #tpu.memory_space<semaphore_mem>>)
        %mul3A_1106 = arith.constant 800 : i32
        %mul3A_1107 = arith.muli %add3A_858, %mul3A_1106 : i32
        %add3A_1108 = arith.constant 760 : i32
        %add3A_1109 = arith.addi %mul3A_1107, %add3A_1108 : i32
        %dma_start3A_1110 = arith.constant 0 : i32
        %dma_start3A_1111 = arith.constant 760 : i32
        %dma_start3A_1112 = arith.constant 0 : i32
        %dma_start3A_1113 = tpu.memref_slice %arg6[%dma_start3A_1110, %dma_start3A_1111, %dma_start3A_1112] : memref<2x800x32xi32, #tpu.memory_space<vmem>> -> memref<1x40x32xi32, #tpu.memory_space<vmem>>
        %dma_start3A_1114 = tpu.memref_squeeze %dma_start3A_1113 : memref<1x40x32xi32, #tpu.memory_space<vmem>> -> memref<40x32xi32, #tpu.memory_space<vmem>>
        %dma_start3A_1115 = tpu.memref_slice %arg5[%add3A_1109] : memref<25600xi32, #tpu.memory_space<vmem>> -> memref<40xi32, #tpu.memory_space<vmem>>
        %dma_start3A_1116 = arith.constant 0 : i32
        %dma_start3A_1117 = arith.constant 0 : i32
        %dma_start3A_1118 = tpu.memref_slice %arg3[%dma_start3A_1116, %dma_start3A_1117] : memref<102400x32xi32, #tpu.memory_space<hbm>> -> memref<102400x32xi32, #tpu.memory_space<hbm>>
        tpu.enqueue_indirect_dma source(%dma_start3A_1118 : memref<102400x32xi32, #tpu.memory_space<hbm>>) target(%dma_start3A_1114 : memref<40x32xi32, #tpu.memory_space<vmem>>) offsets(%dma_start3A_1115 : memref<40xi32, #tpu.memory_space<vmem>>) semaphore(%arg8 : memref<!tpu.dma_semaphore, #tpu.memory_space<semaphore_mem>>)
      } else {
      }
      %dma_wait3A_667 = arith.constant 1 : i32
      %dma_wait3A_668 = arith.constant 0 : i32
      %dma_wait3A_669 = arith.constant 0 : i32
      %dma_wait3A_670 = tpu.memref_slice %arg6[%dma_wait3A_667, %dma_wait3A_668, %dma_wait3A_669] : memref<2x800x32xi32, #tpu.memory_space<vmem>> -> memref<1x800x32xi32, #tpu.memory_space<vmem>>
      %dma_wait3A_671 = tpu.memref_squeeze %dma_wait3A_670 : memref<1x800x32xi32, #tpu.memory_space<vmem>> -> memref<800x32xi32, #tpu.memory_space<vmem>>
      %dma_wait3A_672 = arith.constant 0 : i32
      %dma_wait3A_673 = arith.constant 0 : i32
      %dma_wait3A_674 = tpu.memref_slice %arg3[%dma_wait3A_672, %dma_wait3A_673] : memref<102400x32xi32, #tpu.memory_space<hbm>> -> memref<800x32xi32, #tpu.memory_space<hbm>>
      %dma_wait3A_675 = arith.constant 0 : i32
      %dma_wait3A_676 = arith.constant 0 : i32
      %dma_wait3A_677 = tpu.memref_slice %arg6[%dma_wait3A_667, %dma_wait3A_675, %dma_wait3A_676] : memref<2x800x32xi32, #tpu.memory_space<vmem>> -> memref<1x800x32xi32, #tpu.memory_space<vmem>>
      %dma_wait3A_678 = tpu.memref_squeeze %dma_wait3A_677 : memref<1x800x32xi32, #tpu.memory_space<vmem>> -> memref<800x32xi32, #tpu.memory_space<vmem>>
      %dma_wait3A_679 = arith.constant 0 : i32
      %dma_wait3A_680 = arith.constant 0 : i32
      %dma_wait3A_681 = tpu.memref_slice %arg3[%dma_wait3A_679, %dma_wait3A_680] : memref<102400x32xi32, #tpu.memory_space<hbm>> -> memref<800x32xi32, #tpu.memory_space<hbm>>
      tpu.wait_dma2 semaphore(%arg9 : memref<!tpu.dma_semaphore, #tpu.memory_space<semaphore_mem>>) src(%dma_wait3A_681 : memref<800x32xi32, #tpu.memory_space<hbm>>) dst(%dma_wait3A_678 : memref<800x32xi32, #tpu.memory_space<vmem>>)
      %add3A_682 = arith.constant 1 : i32
      %add3A_683 = arith.addi %mul3A_215, %add3A_682 : i32
      %mul3A_684 = arith.constant 128 : i32
      %mul3A_685 = arith.muli %add3A, %mul3A_684 : i32
      %mul3A_686 = arith.constant 4 : i32
      %mul3A_687 = arith.muli %add3A_683, %mul3A_686 : i32
      %add3A_688 = arith.addi %mul3A_685, %mul3A_687 : i32
      %broadcast_in_dim3A_689 = arith.constant 0.000000e+00 : f32
      %broadcast_in_dim3A_690 = vector.broadcast %broadcast_in_dim3A_689 : f32 to vector<16xf32>
      %broadcast_in_dim3A_691 = arith.constant 0.000000e+00 : f32
      %broadcast_in_dim3A_692 = vector.broadcast %broadcast_in_dim3A_691 : f32 to vector<16xf32>
      %broadcast_in_dim3A_693 = arith.constant 0.000000e+00 : f32
      %broadcast_in_dim3A_694 = vector.broadcast %broadcast_in_dim3A_693 : f32 to vector<16xf32>
      %broadcast_in_dim3A_695 = arith.constant 0.000000e+00 : f32
      %broadcast_in_dim3A_696 = vector.broadcast %broadcast_in_dim3A_695 : f32 to vector<16xf32>
      %scan3A_697 = arith.constant 0 : i32
      %scan3A_698 = arith.constant 100 : i32
      %scan3A_699 = arith.addi %scan3A_697, %scan3A_698 : i32
      %scan3A_700 = arith.constant 1 : i32
      %scan3A_701:4 = scf.for %scan3A_857 = %scan3A_697 to %scan3A_699 step %scan3A_700 iter_args(%scan3A_858 = %broadcast_in_dim3A_690, %scan3A_859 = %broadcast_in_dim3A_692, %scan3A_860 = %broadcast_in_dim3A_694, %scan3A_861 = %broadcast_in_dim3A_696) -> (vector<16xf32>, vector<16xf32>, vector<16xf32>, vector<16xf32>)  : i32 {
        %mul3A_862 = arith.constant 2 : i32
        %mul3A_863 = arith.muli %mul3A_862, %scan3A_857 : i32
        %add3A_864 = arith.constant 0 : i32
        %add3A_865 = arith.addi %add3A_864, %mul3A_863 : i32
        %add3A_866 = arith.constant 0 : i32
        %add3A_867 = arith.addi %add3A_865, %add3A_866 : i32
        %get3A = arith.constant 1 : i32
        %get3A_868 = arith.index_cast %get3A : i32 to index
        %get3A_869 = arith.index_cast %add3A_867 : i32 to index
        %get3A_870 = arith.constant 0 : index
        %get3A_871 = tpu.vector_load %arg6[%get3A_868, %get3A_869, %get3A_870] {strides = array<i32>} : memref<2x800x32xi32, #tpu.memory_space<vmem>>, vector<16xi32>,
        %shift_left3A = arith.constant 16 : i32
        %shift_left3A_872 = vector.broadcast %shift_left3A : i32 to vector<16xi32>
        %shift_left3A_873 = arith.shli %get3A_871, %shift_left3A_872 : vector<16xi32>
        %bitcast3A = vector.bitcast %shift_left3A_873 : vector<16xi32> to vector<16xf32>
        %and3A = arith.constant -65536 : i32
        %and3A_874 = vector.broadcast %and3A : i32 to vector<16xi32>
        %and3A_875 = arith.andi %get3A_871, %and3A_874 : vector<16xi32>
        %bitcast3A_876 = vector.bitcast %and3A_875 : vector<16xi32> to vector<16xf32>
        %add3A_877 = arith.addf %scan3A_858, %bitcast3A : vector<16xf32>
        %add3A_878 = arith.addf %scan3A_859, %bitcast3A_876 : vector<16xf32>
        %get3A_879 = arith.constant 1 : i32
        %get3A_880 = arith.index_cast %get3A_879 : i32 to index
        %get3A_881 = arith.index_cast %add3A_867 : i32 to index
        %get3A_882 = arith.constant 16 : index
        %get3A_883 = tpu.vector_load %arg6[%get3A_880, %get3A_881, %get3A_882] {strides = array<i32>} : memref<2x800x32xi32, #tpu.memory_space<vmem>>, vector<16xi32>,
        %shift_left3A_884 = arith.constant 16 : i32
        %shift_left3A_885 = vector.broadcast %shift_left3A_884 : i32 to vector<16xi32>
        %shift_left3A_886 = arith.shli %get3A_883, %shift_left3A_885 : vector<16xi32>
        %bitcast3A_887 = vector.bitcast %shift_left3A_886 : vector<16xi32> to vector<16xf32>
        %and3A_888 = arith.constant -65536 : i32
        %and3A_889 = vector.broadcast %and3A_888 : i32 to vector<16xi32>
        %and3A_890 = arith.andi %get3A_883, %and3A_889 : vector<16xi32>
        %bitcast3A_891 = vector.bitcast %and3A_890 : vector<16xi32> to vector<16xf32>
        %add3A_892 = arith.addf %scan3A_860, %bitcast3A_887 : vector<16xf32>
        %add3A_893 = arith.addf %scan3A_861, %bitcast3A_891 : vector<16xf32>
        %mul3A_894 = arith.constant 2 : i32
        %mul3A_895 = arith.muli %mul3A_894, %scan3A_857 : i32
        %add3A_896 = arith.constant 0 : i32
        %add3A_897 = arith.addi %add3A_896, %mul3A_895 : i32
        %add3A_898 = arith.constant 1 : i32
        %add3A_899 = arith.addi %add3A_897, %add3A_898 : i32
        %get3A_900 = arith.constant 1 : i32
        %get3A_901 = arith.index_cast %get3A_900 : i32 to index
        %get3A_902 = arith.index_cast %add3A_899 : i32 to index
        %get3A_903 = arith.constant 0 : index
        %get3A_904 = tpu.vector_load %arg6[%get3A_901, %get3A_902, %get3A_903] {strides = array<i32>} : memref<2x800x32xi32, #tpu.memory_space<vmem>>, vector<16xi32>,
        %shift_left3A_905 = arith.constant 16 : i32
        %shift_left3A_906 = vector.broadcast %shift_left3A_905 : i32 to vector<16xi32>
        %shift_left3A_907 = arith.shli %get3A_904, %shift_left3A_906 : vector<16xi32>
        %bitcast3A_908 = vector.bitcast %shift_left3A_907 : vector<16xi32> to vector<16xf32>
        %and3A_909 = arith.constant -65536 : i32
        %and3A_910 = vector.broadcast %and3A_909 : i32 to vector<16xi32>
        %and3A_911 = arith.andi %get3A_904, %and3A_910 : vector<16xi32>
        %bitcast3A_912 = vector.bitcast %and3A_911 : vector<16xi32> to vector<16xf32>
        %add3A_913 = arith.addf %add3A_877, %bitcast3A_908 : vector<16xf32>
        %add3A_914 = arith.addf %add3A_878, %bitcast3A_912 : vector<16xf32>
        %get3A_915 = arith.constant 1 : i32
        %get3A_916 = arith.index_cast %get3A_915 : i32 to index
        %get3A_917 = arith.index_cast %add3A_899 : i32 to index
        %get3A_918 = arith.constant 16 : index
        %get3A_919 = tpu.vector_load %arg6[%get3A_916, %get3A_917, %get3A_918] {strides = array<i32>} : memref<2x800x32xi32, #tpu.memory_space<vmem>>, vector<16xi32>,
        %shift_left3A_920 = arith.constant 16 : i32
        %shift_left3A_921 = vector.broadcast %shift_left3A_920 : i32 to vector<16xi32>
        %shift_left3A_922 = arith.shli %get3A_919, %shift_left3A_921 : vector<16xi32>
        %bitcast3A_923 = vector.bitcast %shift_left3A_922 : vector<16xi32> to vector<16xf32>
        %and3A_924 = arith.constant -65536 : i32
        %and3A_925 = vector.broadcast %and3A_924 : i32 to vector<16xi32>
        %and3A_926 = arith.andi %get3A_919, %and3A_925 : vector<16xi32>
        %bitcast3A_927 = vector.bitcast %and3A_926 : vector<16xi32> to vector<16xf32>
        %add3A_928 = arith.addf %add3A_892, %bitcast3A_923 : vector<16xf32>
        %add3A_929 = arith.addf %add3A_893, %bitcast3A_927 : vector<16xf32>
        scf.yield %add3A_913, %add3A_914, %add3A_928, %add3A_929 : vector<16xf32>, vector<16xf32>, vector<16xf32>, vector<16xf32>
      }
      %scan3A_702 = arith.constant 100 : i32
      %mul3A_703 = arith.constant 5.000000e-03 : f32
      %mul3A_704 = vector.broadcast %mul3A_703 : f32 to vector<16xf32>
      %mul3A_705 = arith.mulf %scan3A_701#0, %mul3A_704 : vector<16xf32>
      %swap3A_706 = arith.constant 0 : i32
      %swap3A_707 = arith.index_cast %swap3A_706 : i32 to index
      %swap3A_708 = arith.constant 0 : index
      %swap3A_709 = tpu.vector_load %arg7[%swap3A_707, %swap3A_708] {strides = array<i32>} : memref<4x64xf32, #tpu.memory_space<vmem>>, vector<16xf32>,
      tpu.vector_store %arg7[%swap3A_707, %swap3A_708], %mul3A_705 {strides = array<i32>} : memref<4x64xf32, #tpu.memory_space<vmem>>, vector<16xf32>,
      %mul3A_710 = arith.constant 5.000000e-03 : f32
      %mul3A_711 = vector.broadcast %mul3A_710 : f32 to vector<16xf32>
      %mul3A_712 = arith.mulf %scan3A_701#1, %mul3A_711 : vector<16xf32>
      %swap3A_713 = arith.constant 0 : i32
      %swap3A_714 = arith.index_cast %swap3A_713 : i32 to index
      %swap3A_715 = arith.constant 16 : index
      %swap3A_716 = tpu.vector_load %arg7[%swap3A_714, %swap3A_715] {strides = array<i32>} : memref<4x64xf32, #tpu.memory_space<vmem>>, vector<16xf32>,
      tpu.vector_store %arg7[%swap3A_714, %swap3A_715], %mul3A_712 {strides = array<i32>} : memref<4x64xf32, #tpu.memory_space<vmem>>, vector<16xf32>,
      %mul3A_717 = arith.constant 5.000000e-03 : f32
      %mul3A_718 = vector.broadcast %mul3A_717 : f32 to vector<16xf32>
      %mul3A_719 = arith.mulf %scan3A_701#2, %mul3A_718 : vector<16xf32>
      %swap3A_720 = arith.constant 0 : i32
      %swap3A_721 = arith.index_cast %swap3A_720 : i32 to index
      %swap3A_722 = arith.constant 32 : index
      %swap3A_723 = tpu.vector_load %arg7[%swap3A_721, %swap3A_722] {strides = array<i32>} : memref<4x64xf32, #tpu.memory_space<vmem>>, vector<16xf32>,
      tpu.vector_store %arg7[%swap3A_721, %swap3A_722], %mul3A_719 {strides = array<i32>} : memref<4x64xf32, #tpu.memory_space<vmem>>, vector<16xf32>,
      %mul3A_724 = arith.constant 5.000000e-03 : f32
      %mul3A_725 = vector.broadcast %mul3A_724 : f32 to vector<16xf32>
      %mul3A_726 = arith.mulf %scan3A_701#3, %mul3A_725 : vector<16xf32>
      %swap3A_727 = arith.constant 0 : i32
      %swap3A_728 = arith.index_cast %swap3A_727 : i32 to index
      %swap3A_729 = arith.constant 48 : index
      %swap3A_730 = tpu.vector_load %arg7[%swap3A_728, %swap3A_729] {strides = array<i32>} : memref<4x64xf32, #tpu.memory_space<vmem>>, vector<16xf32>,
      tpu.vector_store %arg7[%swap3A_728, %swap3A_729], %mul3A_726 {strides = array<i32>} : memref<4x64xf32, #tpu.memory_space<vmem>>, vector<16xf32>,
      %broadcast_in_dim3A_731 = arith.constant 0.000000e+00 : f32
      %broadcast_in_dim3A_732 = vector.broadcast %broadcast_in_dim3A_731 : f32 to vector<16xf32>
      %broadcast_in_dim3A_733 = arith.constant 0.000000e+00 : f32
      %broadcast_in_dim3A_734 = vector.broadcast %broadcast_in_dim3A_733 : f32 to vector<16xf32>
      %broadcast_in_dim3A_735 = arith.constant 0.000000e+00 : f32
      %broadcast_in_dim3A_736 = vector.broadcast %broadcast_in_dim3A_735 : f32 to vector<16xf32>
      %broadcast_in_dim3A_737 = arith.constant 0.000000e+00 : f32
      %broadcast_in_dim3A_738 = vector.broadcast %broadcast_in_dim3A_737 : f32 to vector<16xf32>
      %scan3A_739 = arith.constant 0 : i32
      %scan3A_740 = arith.constant 100 : i32
      %scan3A_741 = arith.addi %scan3A_739, %scan3A_740 : i32
      %scan3A_742 = arith.constant 1 : i32
      %scan3A_743:4 = scf.for %scan3A_857 = %scan3A_739 to %scan3A_741 step %scan3A_742 iter_args(%scan3A_858 = %broadcast_in_dim3A_732, %scan3A_859 = %broadcast_in_dim3A_734, %scan3A_860 = %broadcast_in_dim3A_736, %scan3A_861 = %broadcast_in_dim3A_738) -> (vector<16xf32>, vector<16xf32>, vector<16xf32>, vector<16xf32>)  : i32 {
        %mul3A_862 = arith.constant 2 : i32
        %mul3A_863 = arith.muli %mul3A_862, %scan3A_857 : i32
        %add3A_864 = arith.constant 200 : i32
        %add3A_865 = arith.addi %add3A_864, %mul3A_863 : i32
        %add3A_866 = arith.constant 0 : i32
        %add3A_867 = arith.addi %add3A_865, %add3A_866 : i32
        %get3A = arith.constant 1 : i32
        %get3A_868 = arith.index_cast %get3A : i32 to index
        %get3A_869 = arith.index_cast %add3A_867 : i32 to index
        %get3A_870 = arith.constant 0 : index
        %get3A_871 = tpu.vector_load %arg6[%get3A_868, %get3A_869, %get3A_870] {strides = array<i32>} : memref<2x800x32xi32, #tpu.memory_space<vmem>>, vector<16xi32>,
        %shift_left3A = arith.constant 16 : i32
        %shift_left3A_872 = vector.broadcast %shift_left3A : i32 to vector<16xi32>
        %shift_left3A_873 = arith.shli %get3A_871, %shift_left3A_872 : vector<16xi32>
        %bitcast3A = vector.bitcast %shift_left3A_873 : vector<16xi32> to vector<16xf32>
        %and3A = arith.constant -65536 : i32
        %and3A_874 = vector.broadcast %and3A : i32 to vector<16xi32>
        %and3A_875 = arith.andi %get3A_871, %and3A_874 : vector<16xi32>
        %bitcast3A_876 = vector.bitcast %and3A_875 : vector<16xi32> to vector<16xf32>
        %add3A_877 = arith.addf %scan3A_858, %bitcast3A : vector<16xf32>
        %add3A_878 = arith.addf %scan3A_859, %bitcast3A_876 : vector<16xf32>
        %get3A_879 = arith.constant 1 : i32
        %get3A_880 = arith.index_cast %get3A_879 : i32 to index
        %get3A_881 = arith.index_cast %add3A_867 : i32 to index
        %get3A_882 = arith.constant 16 : index
        %get3A_883 = tpu.vector_load %arg6[%get3A_880, %get3A_881, %get3A_882] {strides = array<i32>} : memref<2x800x32xi32, #tpu.memory_space<vmem>>, vector<16xi32>,
        %shift_left3A_884 = arith.constant 16 : i32
        %shift_left3A_885 = vector.broadcast %shift_left3A_884 : i32 to vector<16xi32>
        %shift_left3A_886 = arith.shli %get3A_883, %shift_left3A_885 : vector<16xi32>
        %bitcast3A_887 = vector.bitcast %shift_left3A_886 : vector<16xi32> to vector<16xf32>
        %and3A_888 = arith.constant -65536 : i32
        %and3A_889 = vector.broadcast %and3A_888 : i32 to vector<16xi32>
        %and3A_890 = arith.andi %get3A_883, %and3A_889 : vector<16xi32>
        %bitcast3A_891 = vector.bitcast %and3A_890 : vector<16xi32> to vector<16xf32>
        %add3A_892 = arith.addf %scan3A_860, %bitcast3A_887 : vector<16xf32>
        %add3A_893 = arith.addf %scan3A_861, %bitcast3A_891 : vector<16xf32>
        %mul3A_894 = arith.constant 2 : i32
        %mul3A_895 = arith.muli %mul3A_894, %scan3A_857 : i32
        %add3A_896 = arith.constant 200 : i32
        %add3A_897 = arith.addi %add3A_896, %mul3A_895 : i32
        %add3A_898 = arith.constant 1 : i32
        %add3A_899 = arith.addi %add3A_897, %add3A_898 : i32
        %get3A_900 = arith.constant 1 : i32
        %get3A_901 = arith.index_cast %get3A_900 : i32 to index
        %get3A_902 = arith.index_cast %add3A_899 : i32 to index
        %get3A_903 = arith.constant 0 : index
        %get3A_904 = tpu.vector_load %arg6[%get3A_901, %get3A_902, %get3A_903] {strides = array<i32>} : memref<2x800x32xi32, #tpu.memory_space<vmem>>, vector<16xi32>,
        %shift_left3A_905 = arith.constant 16 : i32
        %shift_left3A_906 = vector.broadcast %shift_left3A_905 : i32 to vector<16xi32>
        %shift_left3A_907 = arith.shli %get3A_904, %shift_left3A_906 : vector<16xi32>
        %bitcast3A_908 = vector.bitcast %shift_left3A_907 : vector<16xi32> to vector<16xf32>
        %and3A_909 = arith.constant -65536 : i32
        %and3A_910 = vector.broadcast %and3A_909 : i32 to vector<16xi32>
        %and3A_911 = arith.andi %get3A_904, %and3A_910 : vector<16xi32>
        %bitcast3A_912 = vector.bitcast %and3A_911 : vector<16xi32> to vector<16xf32>
        %add3A_913 = arith.addf %add3A_877, %bitcast3A_908 : vector<16xf32>
        %add3A_914 = arith.addf %add3A_878, %bitcast3A_912 : vector<16xf32>
        %get3A_915 = arith.constant 1 : i32
        %get3A_916 = arith.index_cast %get3A_915 : i32 to index
        %get3A_917 = arith.index_cast %add3A_899 : i32 to index
        %get3A_918 = arith.constant 16 : index
        %get3A_919 = tpu.vector_load %arg6[%get3A_916, %get3A_917, %get3A_918] {strides = array<i32>} : memref<2x800x32xi32, #tpu.memory_space<vmem>>, vector<16xi32>,
        %shift_left3A_920 = arith.constant 16 : i32
        %shift_left3A_921 = vector.broadcast %shift_left3A_920 : i32 to vector<16xi32>
        %shift_left3A_922 = arith.shli %get3A_919, %shift_left3A_921 : vector<16xi32>
        %bitcast3A_923 = vector.bitcast %shift_left3A_922 : vector<16xi32> to vector<16xf32>
        %and3A_924 = arith.constant -65536 : i32
        %and3A_925 = vector.broadcast %and3A_924 : i32 to vector<16xi32>
        %and3A_926 = arith.andi %get3A_919, %and3A_925 : vector<16xi32>
        %bitcast3A_927 = vector.bitcast %and3A_926 : vector<16xi32> to vector<16xf32>
        %add3A_928 = arith.addf %add3A_892, %bitcast3A_923 : vector<16xf32>
        %add3A_929 = arith.addf %add3A_893, %bitcast3A_927 : vector<16xf32>
        scf.yield %add3A_913, %add3A_914, %add3A_928, %add3A_929 : vector<16xf32>, vector<16xf32>, vector<16xf32>, vector<16xf32>
      }
      %scan3A_744 = arith.constant 100 : i32
      %mul3A_745 = arith.constant 5.000000e-03 : f32
      %mul3A_746 = vector.broadcast %mul3A_745 : f32 to vector<16xf32>
      %mul3A_747 = arith.mulf %scan3A_743#0, %mul3A_746 : vector<16xf32>
      %swap3A_748 = arith.constant 1 : i32
      %swap3A_749 = arith.index_cast %swap3A_748 : i32 to index
      %swap3A_750 = arith.constant 0 : index
      %swap3A_751 = tpu.vector_load %arg7[%swap3A_749, %swap3A_750] {strides = array<i32>} : memref<4x64xf32, #tpu.memory_space<vmem>>, vector<16xf32>,
      tpu.vector_store %arg7[%swap3A_749, %swap3A_750], %mul3A_747 {strides = array<i32>} : memref<4x64xf32, #tpu.memory_space<vmem>>, vector<16xf32>,
      %mul3A_752 = arith.constant 5.000000e-03 : f32
      %mul3A_753 = vector.broadcast %mul3A_752 : f32 to vector<16xf32>
      %mul3A_754 = arith.mulf %scan3A_743#1, %mul3A_753 : vector<16xf32>
      %swap3A_755 = arith.constant 1 : i32
      %swap3A_756 = arith.index_cast %swap3A_755 : i32 to index
      %swap3A_757 = arith.constant 16 : index
      %swap3A_758 = tpu.vector_load %arg7[%swap3A_756, %swap3A_757] {strides = array<i32>} : memref<4x64xf32, #tpu.memory_space<vmem>>, vector<16xf32>,
      tpu.vector_store %arg7[%swap3A_756, %swap3A_757], %mul3A_754 {strides = array<i32>} : memref<4x64xf32, #tpu.memory_space<vmem>>, vector<16xf32>,
      %mul3A_759 = arith.constant 5.000000e-03 : f32
      %mul3A_760 = vector.broadcast %mul3A_759 : f32 to vector<16xf32>
      %mul3A_761 = arith.mulf %scan3A_743#2, %mul3A_760 : vector<16xf32>
      %swap3A_762 = arith.constant 1 : i32
      %swap3A_763 = arith.index_cast %swap3A_762 : i32 to index
      %swap3A_764 = arith.constant 32 : index
      %swap3A_765 = tpu.vector_load %arg7[%swap3A_763, %swap3A_764] {strides = array<i32>} : memref<4x64xf32, #tpu.memory_space<vmem>>, vector<16xf32>,
      tpu.vector_store %arg7[%swap3A_763, %swap3A_764], %mul3A_761 {strides = array<i32>} : memref<4x64xf32, #tpu.memory_space<vmem>>, vector<16xf32>,
      %mul3A_766 = arith.constant 5.000000e-03 : f32
      %mul3A_767 = vector.broadcast %mul3A_766 : f32 to vector<16xf32>
      %mul3A_768 = arith.mulf %scan3A_743#3, %mul3A_767 : vector<16xf32>
      %swap3A_769 = arith.constant 1 : i32
      %swap3A_770 = arith.index_cast %swap3A_769 : i32 to index
      %swap3A_771 = arith.constant 48 : index
      %swap3A_772 = tpu.vector_load %arg7[%swap3A_770, %swap3A_771] {strides = array<i32>} : memref<4x64xf32, #tpu.memory_space<vmem>>, vector<16xf32>,
      tpu.vector_store %arg7[%swap3A_770, %swap3A_771], %mul3A_768 {strides = array<i32>} : memref<4x64xf32, #tpu.memory_space<vmem>>, vector<16xf32>,
      %broadcast_in_dim3A_773 = arith.constant 0.000000e+00 : f32
      %broadcast_in_dim3A_774 = vector.broadcast %broadcast_in_dim3A_773 : f32 to vector<16xf32>
      %broadcast_in_dim3A_775 = arith.constant 0.000000e+00 : f32
      %broadcast_in_dim3A_776 = vector.broadcast %broadcast_in_dim3A_775 : f32 to vector<16xf32>
      %broadcast_in_dim3A_777 = arith.constant 0.000000e+00 : f32
      %broadcast_in_dim3A_778 = vector.broadcast %broadcast_in_dim3A_777 : f32 to vector<16xf32>
      %broadcast_in_dim3A_779 = arith.constant 0.000000e+00 : f32
      %broadcast_in_dim3A_780 = vector.broadcast %broadcast_in_dim3A_779 : f32 to vector<16xf32>
      %scan3A_781 = arith.constant 0 : i32
      %scan3A_782 = arith.constant 100 : i32
      %scan3A_783 = arith.addi %scan3A_781, %scan3A_782 : i32
      %scan3A_784 = arith.constant 1 : i32
      %scan3A_785:4 = scf.for %scan3A_857 = %scan3A_781 to %scan3A_783 step %scan3A_784 iter_args(%scan3A_858 = %broadcast_in_dim3A_774, %scan3A_859 = %broadcast_in_dim3A_776, %scan3A_860 = %broadcast_in_dim3A_778, %scan3A_861 = %broadcast_in_dim3A_780) -> (vector<16xf32>, vector<16xf32>, vector<16xf32>, vector<16xf32>)  : i32 {
        %mul3A_862 = arith.constant 2 : i32
        %mul3A_863 = arith.muli %mul3A_862, %scan3A_857 : i32
        %add3A_864 = arith.constant 400 : i32
        %add3A_865 = arith.addi %add3A_864, %mul3A_863 : i32
        %add3A_866 = arith.constant 0 : i32
        %add3A_867 = arith.addi %add3A_865, %add3A_866 : i32
        %get3A = arith.constant 1 : i32
        %get3A_868 = arith.index_cast %get3A : i32 to index
        %get3A_869 = arith.index_cast %add3A_867 : i32 to index
        %get3A_870 = arith.constant 0 : index
        %get3A_871 = tpu.vector_load %arg6[%get3A_868, %get3A_869, %get3A_870] {strides = array<i32>} : memref<2x800x32xi32, #tpu.memory_space<vmem>>, vector<16xi32>,
        %shift_left3A = arith.constant 16 : i32
        %shift_left3A_872 = vector.broadcast %shift_left3A : i32 to vector<16xi32>
        %shift_left3A_873 = arith.shli %get3A_871, %shift_left3A_872 : vector<16xi32>
        %bitcast3A = vector.bitcast %shift_left3A_873 : vector<16xi32> to vector<16xf32>
        %and3A = arith.constant -65536 : i32
        %and3A_874 = vector.broadcast %and3A : i32 to vector<16xi32>
        %and3A_875 = arith.andi %get3A_871, %and3A_874 : vector<16xi32>
        %bitcast3A_876 = vector.bitcast %and3A_875 : vector<16xi32> to vector<16xf32>
        %add3A_877 = arith.addf %scan3A_858, %bitcast3A : vector<16xf32>
        %add3A_878 = arith.addf %scan3A_859, %bitcast3A_876 : vector<16xf32>
        %get3A_879 = arith.constant 1 : i32
        %get3A_880 = arith.index_cast %get3A_879 : i32 to index
        %get3A_881 = arith.index_cast %add3A_867 : i32 to index
        %get3A_882 = arith.constant 16 : index
        %get3A_883 = tpu.vector_load %arg6[%get3A_880, %get3A_881, %get3A_882] {strides = array<i32>} : memref<2x800x32xi32, #tpu.memory_space<vmem>>, vector<16xi32>,
        %shift_left3A_884 = arith.constant 16 : i32
        %shift_left3A_885 = vector.broadcast %shift_left3A_884 : i32 to vector<16xi32>
        %shift_left3A_886 = arith.shli %get3A_883, %shift_left3A_885 : vector<16xi32>
        %bitcast3A_887 = vector.bitcast %shift_left3A_886 : vector<16xi32> to vector<16xf32>
        %and3A_888 = arith.constant -65536 : i32
        %and3A_889 = vector.broadcast %and3A_888 : i32 to vector<16xi32>
        %and3A_890 = arith.andi %get3A_883, %and3A_889 : vector<16xi32>
        %bitcast3A_891 = vector.bitcast %and3A_890 : vector<16xi32> to vector<16xf32>
        %add3A_892 = arith.addf %scan3A_860, %bitcast3A_887 : vector<16xf32>
        %add3A_893 = arith.addf %scan3A_861, %bitcast3A_891 : vector<16xf32>
        %mul3A_894 = arith.constant 2 : i32
        %mul3A_895 = arith.muli %mul3A_894, %scan3A_857 : i32
        %add3A_896 = arith.constant 400 : i32
        %add3A_897 = arith.addi %add3A_896, %mul3A_895 : i32
        %add3A_898 = arith.constant 1 : i32
        %add3A_899 = arith.addi %add3A_897, %add3A_898 : i32
        %get3A_900 = arith.constant 1 : i32
        %get3A_901 = arith.index_cast %get3A_900 : i32 to index
        %get3A_902 = arith.index_cast %add3A_899 : i32 to index
        %get3A_903 = arith.constant 0 : index
        %get3A_904 = tpu.vector_load %arg6[%get3A_901, %get3A_902, %get3A_903] {strides = array<i32>} : memref<2x800x32xi32, #tpu.memory_space<vmem>>, vector<16xi32>,
        %shift_left3A_905 = arith.constant 16 : i32
        %shift_left3A_906 = vector.broadcast %shift_left3A_905 : i32 to vector<16xi32>
        %shift_left3A_907 = arith.shli %get3A_904, %shift_left3A_906 : vector<16xi32>
        %bitcast3A_908 = vector.bitcast %shift_left3A_907 : vector<16xi32> to vector<16xf32>
        %and3A_909 = arith.constant -65536 : i32
        %and3A_910 = vector.broadcast %and3A_909 : i32 to vector<16xi32>
        %and3A_911 = arith.andi %get3A_904, %and3A_910 : vector<16xi32>
        %bitcast3A_912 = vector.bitcast %and3A_911 : vector<16xi32> to vector<16xf32>
        %add3A_913 = arith.addf %add3A_877, %bitcast3A_908 : vector<16xf32>
        %add3A_914 = arith.addf %add3A_878, %bitcast3A_912 : vector<16xf32>
        %get3A_915 = arith.constant 1 : i32
        %get3A_916 = arith.index_cast %get3A_915 : i32 to index
        %get3A_917 = arith.index_cast %add3A_899 : i32 to index
        %get3A_918 = arith.constant 16 : index
        %get3A_919 = tpu.vector_load %arg6[%get3A_916, %get3A_917, %get3A_918] {strides = array<i32>} : memref<2x800x32xi32, #tpu.memory_space<vmem>>, vector<16xi32>,
        %shift_left3A_920 = arith.constant 16 : i32
        %shift_left3A_921 = vector.broadcast %shift_left3A_920 : i32 to vector<16xi32>
        %shift_left3A_922 = arith.shli %get3A_919, %shift_left3A_921 : vector<16xi32>
        %bitcast3A_923 = vector.bitcast %shift_left3A_922 : vector<16xi32> to vector<16xf32>
        %and3A_924 = arith.constant -65536 : i32
        %and3A_925 = vector.broadcast %and3A_924 : i32 to vector<16xi32>
        %and3A_926 = arith.andi %get3A_919, %and3A_925 : vector<16xi32>
        %bitcast3A_927 = vector.bitcast %and3A_926 : vector<16xi32> to vector<16xf32>
        %add3A_928 = arith.addf %add3A_892, %bitcast3A_923 : vector<16xf32>
        %add3A_929 = arith.addf %add3A_893, %bitcast3A_927 : vector<16xf32>
        scf.yield %add3A_913, %add3A_914, %add3A_928, %add3A_929 : vector<16xf32>, vector<16xf32>, vector<16xf32>, vector<16xf32>
      }
      %scan3A_786 = arith.constant 100 : i32
      %mul3A_787 = arith.constant 5.000000e-03 : f32
      %mul3A_788 = vector.broadcast %mul3A_787 : f32 to vector<16xf32>
      %mul3A_789 = arith.mulf %scan3A_785#0, %mul3A_788 : vector<16xf32>
      %swap3A_790 = arith.constant 2 : i32
      %swap3A_791 = arith.index_cast %swap3A_790 : i32 to index
      %swap3A_792 = arith.constant 0 : index
      %swap3A_793 = tpu.vector_load %arg7[%swap3A_791, %swap3A_792] {strides = array<i32>} : memref<4x64xf32, #tpu.memory_space<vmem>>, vector<16xf32>,
      tpu.vector_store %arg7[%swap3A_791, %swap3A_792], %mul3A_789 {strides = array<i32>} : memref<4x64xf32, #tpu.memory_space<vmem>>, vector<16xf32>,
      %mul3A_794 = arith.constant 5.000000e-03 : f32
      %mul3A_795 = vector.broadcast %mul3A_794 : f32 to vector<16xf32>
      %mul3A_796 = arith.mulf %scan3A_785#1, %mul3A_795 : vector<16xf32>
      %swap3A_797 = arith.constant 2 : i32
      %swap3A_798 = arith.index_cast %swap3A_797 : i32 to index
      %swap3A_799 = arith.constant 16 : index
      %swap3A_800 = tpu.vector_load %arg7[%swap3A_798, %swap3A_799] {strides = array<i32>} : memref<4x64xf32, #tpu.memory_space<vmem>>, vector<16xf32>,
      tpu.vector_store %arg7[%swap3A_798, %swap3A_799], %mul3A_796 {strides = array<i32>} : memref<4x64xf32, #tpu.memory_space<vmem>>, vector<16xf32>,
      %mul3A_801 = arith.constant 5.000000e-03 : f32
      %mul3A_802 = vector.broadcast %mul3A_801 : f32 to vector<16xf32>
      %mul3A_803 = arith.mulf %scan3A_785#2, %mul3A_802 : vector<16xf32>
      %swap3A_804 = arith.constant 2 : i32
      %swap3A_805 = arith.index_cast %swap3A_804 : i32 to index
      %swap3A_806 = arith.constant 32 : index
      %swap3A_807 = tpu.vector_load %arg7[%swap3A_805, %swap3A_806] {strides = array<i32>} : memref<4x64xf32, #tpu.memory_space<vmem>>, vector<16xf32>,
      tpu.vector_store %arg7[%swap3A_805, %swap3A_806], %mul3A_803 {strides = array<i32>} : memref<4x64xf32, #tpu.memory_space<vmem>>, vector<16xf32>,
      %mul3A_808 = arith.constant 5.000000e-03 : f32
      %mul3A_809 = vector.broadcast %mul3A_808 : f32 to vector<16xf32>
      %mul3A_810 = arith.mulf %scan3A_785#3, %mul3A_809 : vector<16xf32>
      %swap3A_811 = arith.constant 2 : i32
      %swap3A_812 = arith.index_cast %swap3A_811 : i32 to index
      %swap3A_813 = arith.constant 48 : index
      %swap3A_814 = tpu.vector_load %arg7[%swap3A_812, %swap3A_813] {strides = array<i32>} : memref<4x64xf32, #tpu.memory_space<vmem>>, vector<16xf32>,
      tpu.vector_store %arg7[%swap3A_812, %swap3A_813], %mul3A_810 {strides = array<i32>} : memref<4x64xf32, #tpu.memory_space<vmem>>, vector<16xf32>,
      %broadcast_in_dim3A_815 = arith.constant 0.000000e+00 : f32
      %broadcast_in_dim3A_816 = vector.broadcast %broadcast_in_dim3A_815 : f32 to vector<16xf32>
      %broadcast_in_dim3A_817 = arith.constant 0.000000e+00 : f32
      %broadcast_in_dim3A_818 = vector.broadcast %broadcast_in_dim3A_817 : f32 to vector<16xf32>
      %broadcast_in_dim3A_819 = arith.constant 0.000000e+00 : f32
      %broadcast_in_dim3A_820 = vector.broadcast %broadcast_in_dim3A_819 : f32 to vector<16xf32>
      %broadcast_in_dim3A_821 = arith.constant 0.000000e+00 : f32
      %broadcast_in_dim3A_822 = vector.broadcast %broadcast_in_dim3A_821 : f32 to vector<16xf32>
      %scan3A_823 = arith.constant 0 : i32
      %scan3A_824 = arith.constant 100 : i32
      %scan3A_825 = arith.addi %scan3A_823, %scan3A_824 : i32
      %scan3A_826 = arith.constant 1 : i32
      %scan3A_827:4 = scf.for %scan3A_857 = %scan3A_823 to %scan3A_825 step %scan3A_826 iter_args(%scan3A_858 = %broadcast_in_dim3A_816, %scan3A_859 = %broadcast_in_dim3A_818, %scan3A_860 = %broadcast_in_dim3A_820, %scan3A_861 = %broadcast_in_dim3A_822) -> (vector<16xf32>, vector<16xf32>, vector<16xf32>, vector<16xf32>)  : i32 {
        %mul3A_862 = arith.constant 2 : i32
        %mul3A_863 = arith.muli %mul3A_862, %scan3A_857 : i32
        %add3A_864 = arith.constant 600 : i32
        %add3A_865 = arith.addi %add3A_864, %mul3A_863 : i32
        %add3A_866 = arith.constant 0 : i32
        %add3A_867 = arith.addi %add3A_865, %add3A_866 : i32
        %get3A = arith.constant 1 : i32
        %get3A_868 = arith.index_cast %get3A : i32 to index
        %get3A_869 = arith.index_cast %add3A_867 : i32 to index
        %get3A_870 = arith.constant 0 : index
        %get3A_871 = tpu.vector_load %arg6[%get3A_868, %get3A_869, %get3A_870] {strides = array<i32>} : memref<2x800x32xi32, #tpu.memory_space<vmem>>, vector<16xi32>,
        %shift_left3A = arith.constant 16 : i32
        %shift_left3A_872 = vector.broadcast %shift_left3A : i32 to vector<16xi32>
        %shift_left3A_873 = arith.shli %get3A_871, %shift_left3A_872 : vector<16xi32>
        %bitcast3A = vector.bitcast %shift_left3A_873 : vector<16xi32> to vector<16xf32>
        %and3A = arith.constant -65536 : i32
        %and3A_874 = vector.broadcast %and3A : i32 to vector<16xi32>
        %and3A_875 = arith.andi %get3A_871, %and3A_874 : vector<16xi32>
        %bitcast3A_876 = vector.bitcast %and3A_875 : vector<16xi32> to vector<16xf32>
        %add3A_877 = arith.addf %scan3A_858, %bitcast3A : vector<16xf32>
        %add3A_878 = arith.addf %scan3A_859, %bitcast3A_876 : vector<16xf32>
        %get3A_879 = arith.constant 1 : i32
        %get3A_880 = arith.index_cast %get3A_879 : i32 to index
        %get3A_881 = arith.index_cast %add3A_867 : i32 to index
        %get3A_882 = arith.constant 16 : index
        %get3A_883 = tpu.vector_load %arg6[%get3A_880, %get3A_881, %get3A_882] {strides = array<i32>} : memref<2x800x32xi32, #tpu.memory_space<vmem>>, vector<16xi32>,
        %shift_left3A_884 = arith.constant 16 : i32
        %shift_left3A_885 = vector.broadcast %shift_left3A_884 : i32 to vector<16xi32>
        %shift_left3A_886 = arith.shli %get3A_883, %shift_left3A_885 : vector<16xi32>
        %bitcast3A_887 = vector.bitcast %shift_left3A_886 : vector<16xi32> to vector<16xf32>
        %and3A_888 = arith.constant -65536 : i32
        %and3A_889 = vector.broadcast %and3A_888 : i32 to vector<16xi32>
        %and3A_890 = arith.andi %get3A_883, %and3A_889 : vector<16xi32>
        %bitcast3A_891 = vector.bitcast %and3A_890 : vector<16xi32> to vector<16xf32>
        %add3A_892 = arith.addf %scan3A_860, %bitcast3A_887 : vector<16xf32>
        %add3A_893 = arith.addf %scan3A_861, %bitcast3A_891 : vector<16xf32>
        %mul3A_894 = arith.constant 2 : i32
        %mul3A_895 = arith.muli %mul3A_894, %scan3A_857 : i32
        %add3A_896 = arith.constant 600 : i32
        %add3A_897 = arith.addi %add3A_896, %mul3A_895 : i32
        %add3A_898 = arith.constant 1 : i32
        %add3A_899 = arith.addi %add3A_897, %add3A_898 : i32
        %get3A_900 = arith.constant 1 : i32
        %get3A_901 = arith.index_cast %get3A_900 : i32 to index
        %get3A_902 = arith.index_cast %add3A_899 : i32 to index
        %get3A_903 = arith.constant 0 : index
        %get3A_904 = tpu.vector_load %arg6[%get3A_901, %get3A_902, %get3A_903] {strides = array<i32>} : memref<2x800x32xi32, #tpu.memory_space<vmem>>, vector<16xi32>,
        %shift_left3A_905 = arith.constant 16 : i32
        %shift_left3A_906 = vector.broadcast %shift_left3A_905 : i32 to vector<16xi32>
        %shift_left3A_907 = arith.shli %get3A_904, %shift_left3A_906 : vector<16xi32>
        %bitcast3A_908 = vector.bitcast %shift_left3A_907 : vector<16xi32> to vector<16xf32>
        %and3A_909 = arith.constant -65536 : i32
        %and3A_910 = vector.broadcast %and3A_909 : i32 to vector<16xi32>
        %and3A_911 = arith.andi %get3A_904, %and3A_910 : vector<16xi32>
        %bitcast3A_912 = vector.bitcast %and3A_911 : vector<16xi32> to vector<16xf32>
        %add3A_913 = arith.addf %add3A_877, %bitcast3A_908 : vector<16xf32>
        %add3A_914 = arith.addf %add3A_878, %bitcast3A_912 : vector<16xf32>
        %get3A_915 = arith.constant 1 : i32
        %get3A_916 = arith.index_cast %get3A_915 : i32 to index
        %get3A_917 = arith.index_cast %add3A_899 : i32 to index
        %get3A_918 = arith.constant 16 : index
        %get3A_919 = tpu.vector_load %arg6[%get3A_916, %get3A_917, %get3A_918] {strides = array<i32>} : memref<2x800x32xi32, #tpu.memory_space<vmem>>, vector<16xi32>,
        %shift_left3A_920 = arith.constant 16 : i32
        %shift_left3A_921 = vector.broadcast %shift_left3A_920 : i32 to vector<16xi32>
        %shift_left3A_922 = arith.shli %get3A_919, %shift_left3A_921 : vector<16xi32>
        %bitcast3A_923 = vector.bitcast %shift_left3A_922 : vector<16xi32> to vector<16xf32>
        %and3A_924 = arith.constant -65536 : i32
        %and3A_925 = vector.broadcast %and3A_924 : i32 to vector<16xi32>
        %and3A_926 = arith.andi %get3A_919, %and3A_925 : vector<16xi32>
        %bitcast3A_927 = vector.bitcast %and3A_926 : vector<16xi32> to vector<16xf32>
        %add3A_928 = arith.addf %add3A_892, %bitcast3A_923 : vector<16xf32>
        %add3A_929 = arith.addf %add3A_893, %bitcast3A_927 : vector<16xf32>
        scf.yield %add3A_913, %add3A_914, %add3A_928, %add3A_929 : vector<16xf32>, vector<16xf32>, vector<16xf32>, vector<16xf32>
      }
      %scan3A_828 = arith.constant 100 : i32
      %mul3A_829 = arith.constant 5.000000e-03 : f32
      %mul3A_830 = vector.broadcast %mul3A_829 : f32 to vector<16xf32>
      %mul3A_831 = arith.mulf %scan3A_827#0, %mul3A_830 : vector<16xf32>
      %swap3A_832 = arith.constant 3 : i32
      %swap3A_833 = arith.index_cast %swap3A_832 : i32 to index
      %swap3A_834 = arith.constant 0 : index
      %swap3A_835 = tpu.vector_load %arg7[%swap3A_833, %swap3A_834] {strides = array<i32>} : memref<4x64xf32, #tpu.memory_space<vmem>>, vector<16xf32>,
      tpu.vector_store %arg7[%swap3A_833, %swap3A_834], %mul3A_831 {strides = array<i32>} : memref<4x64xf32, #tpu.memory_space<vmem>>, vector<16xf32>,
      %mul3A_836 = arith.constant 5.000000e-03 : f32
      %mul3A_837 = vector.broadcast %mul3A_836 : f32 to vector<16xf32>
      %mul3A_838 = arith.mulf %scan3A_827#1, %mul3A_837 : vector<16xf32>
      %swap3A_839 = arith.constant 3 : i32
      %swap3A_840 = arith.index_cast %swap3A_839 : i32 to index
      %swap3A_841 = arith.constant 16 : index
      %swap3A_842 = tpu.vector_load %arg7[%swap3A_840, %swap3A_841] {strides = array<i32>} : memref<4x64xf32, #tpu.memory_space<vmem>>, vector<16xf32>,
      tpu.vector_store %arg7[%swap3A_840, %swap3A_841], %mul3A_838 {strides = array<i32>} : memref<4x64xf32, #tpu.memory_space<vmem>>, vector<16xf32>,
      %mul3A_843 = arith.constant 5.000000e-03 : f32
      %mul3A_844 = vector.broadcast %mul3A_843 : f32 to vector<16xf32>
      %mul3A_845 = arith.mulf %scan3A_827#2, %mul3A_844 : vector<16xf32>
      %swap3A_846 = arith.constant 3 : i32
      %swap3A_847 = arith.index_cast %swap3A_846 : i32 to index
      %swap3A_848 = arith.constant 32 : index
      %swap3A_849 = tpu.vector_load %arg7[%swap3A_847, %swap3A_848] {strides = array<i32>} : memref<4x64xf32, #tpu.memory_space<vmem>>, vector<16xf32>,
      tpu.vector_store %arg7[%swap3A_847, %swap3A_848], %mul3A_845 {strides = array<i32>} : memref<4x64xf32, #tpu.memory_space<vmem>>, vector<16xf32>,
      %mul3A_850 = arith.constant 5.000000e-03 : f32
      %mul3A_851 = vector.broadcast %mul3A_850 : f32 to vector<16xf32>
      %mul3A_852 = arith.mulf %scan3A_827#3, %mul3A_851 : vector<16xf32>
      %swap3A_853 = arith.constant 3 : i32
      %swap3A_854 = arith.index_cast %swap3A_853 : i32 to index
      %swap3A_855 = arith.constant 48 : index
      %swap3A_856 = tpu.vector_load %arg7[%swap3A_854, %swap3A_855] {strides = array<i32>} : memref<4x64xf32, #tpu.memory_space<vmem>>, vector<16xf32>,
      tpu.vector_store %arg7[%swap3A_854, %swap3A_855], %mul3A_852 {strides = array<i32>} : memref<4x64xf32, #tpu.memory_space<vmem>>, vector<16xf32>,
      "tpu.region"() ({
        %run_scoped3A = tpu.sem_alloc : memref<!tpu.dma_semaphore, #tpu.memory_space<semaphore_mem>>
        %dma_start3A_857 = arith.constant 0 : i32
        %dma_start3A_858 = tpu.memref_slice %arg4[%add3A_688, %dma_start3A_857] : memref<4096x64xf32, #tpu.memory_space<hbm>> -> memref<4x64xf32, #tpu.memory_space<hbm>>
        %dma_start3A_859 = arith.constant 0 : i32
        %dma_start3A_860 = tpu.memref_slice %arg4[%add3A_688, %dma_start3A_859] : memref<4096x64xf32, #tpu.memory_space<hbm>> -> memref<4x64xf32, #tpu.memory_space<hbm>>
        tpu.enqueue_dma source(%arg7 : memref<4x64xf32, #tpu.memory_space<vmem>>) target(%dma_start3A_860 : memref<4x64xf32, #tpu.memory_space<hbm>>) target_semaphore(%run_scoped3A : memref<!tpu.dma_semaphore, #tpu.memory_space<semaphore_mem>>)
        %dma_wait3A_861 = arith.constant 0 : i32
        %dma_wait3A_862 = tpu.memref_slice %arg4[%add3A_688, %dma_wait3A_861] : memref<4096x64xf32, #tpu.memory_space<hbm>> -> memref<4x64xf32, #tpu.memory_space<hbm>>
        %dma_wait3A_863 = arith.constant 0 : i32
        %dma_wait3A_864 = tpu.memref_slice %arg4[%add3A_688, %dma_wait3A_863] : memref<4096x64xf32, #tpu.memory_space<hbm>> -> memref<4x64xf32, #tpu.memory_space<hbm>>
        tpu.wait_dma2 semaphore(%run_scoped3A : memref<!tpu.dma_semaphore, #tpu.memory_space<semaphore_mem>>) src(%arg7 : memref<4x64xf32, #tpu.memory_space<vmem>>) dst(%dma_wait3A_864 : memref<4x64xf32, #tpu.memory_space<hbm>>)
        tpu.yield
      }) : () -> ()
    }
    %scan3A_212 = arith.constant 16 : i32
    return
  }
}

module attributes {stable_mosaic.version = 14 : i64} {
  func.func @_conv_body(%arg0: i32, %arg1: memref<64x4096xf32, #tpu.memory_space<vmem>>, %arg2: memref<1024x128xi32, #tpu.memory_space<vmem>>) attributes {dimension_semantics = [#tpu.dimension_semantics<arbitrary>], iteration_bounds = array<i64: 25>, scalar_prefetch = 0 : i64, scratch_operands = 0 : i64, tpu.core_type = #tpu.core_type<tc>, window_params = [{transform_indices = @transform_0, window_bounds = array<i64: 64, 4096>}, {transform_indices = @transform_1, window_bounds = array<i64: 1024, 128>}]} {
    %mul3A = arith.constant 4096 : i32
    %mul3A_0 = arith.muli %arg0, %mul3A : i32
    %sub3A = arith.constant 100000 : i32
    %sub3A_1 = arith.subi %sub3A, %mul3A_0 : i32
    %iota3A = tpu.iota {dimensions = array<i32: 1>} : vector<64x4096xi32>
    %lt3A = vector.broadcast %sub3A_1 : i32 to vector<64x4096xi32>
    %lt3A_2 = arith.cmpi slt, %iota3A, %lt3A : vector<64x4096xi32>
    %get3A = arith.constant 0 : index
    %get3A_3 = arith.constant 0 : index
    %get3A_4 = vector.load %arg1[%get3A, %get3A_3] : memref<64x4096xf32, #tpu.memory_space<vmem>>, vector<64x4096xf32>
    %jit3A = arith.constant 0.000000e+00 : f32
    %broadcast_in_dim3A = vector.broadcast %jit3A : f32 to vector<64x4096xf32>
    %select_n3A = arith.select %lt3A_2, %get3A_4, %broadcast_in_dim3A : vector<64x4096xi1>, vector<64x4096xf32>
    %transpose3A = tpu.transpose %select_n3A, [1, 0] : vector<64x4096xf32> -> vector<4096x64xf32>
    %convert_element_type3A = arith.truncf %transpose3A : vector<4096x64xf32> to vector<4096x64xbf16>
    %slice3A = vector.extract_strided_slice %convert_element_type3A {offsets = [0, 0], sizes = [4096, 32], strides = [1, 1]} : vector<4096x64xbf16> to vector<4096x32xbf16>
    %bitcast_convert_type3A = tpu.bitcast %slice3A : vector<4096x32xbf16> -> vector<4096x32xi16>
    %slice3A_5 = vector.extract_strided_slice %convert_element_type3A {offsets = [0, 32], sizes = [4096, 32], strides = [1, 1]} : vector<4096x64xbf16> to vector<4096x32xbf16>
    %bitcast_convert_type3A_6 = tpu.bitcast %slice3A_5 : vector<4096x32xbf16> -> vector<4096x32xi16>
    %convert_element_type3A_7 = arith.extui %bitcast_convert_type3A_6 : vector<4096x32xi16> to vector<4096x32xi32>
    %shift_left3A = arith.constant 16 : i32
    %shift_left3A_8 = vector.broadcast %shift_left3A : i32 to vector<4096x32xi32>
    %shift_left3A_9 = arith.shli %convert_element_type3A_7, %shift_left3A_8 : vector<4096x32xi32>
    %convert_element_type3A_10 = arith.extui %bitcast_convert_type3A : vector<4096x32xi16> to vector<4096x32xi32>
    %or3A = arith.ori %shift_left3A_9, %convert_element_type3A_10 : vector<4096x32xi32>
    %bitcast_convert_type3A_11 = tpu.bitcast %or3A : vector<4096x32xi32> -> vector<4096x32xi32>
    %slice3A_12 = vector.extract_strided_slice %bitcast_convert_type3A_11 {offsets = [0, 0], sizes = [1024, 32], strides = [1, 1]} : vector<4096x32xi32> to vector<1024x32xi32>
    %swap3A = arith.constant 0 : index
    %swap3A_13 = arith.constant 0 : index
    %swap3A_14 = vector.load %arg2[%swap3A, %swap3A_13] : memref<1024x128xi32, #tpu.memory_space<vmem>>, vector<1024x32xi32>
    tpu.vector_store %arg2[%swap3A, %swap3A_13], %slice3A_12 {strides = array<i32>} : memref<1024x128xi32, #tpu.memory_space<vmem>>, vector<1024x32xi32>,
    %slice3A_15 = vector.extract_strided_slice %bitcast_convert_type3A_11 {offsets = [1024, 0], sizes = [1024, 32], strides = [1, 1]} : vector<4096x32xi32> to vector<1024x32xi32>
    %swap3A_16 = arith.constant 0 : index
    %swap3A_17 = arith.constant 32 : index
    %swap3A_18 = vector.load %arg2[%swap3A_16, %swap3A_17] : memref<1024x128xi32, #tpu.memory_space<vmem>>, vector<1024x32xi32>
    tpu.vector_store %arg2[%swap3A_16, %swap3A_17], %slice3A_15 {strides = array<i32>} : memref<1024x128xi32, #tpu.memory_space<vmem>>, vector<1024x32xi32>,
    %slice3A_19 = vector.extract_strided_slice %bitcast_convert_type3A_11 {offsets = [2048, 0], sizes = [1024, 32], strides = [1, 1]} : vector<4096x32xi32> to vector<1024x32xi32>
    %swap3A_20 = arith.constant 0 : index
    %swap3A_21 = arith.constant 64 : index
    %swap3A_22 = vector.load %arg2[%swap3A_20, %swap3A_21] : memref<1024x128xi32, #tpu.memory_space<vmem>>, vector<1024x32xi32>
    tpu.vector_store %arg2[%swap3A_20, %swap3A_21], %slice3A_19 {strides = array<i32>} : memref<1024x128xi32, #tpu.memory_space<vmem>>, vector<1024x32xi32>,
    %slice3A_23 = vector.extract_strided_slice %bitcast_convert_type3A_11 {offsets = [3072, 0], sizes = [1024, 32], strides = [1, 1]} : vector<4096x32xi32> to vector<1024x32xi32>
    %swap3A_24 = arith.constant 0 : index
    %swap3A_25 = arith.constant 96 : index
    %swap3A_26 = vector.load %arg2[%swap3A_24, %swap3A_25] : memref<1024x128xi32, #tpu.memory_space<vmem>>, vector<1024x32xi32>
    tpu.vector_store %arg2[%swap3A_24, %swap3A_25], %slice3A_23 {strides = array<i32>} : memref<1024x128xi32, #tpu.memory_space<vmem>>, vector<1024x32xi32>,
    return
  }
  func.func @transform_0(%arg0: i32) -> (i32, i32) {
    %c0_i32 = arith.constant 0 : i32
    %c0_i32_0 = arith.constant 0 : i32
    return %c0_i32, %arg0 : i32, i32
  }
  func.func @transform_1(%arg0: i32) -> (i32, i32) {
    %c0_i32 = arith.constant 0 : i32
    %c0_i32_0 = arith.constant 0 : i32
    return %arg0, %c0_i32 : i32, i32
  }
}

module attributes {stable_mosaic.version = 14 : i64} {
  func.func @_mlp_body(%arg0: i32, %arg1: memref<64x512xf32, #tpu.memory_space<vmem>>, %arg2: memref<256x64xf32, #tpu.memory_space<vmem>>, %arg3: memref<256x1xf32, #tpu.memory_space<vmem>>, %arg4: memref<3000x256xbf16, #tpu.memory_space<vmem>>, %arg5: memref<3000x1xf32, #tpu.memory_space<vmem>>, %arg6: memref<3000x512xf32, #tpu.memory_space<vmem>>) attributes {dimension_semantics = [#tpu.dimension_semantics<arbitrary>], iteration_bounds = array<i64: 8>, scalar_prefetch = 0 : i64, scratch_operands = 0 : i64, tpu.core_type = #tpu.core_type<tc>, window_params = [{transform_indices = @transform_0, window_bounds = array<i64: 64, 512>}, {pipeline_mode = #tpu.pipeline_mode<synchronous>, transform_indices = @transform_1, window_bounds = array<i64: 256, 64>}, {pipeline_mode = #tpu.pipeline_mode<synchronous>, transform_indices = @transform_2, window_bounds = array<i64: 256, 1>}, {pipeline_mode = #tpu.pipeline_mode<synchronous>, transform_indices = @transform_3, window_bounds = array<i64: 3000, 256>}, {pipeline_mode = #tpu.pipeline_mode<synchronous>, transform_indices = @transform_4, window_bounds = array<i64: 3000, 1>}, {transform_indices = @transform_5, window_bounds = array<i64: 3000, 512>}]} {
    %get3A = arith.constant 0 : index
    %get3A_0 = arith.constant 0 : index
    %get3A_1 = vector.load %arg2[%get3A, %get3A_0] : memref<256x64xf32, #tpu.memory_space<vmem>>, vector<256x64xf32>
    %get3A_2 = arith.constant 0 : index
    %get3A_3 = arith.constant 0 : index
    %get3A_4 = vector.load %arg1[%get3A_2, %get3A_3] : memref<64x512xf32, #tpu.memory_space<vmem>>, vector<64x512xf32>
    %dot_general3A = arith.constant dense<0.000000e+00> : vector<256x512xf32>
    %dot_general3A_5 = tpu.matmul %get3A_1, %get3A_4, %dot_general3A {dimension_numbers = #tpu.dot_dimension_numbers<[1], [0], [0], [1], [0, 0, 1, 1], [], []>, transpose_lhs_hint = false} : vector<256x64xf32>, vector<64x512xf32>, vector<256x512xf32> -> vector<256x512xf32>
    %get3A_6 = arith.constant 0 : index
    %get3A_7 = arith.constant 0 : index
    %get3A_8 = vector.load %arg3[%get3A_6, %get3A_7] : memref<256x1xf32, #tpu.memory_space<vmem>>, vector<256x1xf32>
    %add3A = vector.broadcast %get3A_8 : vector<256x1xf32> to vector<256x512xf32>
    %add3A_9 = arith.addf %dot_general3A_5, %add3A : vector<256x512xf32>
    %max3A = arith.constant 0.000000e+00 : f32
    %max3A_10 = vector.broadcast %max3A : f32 to vector<256x512xf32>
    %max3A_11 = arith.maximumf %add3A_9, %max3A_10 : vector<256x512xf32>
    %convert_element_type3A = arith.truncf %max3A_11 : vector<256x512xf32> to vector<256x512xbf16>
    %get3A_12 = arith.constant 0 : index
    %get3A_13 = arith.constant 0 : index
    %get3A_14 = vector.load %arg4[%get3A_12, %get3A_13] : memref<3000x256xbf16, #tpu.memory_space<vmem>>, vector<3000x256xbf16>
    %dot_general3A_15 = arith.constant dense<0.000000e+00> : vector<3000x512xf32>
    %dot_general3A_16 = tpu.matmul %get3A_14, %convert_element_type3A, %dot_general3A_15 {dimension_numbers = #tpu.dot_dimension_numbers<[1], [0], [0], [1], [0, 0, 1, 1], [], []>, transpose_lhs_hint = false} : vector<3000x256xbf16>, vector<256x512xbf16>, vector<3000x512xf32> -> vector<3000x512xf32>
    %get3A_17 = arith.constant 0 : index
    %get3A_18 = arith.constant 0 : index
    %get3A_19 = vector.load %arg5[%get3A_17, %get3A_18] : memref<3000x1xf32, #tpu.memory_space<vmem>>, vector<3000x1xf32>
    %add3A_20 = vector.broadcast %get3A_19 : vector<3000x1xf32> to vector<3000x512xf32>
    %add3A_21 = arith.addf %dot_general3A_16, %add3A_20 : vector<3000x512xf32>
    %swap3A = arith.constant 0 : index
    %swap3A_22 = arith.constant 0 : index
    %swap3A_23 = vector.load %arg6[%swap3A, %swap3A_22] : memref<3000x512xf32, #tpu.memory_space<vmem>>, vector<3000x512xf32>
    tpu.vector_store %arg6[%swap3A, %swap3A_22], %add3A_21 {strides = array<i32>} : memref<3000x512xf32, #tpu.memory_space<vmem>>, vector<3000x512xf32>,
    return
  }
  func.func @transform_0(%arg0: i32) -> (i32, i32) {
    %c0_i32 = arith.constant 0 : i32
    %c0_i32_0 = arith.constant 0 : i32
    return %c0_i32, %arg0 : i32, i32
  }
  func.func @transform_1(%arg0: i32) -> (i32, i32) {
    %c0_i32 = arith.constant 0 : i32
    %c0_i32_0 = arith.constant 0 : i32
    %c0_i32_1 = arith.constant 0 : i32
    return %c0_i32, %c0_i32_0 : i32, i32
  }
  func.func @transform_2(%arg0: i32) -> (i32, i32) {
    %c0_i32 = arith.constant 0 : i32
    %c0_i32_0 = arith.constant 0 : i32
    %c0_i32_1 = arith.constant 0 : i32
    return %c0_i32, %c0_i32_0 : i32, i32
  }
  func.func @transform_3(%arg0: i32) -> (i32, i32) {
    %c0_i32 = arith.constant 0 : i32
    %c0_i32_0 = arith.constant 0 : i32
    %c0_i32_1 = arith.constant 0 : i32
    return %c0_i32, %c0_i32_0 : i32, i32
  }
  func.func @transform_4(%arg0: i32) -> (i32, i32) {
    %c0_i32 = arith.constant 0 : i32
    %c0_i32_0 = arith.constant 0 : i32
    %c0_i32_1 = arith.constant 0 : i32
    return %c0_i32, %c0_i32_0 : i32, i32
  }
  func.func @transform_5(%arg0: i32) -> (i32, i32) {
    %c0_i32 = arith.constant 0 : i32
    %c0_i32_0 = arith.constant 0 : i32
    return %c0_i32, %arg0 : i32, i32
  }
}

</mosaic_0001>

<sc_bundles>
// kernel: kernel.5.cloned.1.call-start
scs
__scs_entry_jumppad:
0x0: {  	(pc) =	sbr.rel $0x88, $3  }
0x1: {  	(tag) =	ssettag $0x0;
	lr =	simm.s32 $0x1  }
0x2: {  	[smem:$0x3F9B] =	sst lr;
	_ =	strace $0xD0000000  }
0x3: {  	_ = 	snop  }
0x4: {  	_ = 	snop  }
0x5: {  	_ = 	snop  }
0x6: {  	_ = 	snop  }
0x7: {  	_ = 	snop  }
__scs_overlays_trampoline_lowered:
0x8: {  	[smem:$0x3FAA] =	sst s0  }
0x9: {  	[smem:$0x3FAB] =	sst s1  }
0xa: {  	[smem:$0x3FAC] =	sst s2  }
0xb: {  	[smem:$0x3FAD] =	sst s3  }
0xc: {  	[smem:$0x3FAE] =	sst s4  }
0xd: {  	[smem:$0x3FAF] =	sst s5  }
0xe: {  	[smem:$0x3FB0] =	sst s6  }
0xf: {  	[smem:$0x3FB1] =	sst s7  }
0x10: {  	[smem:$0x3FB2] =	sst s8  }
0x11: {  	[smem:$0x3FB3] =	sst s9;
	s0 =	simm.s32 @!p0 $0x0  }
0x12: {  	s1 =	sld [smem:$0x3F99];
	s0 =	simm.s32 @p0 $0x1  }
0x13: {  	[smem:$0x3FB4] =	sst s0;
	s0 =	simm.s32 @!p1 $0x0  }
0x14: {  	s2 =	sld [smem:$0x3F98];
	s0 =	simm.s32 @p1 $0x1  }
0x15: {  	[smem:$0x3FB5] =	sst s0;
	s0 =	simm.s32 @!p2 $0x0  }
0x16: {  	s3 =	sld [smem:$0x3FDB];
	s0 =	simm.s32 @p2 $0x1  }
0x17: {  	s4 =	simm.s32 $0x1BF5;
	[smem:$0x3FB7] =	sst s0  }
0x18: {  	s0 =	sld [smem:$0x3F9A];
	_ =	swait.ge [sflag:s4], $0x0  }
0x19: {  	s7 =	sld [smem:$0x3F9B]  }
0x1a: {  	s8 =	sadd.s32 $0xFFFFE003, lr  }
0x1b: {  	s9 =	sadd.s32 $0xFFFFFEF7, lr;
	s5 =	simm.s32 $0xFFFFFFFF;
	p2 =	slt.u32 s8, $0xFFFFF086  }
0x1c: {  	p1 =	slt.u32 s9, $0xF7A;
	s5 =	simm.s32 @!p2 $0x0  }
0x1d: {  	s5 =	simm.s32 @p1 $0x1;
	p0 =	seq.s32 s7, s2  }
0x1e: {  	s7 =	smul.u32 @!p0 $0xF7A, s2;
	p2 =	seq.s32 @!p0 s5, $0x0  }
0x1f: {  	s9 =	smul.u32 $0xF7A, s1;
	s8 =	simm.s32 @!p0 $0x1BF5;
	p2 =	por !p2, p0  }
0x20: {  	[sflag:s8] =	ssyncset.s32 @!p0 $0xFFFFF086;
	s6 =	sadd.s32 @!p0 s3, s7;
	s7 =	simm.s32 @!p0 $0x108  }
0x21: {  	s3 =	sadd.s32 s3, s9;
	s6 =	sadd.s32 @!p0 $0x88, s6;
	s7 =	simm.s32 @p2 $0x1082  }
0x22: {  	[simem:s7], [sflag:s8] =	dma.local @!p0 [hbm:s6], $0xF7A  }
0x23: {  	s9 =	sor.u32 $0xD0000000, s2;
	s6 =	simm.s32 $0x108;
	_ =	swait.ge @!p0 [sflag:s8], $0x0  }
0x24: {  	s3 =	sadd.s32 $0x88, s3;
	s6 =	simm.s32 @!p1 $0x1082;
	[sflag:s4] =	ssyncset.s32 $0xFFFFF086  }
0x25: {  	[simem:s6], [sflag:s4] =	dma.local [hbm:s3], $0xF7A  }
0x26: {  	[smem:$0x3F9B] =	sst s1;
	(tag) =	ssettag s2;
	_ =	strace s9  }
0x27: {  	s1 =	sld [smem:$0x3FAB]  }
0x28: {  	s2 =	sld [smem:$0x3FAC]  }
0x29: {  	s4 =	sld [smem:$0x3FAE]  }
0x2a: {  	p0 =	seq.s32 s5, $0x0;
	s5 =	sld [smem:$0x3FAF]  }
0x2b: {  	s6 =	sld [smem:$0x3FB0]  }
0x2c: {  	s7 =	sld [smem:$0x3FB1]  }
0x2d: {  	s3 =	simm.s32 $0x108;
	s8 =	sld [smem:$0x3FB2]  }
0x2e: {  	s3 =	simm.s32 @!p0 $0x1082;
	s9 =	sld [smem:$0x3FB3]  }
0x2f: {  	lr =	sadd.s32 s0, s3;
	s0 =	sld [smem:$0x3FAA]  }
0x30: {  	s3 =	sld [smem:$0x3FAD]  }
0x31: {  	[smem:$0x3FB6] =	sst s10  }
0x32: {  	s10 =	sld [smem:$0x3FB4];
	_ =	sdelay $0x3  }
0x33: {  	p0 =	seq.s32 s10, $0x1;
	s10 =	sld [smem:$0x3FB6];
	_ =	sdelay $0x3  }
0x34: {  	[smem:$0x3FB6] =	sst s10  }
0x35: {  	s10 =	sld [smem:$0x3FB5];
	_ =	sdelay $0x3  }
0x36: {  	p1 =	seq.s32 s10, $0x1;
	s10 =	sld [smem:$0x3FB6];
	_ =	sdelay $0x3  }
0x37: {  	[smem:$0x3FB6] =	sst s10  }
0x38: {  	s10 =	sld [smem:$0x3FB7]  }
0x39: {  	_ = 	snop;
	(pc) =	sbr.ind lr, $3  }
0x3a: {  	_ = 	snop  }
0x3b: {  	_ = 	snop  }
0x3c: {  	p2 =	seq.s32 s10, $0x1;
	s10 =	sld [smem:$0x3FB6]  }
0x3d: {  	_ =	shalt  }
0x3e: {  	_ =	shalt  }
0x3f: {  	_ =	shalt  }
0x40: {  	_ =	shalt  }
0x41: {  	_ =	shalt  }
0x42: {  	_ =	shalt  }
0x43: {  	_ =	shalt  }
0x44: {  	_ =	shalt  }
0x45: {  	_ =	shalt  }
0x46: {  	_ =	shalt  }
0x47: {  	_ =	shalt  }
0x48: {  	_ =	shalt  }
0x49: {  	_ =	shalt  }
0x4a: {  	_ =	shalt  }
0x4b: {  	_ =	shalt  }
0x4c: {  	_ =	shalt  }
0x4d: {  	_ =	shalt  }
0x4e: {  	_ =	shalt  }
0x4f: {  	_ =	shalt  }
0x50: {  	_ =	shalt  }
0x51: {  	_ =	shalt  }
0x52: {  	_ =	shalt  }
0x53: {  	_ =	shalt  }
0x54: {  	_ =	shalt  }
0x55: {  	_ =	shalt  }
0x56: {  	_ =	shalt  }
0x57: {  	_ =	shalt  }
0x58: {  	_ =	shalt  }
0x59: {  	_ =	shalt  }
0x5a: {  	_ =	shalt  }
0x5b: {  	_ =	shalt  }
0x5c: {  	_ =	shalt  }
0x5d: {  	_ =	shalt  }
0x5e: {  	_ =	shalt  }
0x5f: {  	_ =	shalt  }
0x60: {  	_ =	shalt  }
0x61: {  	_ =	shalt  }
0x62: {  	_ =	shalt  }
0x63: {  	_ =	shalt  }
0x64: {  	_ =	shalt  }
0x65: {  	_ =	shalt  }
0x66: {  	_ =	shalt  }
0x67: {  	_ =	shalt  }
0x68: {  	_ =	shalt  }
0x69: {  	_ =	shalt  }
0x6a: {  	_ =	shalt  }
0x6b: {  	_ =	shalt  }
0x6c: {  	_ =	shalt  }
0x6d: {  	_ =	shalt  }
0x6e: {  	_ =	shalt  }
0x6f: {  	_ =	shalt  }
0x70: {  	_ =	shalt  }
0x71: {  	_ =	shalt  }
0x72: {  	_ =	shalt  }
0x73: {  	_ =	shalt  }
0x74: {  	_ =	shalt  }
0x75: {  	_ =	shalt  }
0x76: {  	_ =	shalt  }
0x77: {  	_ =	shalt  }
0x78: {  	_ =	shalt  }
0x79: {  	_ =	shalt  }
0x7a: {  	_ =	shalt  }
0x7b: {  	_ =	shalt  }
0x7c: {  	_ =	shalt  }
0x7d: {  	_ =	shalt  }
0x7e: {  	_ =	shalt  }
0x7f: {  	_ =	shalt  }
0x80: {  	_ =	shalt  }
0x81: {  	_ =	shalt  }
0x82: {  	_ =	shalt  }
0x83: {  	_ =	shalt  }
0x84: {  	_ =	shalt  }
0x85: {  	_ =	shalt  }
0x86: {  	_ =	shalt  }
0x87: {  	_ =	shalt  }
.Lfunc_end0:
.L_simem_size_0:
called_computation_lowered:
.L_overlay_start_0:
0x88: {  	s2 =	sld [smem:$0x3FD9]  }
0x89: {  	s3 =	sld [smem:$0x3FFE];
	_ =	sdelay $0x1  }
0x8a: {  	s1 =	srdreg.scid  }
0x8b: {  	s0 =	sand.u32 $0x1, s1  }
0x8c: {  	s17 =	sshll.u32 s0, $0xA;
	s2 =	sadd.s32 s3, s2  }
0x8d: {  	s2 =	sadd.s32 s2, s17  }
0x8e: {  	[smem:$0x3FC2] =	sst s2  }
0x8f: {  	_ = 	snop  }
0x90: {  	s2 =	sld [smem:$0x3FD0];
	(tm) =	ssettm $0x1  }
0x91: {  	s18 =	sld [smem:$0x3FFB];
	_ =	sdelay $0x3  }
0x92: {  	_ =	strace s18  }
0x93: {  	s3 =	sld [smem:$0x3FFC];
	_ =	sdelay $0x3  }
0x94: {  	_ =	strace s3  }
0x95: {  	s3 =	sld [smem:$0x3FFD];
	_ =	sdelay $0x3  }
0x96: {  	_ =	strace s3  }
0x97: {  	_ =	strace $0x8FFFFFFF  }
0x98: {  	s19 =	sld [smem:$0x3FDB];
	_ =	sdelay $0x1  }
0x99: {  	s4 =	simm.s32 $_scs_section_size  }
0x9a: {  	s5 =	simm.s32 $_size__tile_overlayer_lowered;
	s6 =	simm.s32 $_tile_overlayer_lowered  }
0x9b: {  	s22 =	simm.s32 $0x1BFF;
	s21 =	sshll.u32 s6, $0x1;
	s3 =	sadd.s32 s4, s19  }
0x9c: {  	s7 =	simm.s32 $0x0;
	s20 =	sshll.u32 s5, $0x1;
	s5 =	sadd.s32 s21, s3  }
0x9d: {  	[timem:s7], [sflag:s22] =	dma.local [hbm:s5], s20  }
0x9e: {  	_ =	swait.ge [sflag:s22], s20  }
0x9f: {  	s4 =	ssub.s32 $0x0, s20;
	[sflag:s22] =	ssyncset.done $0x0  }
0xa0: {  	[sflag:s22] =	ssyncadd.s32 s4;
	_ =	sdelay $0x1  }
0xa1: {  	s23 =	simm.s32 $0x1B8B  }
0xa2: {  	_ =	swait.ge [sflag:s23], $0x1  }
0xa3: {  	[sflag:s23] =	ssyncset.done $0x0  }
0xa4: {  	s25 =	simm.s32 $0x1B8E;
	s24 =	sld [smem:$0x3FFE];
	[sflag:s23] =	ssyncadd.s32 $0xFFFFFFFF  }
0xa5: {  	s26 =	simm.s32 $execute0_lowered;
	[smem:$0x3FD2] =	sst s25  }
0xa6: {  	s5 =	sshll.u32 s26, $0x1;
	_ =	strace $0x80000046;
	[dreg:$0x1] =	wrdreg $0xFFFFFFFF  }
0xa7: {  	s28 =	simm.s32 $_size_execute0_lowered;
	s3 =	sadd.s32 s3, s5;
	[dreg:$0x0] =	wrdreg $0x0  }
0xa8: {  	s5 =	sshll.u32 s28, $0x1;
	[dreg:$0x2] =	wrdreg s3  }
0xa9: {  	[dreg:$0x3] =	wrdreg s5  }
0xaa: {  	[dreg:$0x4] =	wrdreg $0xC0  }
0xab: {  	_ =	task [dreg:s7], $0x5FFFF  }
0xac: {  	[dreg:$0x1] =	wrdreg $0xFFFFFFFF  }
0xad: {  	[dreg:$0x0] =	wrdreg $0x60  }
0xae: {  	[dreg:$0x2] =	wrdreg s24  }
0xaf: {  	[dreg:$0x3] =	wrdreg s2  }
0xb0: {  	[dreg:$0x4] =	wrdreg $0x9  }
0xb1: {  	_ =	task.clear_ibuf [dreg:s7], $0x5FFFF;
	_ =	strace $0x90000046  }
0xb2: {  	s29 =	simm.s32 $0x9;
	_ =	strace $0x80000048  }
0xb3: {  	_ =	swait.ge [sflag:s29], $0x1  }
0xb4: {  	[sflag:s29] =	ssyncadd.s32 $0xFFFFFFFF  }
0xb5: {  	_ =	strace $0x90000048  }
0xb6: {  	_ =	sfence  }
0xb7: {  	s30 =	sld [smem:$0x0];
	_ =	sdelay $0x2  }
0xb8: {  	s31 =	sshll.u32 s1, $0xD;
	s1 =	sshrl.u32 s1, $0x2  }
0xb9: {  	s3 =	sand.u32 $0x4000, s31;
	s1 =	sadd.s32 s1, s30  }
0xba: {  	s0 =	sor.u32 s3, s0;
	s1 =	sshll.u32 s1, $0x11  }
0xbb: {  	s0 =	sor.u32 s1, s0  }
0xbc: {  	s0 =	sadd.s32 $0x8F2B, s0  }
0xbd: {  	[sflag:s0] =	ssyncadd.remote.s32 $0x1  }
0xbe: {  	_ =	sfence.sel $0xFFFF  }
0xbf: {  	[dreg:$0x0] =	wrdreg $0xFFFFFFFF;
	(pc) =	sbr.abs _section_cstart, $3  }
0xc0: {  	[dreg:$0x1] =	wrdreg $0xFFFFFFFF  }
0xc1: {  	_ =	task.clear_ibuf [dreg:s7], $0x2FFFF;
	_ =	strace $0x9FFFFFFF  }
0xc2: {  	(tm) =	ssettm $0x7FFFFFFF  }
0xc3: {  	_ =	shalt  }
tec
execute0_lowered:
.L_overlay_start_1:
0x0: {  	(tag) =	ssettag $0x1  }
0x1: {  	s0 =	rddreg [dreg:$0x0]  }
0x2: {  	s1 =	srdreg.scid;
	s3 =	stileid.u32  }
0x3: {  	s2 =	rddreg [dreg:$0x1];
	s7 =	simm.s32 $0x3;
	s8 =	simm.s32 $0x28  }
0x4: {  	s28 =	simm.s32 $0xDC00;
	s29 =	simm.s32 $0xE100;
	s30 =	simm.s32 $0xE600  }
0x5: {  	s31 =	simm.s32 $0xEB00;
	s9 =	simm.s32 $0xFA00;
	s10 =	simm.s32 $0xFF00  }
0x6: {  	s11 =	simm.s32 $0x10400;
	s12 =	simm.s32 $0x10900;
	s13 =	simm.s32 $0x10E00  }
0x7: {  	s14 =	simm.s32 $0x11300;
	s15 =	simm.s32 $0x11800;
	s16 =	simm.s32 $0x11D00  }
0x8: {  	s17 =	simm.s32 $0x12200;
	s18 =	simm.s32 $0x12700;
	s19 =	simm.s32 $0x1  }
0x9: {  	s20 =	simm.s32 $0x12C00;
	s1 =	sand.u32 $0x1, s1;
	s4 =	sshll.u32 s3, $0x1  }
0xa: {  	s21 =	simm.s32 $0x2;
	s3 =	simm.s32 $0x0;
	s4 =	sor.u32 s1, s4  }
0xb: {  	[smem:$0x7FF] =	sst s3;
	s1 =	ssub.s32 $0x2, s1;
	s5 =	smul.u32 $0xC80, s4  }
0xc: {  	_ =	strace $0x80000047;
	s4 =	sshll.u32 s4, $0xA;
	s6 =	sshrl.u32 s1, $0x1  }
0xd: {  	s1 =	ssub.s32 s1, s6;
	s6 =	simm.s32 $0x0;
	s5 =	sadd.s32 s5, s0  }
0xe: {  	s0 =	sadd.s32 s4, s0;
	s26 =	smax.u32 s1, $0x1;
	s1 =	simm.s32 $0xF000  }
0xf: {  	s25 =	sadd.s32 $0x1000, s5;
	s5 =	sadd.s32 $0x1A000, s0;
	[dreg:$0x4] =	wrdreg s26  }
0x10: {  	s26 =	simm.s32 $0xD700;
	s0 =	simm.s32 $0xF500;
	[dreg:$0x3] =	wrdreg s25  }
.LBB2_1:
0x11: {  	[dreg:$0x5] =	wrdreg s6  }
0x12: {  	s4 =	rddreg [dreg:$0x3]  }
0x13: {  	[tilespmem:s3], [sflag:$0x3] =	stream.linear.gather [hbm4b:s4+s3], $0x6400, $0x38;
	[tilespmem:$0x12D00] =	vst v63  }
0x14: {  	_ =	swait.ge [sflag:s7], $0x6400  }
0x15: {  	[sflag:s7] =	ssyncset.done $0x0  }
0x16: {  	s6 =	simm.s32 $0x40;
	s4 =	simm.s32 $0x0;
	[sflag:s7] =	ssyncadd.s32 $0xFFFF9C00  }
.LBB2_2:
0x17: {  	p0 =	sne.s32 s6, $0x18FC0;
	v0 =	vld [tilespmem:s4+$0x0];
	_ =	sdelay $0x4  }
.Ltmp0:
0x18: {  	v1 =	vshll.u32 v0, $0x2;
	(pc) =	sbr.rel @p0 .LBB2_2-.Ltmp0, $4  }
0x19: {  	v2 =	vand.u32 $0xFFFFF000, v0;
	v0 =	vshrl.u32 v0, $0xA;
	v1 =	vand.u32 $0xFFC, v1  }
0x1a: {  	v0 =	vand.u32 $0x3, v0;
	v1 =	vor.u32 v2, v1  }
0x1b: {  	v0 =	vor.u32 v0, v1  }
0x1c: {  	[tilespmem:s4+$0x0] =	vst v0;
	s4 =	sshra.s32 s6, $0x2;
	s6 =	sadd.s32 $0x40, s6  }
0x1d: {  	v0 =	vld [tilespmem:s4+$0x0];
	_ =	sdelay $0x4  }
0x1e: {  	v1 =	vshll.u32 v0, $0x2  }
0x1f: {  	v2 =	vand.u32 $0xFFFFF000, v0;
	v0 =	vshrl.u32 v0, $0xA;
	v1 =	vand.u32 $0xFFC, v1  }
0x20: {  	v0 =	vand.u32 $0x3, v0;
	v1 =	vor.u32 v2, v1  }
0x21: {  	v0 =	vor.u32 v0, v1  }
0x22: {  	s6 =	simm.s32 $0x6400;
	[tilespmem:s4+$0x0] =	vst v0;
	s4 =	simm.s32 $0x0  }
0x23: {  	[tilespmem:s6], [sflag:$0x1] =	stream.indirect.gather [hbm4b:s2+s8], $0x20, s4, s8, $0xb8;
	[tilespmem:$0x12D00] =	vst v63  }
0x24: {  	s22 =	simm.s32 $0x6900  }
0x25: {  	[tilespmem:s22], [sflag:$0x1] =	stream.indirect.gather [hbm4b:s2+s8], $0x20, s8, s8, $0xb8;
	[tilespmem:$0x12D00] =	vst v63  }
0x26: {  	s23 =	simm.s32 $0x50;
	s22 =	simm.s32 $0x6E00  }
0x27: {  	[tilespmem:s22], [sflag:$0x1] =	stream.indirect.gather [hbm4b:s2+s8], $0x20, s23, s8, $0xb8;
	[tilespmem:$0x12D00] =	vst v63  }
0x28: {  	s24 =	simm.s32 $0x78;
	s25 =	simm.s32 $0x7300  }
0x29: {  	[tilespmem:s25], [sflag:$0x1] =	stream.indirect.gather [hbm4b:s2+s8], $0x20, s24, s8, $0xb8;
	[tilespmem:$0x12D00] =	vst v63  }
0x2a: {  	s22 =	simm.s32 $0xA0;
	s23 =	simm.s32 $0x7800  }
0x2b: {  	[tilespmem:s23], [sflag:$0x1] =	stream.indirect.gather [hbm4b:s2+s8], $0x20, s22, s8, $0xb8;
	[tilespmem:$0x12D00] =	vst v63  }
0x2c: {  	s24 =	simm.s32 $0xC8;
	s25 =	simm.s32 $0x7D00  }
0x2d: {  	[tilespmem:s25], [sflag:$0x1] =	stream.indirect.gather [hbm4b:s2+s8], $0x20, s24, s8, $0xb8;
	[tilespmem:$0x12D00] =	vst v63  }
0x2e: {  	s22 =	simm.s32 $0xF0;
	s23 =	simm.s32 $0x8200  }
0x2f: {  	[tilespmem:s23], [sflag:$0x1] =	stream.indirect.gather [hbm4b:s2+s8], $0x20, s22, s8, $0xb8;
	[tilespmem:$0x12D00] =	vst v63  }
0x30: {  	s24 =	simm.s32 $0x118;
	s25 =	simm.s32 $0x8700  }
0x31: {  	[tilespmem:s25], [sflag:$0x1] =	stream.indirect.gather [hbm4b:s2+s8], $0x20, s24, s8, $0xb8;
	[tilespmem:$0x12D00] =	vst v63  }
0x32: {  	s22 =	simm.s32 $0x140;
	s23 =	simm.s32 $0x8C00  }
0x33: {  	[tilespmem:s23], [sflag:$0x1] =	stream.indirect.gather [hbm4b:s2+s8], $0x20, s22, s8, $0xb8;
	[tilespmem:$0x12D00] =	vst v63  }
0x34: {  	s24 =	simm.s32 $0x168;
	s25 =	simm.s32 $0x9100  }
0x35: {  	[tilespmem:s25], [sflag:$0x1] =	stream.indirect.gather [hbm4b:s2+s8], $0x20, s24, s8, $0xb8;
	[tilespmem:$0x12D00] =	vst v63  }
0x36: {  	s22 =	simm.s32 $0x190;
	s23 =	simm.s32 $0x9600  }
0x37: {  	[tilespmem:s23], [sflag:$0x1] =	stream.indirect.gather [hbm4b:s2+s8], $0x20, s22, s8, $0xb8;
	[tilespmem:$0x12D00] =	vst v63  }
0x38: {  	s24 =	simm.s32 $0x1B8;
	s25 =	simm.s32 $0x9B00  }
0x39: {  	[tilespmem:s25], [sflag:$0x1] =	stream.indirect.gather [hbm4b:s2+s8], $0x20, s24, s8, $0xb8;
	[tilespmem:$0x12D00] =	vst v63  }
0x3a: {  	s22 =	simm.s32 $0x1E0;
	s23 =	simm.s32 $0xA000  }
0x3b: {  	[tilespmem:s23], [sflag:$0x1] =	stream.indirect.gather [hbm4b:s2+s8], $0x20, s22, s8, $0xb8;
	[tilespmem:$0x12D00] =	vst v63  }
0x3c: {  	s24 =	simm.s32 $0x208;
	s25 =	simm.s32 $0xA500  }
0x3d: {  	[tilespmem:s25], [sflag:$0x1] =	stream.indirect.gather [hbm4b:s2+s8], $0x20, s24, s8, $0xb8;
	[tilespmem:$0x12D00] =	vst v63  }
0x3e: {  	s22 =	simm.s32 $0x230;
	s23 =	simm.s32 $0xAA00  }
0x3f: {  	[tilespmem:s23], [sflag:$0x1] =	stream.indirect.gather [hbm4b:s2+s8], $0x20, s22, s8, $0xb8;
	[tilespmem:$0x12D00] =	vst v63  }
0x40: {  	s24 =	simm.s32 $0x258;
	s25 =	simm.s32 $0xAF00  }
0x41: {  	[tilespmem:s25], [sflag:$0x1] =	stream.indirect.gather [hbm4b:s2+s8], $0x20, s24, s8, $0xb8;
	[tilespmem:$0x12D00] =	vst v63  }
0x42: {  	s22 =	simm.s32 $0x280;
	s23 =	simm.s32 $0xB400  }
0x43: {  	[tilespmem:s23], [sflag:$0x1] =	stream.indirect.gather [hbm4b:s2+s8], $0x20, s22, s8, $0xb8;
	[tilespmem:$0x12D00] =	vst v63  }
0x44: {  	s24 =	simm.s32 $0x2A8;
	s25 =	simm.s32 $0xB900  }
0x45: {  	[tilespmem:s25], [sflag:$0x1] =	stream.indirect.gather [hbm4b:s2+s8], $0x20, s24, s8, $0xb8;
	[tilespmem:$0x12D00] =	vst v63  }
0x46: {  	s22 =	simm.s32 $0x2D0;
	s23 =	simm.s32 $0xBE00  }
0x47: {  	[tilespmem:s23], [sflag:$0x1] =	stream.indirect.gather [hbm4b:s2+s8], $0x20, s22, s8, $0xb8;
	[tilespmem:$0x12D00] =	vst v63  }
0x48: {  	s24 =	simm.s32 $0x2F8;
	s25 =	simm.s32 $0xC300  }
0x49: {  	[tilespmem:s25], [sflag:$0x1] =	stream.indirect.gather [hbm4b:s2+s8], $0x20, s24, s8, $0xb8;
	[tilespmem:$0x12D00] =	vst v63  }
.LBB2_4:
0x4a: {  	s6 =	sshllo.u32 s4, $0x1  }
0x4b: {  	s22 =	smul.u32 $0xC80, s6;
	_ =	sdelay $0x1  }
0x4c: {  	s23 =	simm.s32 $0xC800;
	s22 =	sshra.s32 s22, $0x2  }
0x4d: {  	[tilespmem:s23], [sflag:$0x2] =	stream.indirect.gather [hbm4b:s2+s8], $0x20, s22, s8, $0xb8;
	[tilespmem:$0x12D00] =	vst v63  }
0x4e: {  	s24 =	simm.s32 $0xCD00;
	s25 =	sadd.s32 $0x28, s22  }
0x4f: {  	[tilespmem:s24], [sflag:$0x2] =	stream.indirect.gather [hbm4b:s2+s8], $0x20, s25, s8, $0xb8;
	[tilespmem:$0x12D00] =	vst v63  }
0x50: {  	s24 =	sadd.s32 $0x50, s22;
	s25 =	simm.s32 $0xD200  }
0x51: {  	[tilespmem:s25], [sflag:$0x2] =	stream.indirect.gather [hbm4b:s2+s8], $0x20, s24, s8, $0xb8;
	[tilespmem:$0x12D00] =	vst v63  }
0x52: {  	s24 =	sadd.s32 $0x78, s22  }
0x53: {  	[tilespmem:s26], [sflag:$0x2] =	stream.indirect.gather [hbm4b:s2+s8], $0x20, s24, s8, $0xb8;
	[tilespmem:$0x12D00] =	vst v63  }
0x54: {  	s25 =	sadd.s32 $0xA0, s22  }
0x55: {  	[tilespmem:s28], [sflag:$0x2] =	stream.indirect.gather [hbm4b:s2+s8], $0x20, s25, s8, $0xb8;
	[tilespmem:$0x12D00] =	vst v63  }
0x56: {  	s24 =	sadd.s32 $0xC8, s22  }
0x57: {  	[tilespmem:s29], [sflag:$0x2] =	stream.indirect.gather [hbm4b:s2+s8], $0x20, s24, s8, $0xb8;
	[tilespmem:$0x12D00] =	vst v63  }
0x58: {  	s25 =	sadd.s32 $0xF0, s22  }
0x59: {  	[tilespmem:s30], [sflag:$0x2] =	stream.indirect.gather [hbm4b:s2+s8], $0x20, s25, s8, $0xb8;
	[tilespmem:$0x12D00] =	vst v63  }
0x5a: {  	s24 =	sadd.s32 $0x118, s22  }
0x5b: {  	[tilespmem:s31], [sflag:$0x2] =	stream.indirect.gather [hbm4b:s2+s8], $0x20, s24, s8, $0xb8;
	[tilespmem:$0x12D00] =	vst v63  }
0x5c: {  	s25 =	sadd.s32 $0x140, s22  }
0x5d: {  	[tilespmem:s1], [sflag:$0x2] =	stream.indirect.gather [hbm4b:s2+s8], $0x20, s25, s8, $0xb8;
	[tilespmem:$0x12D00] =	vst v63  }
0x5e: {  	s24 =	sadd.s32 $0x168, s22  }
0x5f: {  	[tilespmem:s0], [sflag:$0x2] =	stream.indirect.gather [hbm4b:s2+s8], $0x20, s24, s8, $0xb8;
	[tilespmem:$0x12D00] =	vst v63  }
0x60: {  	s25 =	sadd.s32 $0x190, s22  }
0x61: {  	[tilespmem:s9], [sflag:$0x2] =	stream.indirect.gather [hbm4b:s2+s8], $0x20, s25, s8, $0xb8;
	[tilespmem:$0x12D00] =	vst v63  }
0x62: {  	s24 =	sadd.s32 $0x1B8, s22  }
0x63: {  	[tilespmem:s10], [sflag:$0x2] =	stream.indirect.gather [hbm4b:s2+s8], $0x20, s24, s8, $0xb8;
	[tilespmem:$0x12D00] =	vst v63  }
0x64: {  	s25 =	sadd.s32 $0x1E0, s22  }
0x65: {  	[tilespmem:s11], [sflag:$0x2] =	stream.indirect.gather [hbm4b:s2+s8], $0x20, s25, s8, $0xb8;
	[tilespmem:$0x12D00] =	vst v63  }
0x66: {  	s24 =	sadd.s32 $0x208, s22  }
0x67: {  	[tilespmem:s12], [sflag:$0x2] =	stream.indirect.gather [hbm4b:s2+s8], $0x20, s24, s8, $0xb8;
	[tilespmem:$0x12D00] =	vst v63  }
0x68: {  	s25 =	sadd.s32 $0x230, s22  }
0x69: {  	[tilespmem:s13], [sflag:$0x2] =	stream.indirect.gather [hbm4b:s2+s8], $0x20, s25, s8, $0xb8;
	[tilespmem:$0x12D00] =	vst v63  }
0x6a: {  	s24 =	sadd.s32 $0x258, s22  }
0x6b: {  	[tilespmem:s14], [sflag:$0x2] =	stream.indirect.gather [hbm4b:s2+s8], $0x20, s24, s8, $0xb8;
	[tilespmem:$0x12D00] =	vst v63  }
0x6c: {  	s25 =	sadd.s32 $0x280, s22  }
0x6d: {  	[tilespmem:s15], [sflag:$0x2] =	stream.indirect.gather [hbm4b:s2+s8], $0x20, s25, s8, $0xb8;
	[tilespmem:$0x12D00] =	vst v63  }
0x6e: {  	s24 =	sadd.s32 $0x2A8, s22  }
0x6f: {  	[tilespmem:s16], [sflag:$0x2] =	stream.indirect.gather [hbm4b:s2+s8], $0x20, s24, s8, $0xb8;
	[tilespmem:$0x12D00] =	vst v63  }
0x70: {  	s25 =	sadd.s32 $0x2D0, s22  }
0x71: {  	[tilespmem:s17], [sflag:$0x2] =	stream.indirect.gather [hbm4b:s2+s8], $0x20, s25, s8, $0xb8;
	[tilespmem:$0x12D00] =	vst v63  }
0x72: {  	s22 =	sadd.s32 $0x2F8, s22  }
0x73: {  	[tilespmem:s18], [sflag:$0x2] =	stream.indirect.gather [hbm4b:s2+s8], $0x20, s22, s8, $0xb8;
	[tilespmem:$0x12D00] =	vst v63  }
0x74: {  	_ =	swait.ge [sflag:s19], $0x6400  }
0x75: {  	[sflag:s19] =	ssyncset.done $0x0  }
0x76: {  	s24 =	simm.s32 $0x0;
	[sflag:s19] =	ssyncadd.s32 $0xFFFF9C00  }
0x77: {  	v0 =	vld [tilespmem:s24+$0x6420]  }
0x78: {  	v1 =	vld [tilespmem:s24+$0x6400]  }
0x79: {  	v2 =	vld [tilespmem:s24+$0x6410];
	_ =	sdelay $0x1  }
0x7a: {  	v9 =	vld [tilespmem:s24+$0x6430]  }
0x7b: {  	s25 =	simm.s32 $0x40  }
0x7c: {  	v4 =	vimm.f32 $0.0e+00;
	v3 =	vld [tilespmem:s25+$0x6400];
	v5 =	vshll.u32 v0, $0x10;
	v10 =	vand.u32 $0xFFFF0000, v0  }
0x7d: {  	v0 =	vld [tilespmem:s25+$0x6420];
	v6 =	vshll.u32 v1, $0x10;
	v1 =	vand.u32 $0xFFFF0000, v1;
	v7 =	vshll.u32 v2, $0x10  }
0x7e: {  	v11 =	vadd.f32 v6, v4;
	v12 =	vadd.f32 v1, v4;
	v1 =	vand.u32 $0xFFFF0000, v2;
	v2 =	vld [tilespmem:s25+$0x6410]  }
0x7f: {  	v8 =	vshll.u32 v9, $0x10;
	v6 =	vadd.f32 v7, v4;
	v7 =	vadd.f32 v1, v4  }
0x80: {  	s22 =	simm.s32 $0x200;
	v9 =	vand.u32 $0xFFFF0000, v9;
	v1 =	vld [tilespmem:s25+$0x6430];
	v5 =	vadd.f32 v5, v11;
	v4 =	vadd.f32 v10, v12  }
.LBB2_5:
0x81: {  	s23 =	sshra.s32 s22, $0x2;
	v6 =	vadd.f32 v8, v6;
	v7 =	vadd.f32 v9, v7;
	p0 =	sne.s32 s22, $0x6300  }
.Ltmp1:
0x82: {  	v9 =	vshll.u32 v0, $0x10;
	v10 =	vand.u32 $0xFFFF0000, v0;
	v0 =	vld [tilespmem:s23+$0x6420];
	(pc) =	sbr.rel @p0 .LBB2_5-.Ltmp1, $4  }
0x83: {  	v8 =	vshll.u32 v3, $0x10;
	v11 =	vand.u32 $0xFFFF0000, v3;
	v3 =	vld [tilespmem:s23+$0x6400];
	v12 =	vshll.u32 v2, $0x10  }
0x84: {  	s22 =	sadd.s32 $0x100, s22;
	v5 =	vadd.f32 v8, v5;
	v4 =	vadd.f32 v11, v4;
	v8 =	vand.u32 $0xFFFF0000, v2;
	v2 =	vld [tilespmem:s23+$0x6410]  }
0x85: {  	v6 =	vadd.f32 v12, v6;
	v7 =	vadd.f32 v8, v7;
	v8 =	vshll.u32 v1, $0x10  }
0x86: {  	v5 =	vadd.f32 v9, v5;
	v4 =	vadd.f32 v10, v4;
	v9 =	vand.u32 $0xFFFF0000, v1;
	v1 =	vld [tilespmem:s23+$0x6430]  }
0x87: {  	_ = 	snop  }
0x88: {  	v6 =	vadd.f32 v8, v6;
	v7 =	vadd.f32 v9, v7;
	v8 =	vshll.u32 v3, $0x10  }
0x89: {  	v9 =	vshll.u32 v0, $0x10;
	v3 =	vand.u32 $0xFFFF0000, v3;
	v5 =	vadd.f32 v8, v5  }
0x8a: {  	v0 =	vand.u32 $0xFFFF0000, v0;
	v8 =	vshll.u32 v2, $0x10;
	v3 =	vadd.f32 v3, v4  }
0x8b: {  	v2 =	vand.u32 $0xFFFF0000, v2;
	v4 =	vadd.f32 v8, v6;
	v5 =	vadd.f32 v9, v5  }
0x8c: {  	v2 =	vadd.f32 v2, v7;
	v6 =	vshll.u32 v1, $0x10;
	v0 =	vadd.f32 v0, v3  }
0x8d: {  	v1 =	vand.u32 $0xFFFF0000, v1;
	v3 =	vadd.f32 v6, v4;
	v4 =	vmul.f32 $4.999999890e-03, v5  }
0x8e: {  	v1 =	vadd.f32 v1, v2;
	v0 =	vmul.f32 $4.999999890e-03, v0  }
0x8f: {  	v2 =	vmul.f32 $4.999999890e-03, v3;
	[tilespmem:$0x12C00] =	vst v4  }
0x90: {  	[tilespmem:$0x12C10] =	vst v0;
	v0 =	vmul.f32 $4.999999890e-03, v1  }
0x91: {  	[tilespmem:$0x12C20] =	vst v2  }
0x92: {  	s22 =	simm.s32 $0x0;
	[tilespmem:$0x12C30] =	vst v0  }
0x93: {  	v0 =	vld [tilespmem:s22+$0x7D20]  }
0x94: {  	v1 =	vld [tilespmem:s22+$0x7D00]  }
0x95: {  	v2 =	vld [tilespmem:s22+$0x7D10];
	_ =	sdelay $0x1  }
0x96: {  	v9 =	vld [tilespmem:s22+$0x7D30]  }
0x97: {  	s23 =	simm.s32 $0x40  }
0x98: {  	v4 =	vimm.f32 $0.0e+00;
	v3 =	vld [tilespmem:s23+$0x7D00];
	v5 =	vshll.u32 v0, $0x10;
	v10 =	vand.u32 $0xFFFF0000, v0  }
0x99: {  	v0 =	vld [tilespmem:s23+$0x7D20];
	v6 =	vshll.u32 v1, $0x10;
	v1 =	vand.u32 $0xFFFF0000, v1;
	v7 =	vshll.u32 v2, $0x10  }
0x9a: {  	v11 =	vadd.f32 v6, v4;
	v12 =	vadd.f32 v1, v4;
	v1 =	vand.u32 $0xFFFF0000, v2;
	v2 =	vld [tilespmem:s23+$0x7D10]  }
0x9b: {  	v8 =	vshll.u32 v9, $0x10;
	v6 =	vadd.f32 v7, v4;
	v7 =	vadd.f32 v1, v4  }
0x9c: {  	s22 =	simm.s32 $0x200;
	v9 =	vand.u32 $0xFFFF0000, v9;
	v1 =	vld [tilespmem:s23+$0x7D30];
	v5 =	vadd.f32 v5, v11;
	v4 =	vadd.f32 v10, v12  }
.LBB2_7:
0x9d: {  	s23 =	sshra.s32 s22, $0x2;
	v6 =	vadd.f32 v8, v6;
	v7 =	vadd.f32 v9, v7;
	p0 =	sne.s32 s22, $0x6300  }
.Ltmp2:
0x9e: {  	v9 =	vshll.u32 v0, $0x10;
	v10 =	vand.u32 $0xFFFF0000, v0;
	v0 =	vld [tilespmem:s23+$0x7D20];
	(pc) =	sbr.rel @p0 .LBB2_7-.Ltmp2, $4  }
0x9f: {  	v8 =	vshll.u32 v3, $0x10;
	v11 =	vand.u32 $0xFFFF0000, v3;
	v3 =	vld [tilespmem:s23+$0x7D00];
	v12 =	vshll.u32 v2, $0x10  }
0xa0: {  	s22 =	sadd.s32 $0x100, s22;
	v5 =	vadd.f32 v8, v5;
	v4 =	vadd.f32 v11, v4;
	v8 =	vand.u32 $0xFFFF0000, v2;
	v2 =	vld [tilespmem:s23+$0x7D10]  }
0xa1: {  	v6 =	vadd.f32 v12, v6;
	v7 =	vadd.f32 v8, v7;
	v8 =	vshll.u32 v1, $0x10  }
0xa2: {  	v5 =	vadd.f32 v9, v5;
	v4 =	vadd.f32 v10, v4;
	v9 =	vand.u32 $0xFFFF0000, v1;
	v1 =	vld [tilespmem:s23+$0x7D30]  }
0xa3: {  	_ = 	snop  }
0xa4: {  	v6 =	vadd.f32 v8, v6;
	v7 =	vadd.f32 v9, v7;
	v8 =	vshll.u32 v3, $0x10  }
0xa5: {  	v9 =	vshll.u32 v0, $0x10;
	v3 =	vand.u32 $0xFFFF0000, v3;
	v5 =	vadd.f32 v8, v5  }
0xa6: {  	v0 =	vand.u32 $0xFFFF0000, v0;
	v8 =	vshll.u32 v2, $0x10;
	v3 =	vadd.f32 v3, v4  }
0xa7: {  	v2 =	vand.u32 $0xFFFF0000, v2;
	v4 =	vadd.f32 v8, v6;
	v5 =	vadd.f32 v9, v5  }
0xa8: {  	v2 =	vadd.f32 v2, v7;
	v6 =	vshll.u32 v1, $0x10;
	v0 =	vadd.f32 v0, v3  }
0xa9: {  	v1 =	vand.u32 $0xFFFF0000, v1;
	v3 =	vadd.f32 v6, v4;
	v4 =	vmul.f32 $4.999999890e-03, v5  }
0xaa: {  	v1 =	vadd.f32 v1, v2;
	v0 =	vmul.f32 $4.999999890e-03, v0  }
0xab: {  	v2 =	vmul.f32 $4.999999890e-03, v3;
	[tilespmem:$0x12C40] =	vst v4  }
0xac: {  	[tilespmem:$0x12C50] =	vst v0;
	v0 =	vmul.f32 $4.999999890e-03, v1  }
0xad: {  	[tilespmem:$0x12C60] =	vst v2  }
0xae: {  	s22 =	simm.s32 $0x0;
	[tilespmem:$0x12C70] =	vst v0  }
0xaf: {  	v0 =	vld [tilespmem:s22+$0x9620]  }
0xb0: {  	v1 =	vld [tilespmem:s22+$0x9600]  }
0xb1: {  	v2 =	vld [tilespmem:s22+$0x9610];
	_ =	sdelay $0x1  }
0xb2: {  	v9 =	vld [tilespmem:s22+$0x9630]  }
0xb3: {  	s23 =	simm.s32 $0x40  }
0xb4: {  	v4 =	vimm.f32 $0.0e+00;
	v3 =	vld [tilespmem:s23+$0x9600];
	v5 =	vshll.u32 v0, $0x10;
	v10 =	vand.u32 $0xFFFF0000, v0  }
0xb5: {  	v0 =	vld [tilespmem:s23+$0x9620];
	v6 =	vshll.u32 v1, $0x10;
	v1 =	vand.u32 $0xFFFF0000, v1;
	v7 =	vshll.u32 v2, $0x10  }
0xb6: {  	v11 =	vadd.f32 v6, v4;
	v12 =	vadd.f32 v1, v4;
	v1 =	vand.u32 $0xFFFF0000, v2;
	v2 =	vld [tilespmem:s23+$0x9610]  }
0xb7: {  	v8 =	vshll.u32 v9, $0x10;
	v6 =	vadd.f32 v7, v4;
	v7 =	vadd.f32 v1, v4  }
0xb8: {  	s22 =	simm.s32 $0x200;
	v9 =	vand.u32 $0xFFFF0000, v9;
	v1 =	vld [tilespmem:s23+$0x9630];
	v5 =	vadd.f32 v5, v11;
	v4 =	vadd.f32 v10, v12  }
.LBB2_9:
0xb9: {  	s23 =	sshra.s32 s22, $0x2;
	v6 =	vadd.f32 v8, v6;
	v7 =	vadd.f32 v9, v7;
	p0 =	sne.s32 s22, $0x6300  }
.Ltmp3:
0xba: {  	v9 =	vshll.u32 v0, $0x10;
	v10 =	vand.u32 $0xFFFF0000, v0;
	v0 =	vld [tilespmem:s23+$0x9620];
	(pc) =	sbr.rel @p0 .LBB2_9-.Ltmp3, $4  }
0xbb: {  	v8 =	vshll.u32 v3, $0x10;
	v11 =	vand.u32 $0xFFFF0000, v3;
	v3 =	vld [tilespmem:s23+$0x9600];
	v12 =	vshll.u32 v2, $0x10  }
0xbc: {  	s22 =	sadd.s32 $0x100, s22;
	v5 =	vadd.f32 v8, v5;
	v4 =	vadd.f32 v11, v4;
	v8 =	vand.u32 $0xFFFF0000, v2;
	v2 =	vld [tilespmem:s23+$0x9610]  }
0xbd: {  	v6 =	vadd.f32 v12, v6;
	v7 =	vadd.f32 v8, v7;
	v8 =	vshll.u32 v1, $0x10  }
0xbe: {  	v5 =	vadd.f32 v9, v5;
	v4 =	vadd.f32 v10, v4;
	v9 =	vand.u32 $0xFFFF0000, v1;
	v1 =	vld [tilespmem:s23+$0x9630]  }
0xbf: {  	_ = 	snop  }
0xc0: {  	v6 =	vadd.f32 v8, v6;
	v7 =	vadd.f32 v9, v7;
	v8 =	vshll.u32 v3, $0x10  }
0xc1: {  	v9 =	vshll.u32 v0, $0x10;
	v3 =	vand.u32 $0xFFFF0000, v3;
	v5 =	vadd.f32 v8, v5  }
0xc2: {  	v0 =	vand.u32 $0xFFFF0000, v0;
	v8 =	vshll.u32 v2, $0x10;
	v3 =	vadd.f32 v3, v4  }
0xc3: {  	v2 =	vand.u32 $0xFFFF0000, v2;
	v4 =	vadd.f32 v8, v6;
	v5 =	vadd.f32 v9, v5  }
0xc4: {  	v2 =	vadd.f32 v2, v7;
	v6 =	vshll.u32 v1, $0x10;
	v0 =	vadd.f32 v0, v3  }
0xc5: {  	v1 =	vand.u32 $0xFFFF0000, v1;
	v3 =	vadd.f32 v6, v4;
	v4 =	vmul.f32 $4.999999890e-03, v5  }
0xc6: {  	v1 =	vadd.f32 v1, v2;
	v0 =	vmul.f32 $4.999999890e-03, v0  }
0xc7: {  	v2 =	vmul.f32 $4.999999890e-03, v3;
	[tilespmem:$0x12C80] =	vst v4  }
0xc8: {  	[tilespmem:$0x12C90] =	vst v0;
	v0 =	vmul.f32 $4.999999890e-03, v1  }
0xc9: {  	[tilespmem:$0x12CA0] =	vst v2  }
0xca: {  	s22 =	simm.s32 $0x0;
	[tilespmem:$0x12CB0] =	vst v0  }
0xcb: {  	v0 =	vld [tilespmem:s22+$0xAF20]  }
0xcc: {  	v1 =	vld [tilespmem:s22+$0xAF00]  }
0xcd: {  	v2 =	vld [tilespmem:s22+$0xAF10];
	_ =	sdelay $0x1  }
0xce: {  	v9 =	vld [tilespmem:s22+$0xAF30]  }
0xcf: {  	s23 =	simm.s32 $0x40  }
0xd0: {  	v4 =	vimm.f32 $0.0e+00;
	v3 =	vld [tilespmem:s23+$0xAF00];
	v5 =	vshll.u32 v0, $0x10;
	v10 =	vand.u32 $0xFFFF0000, v0  }
0xd1: {  	v0 =	vld [tilespmem:s23+$0xAF20];
	v6 =	vshll.u32 v1, $0x10;
	v1 =	vand.u32 $0xFFFF0000, v1;
	v7 =	vshll.u32 v2, $0x10  }
0xd2: {  	v11 =	vadd.f32 v6, v4;
	v12 =	vadd.f32 v1, v4;
	v1 =	vand.u32 $0xFFFF0000, v2;
	v2 =	vld [tilespmem:s23+$0xAF10]  }
0xd3: {  	v8 =	vshll.u32 v9, $0x10;
	v6 =	vadd.f32 v7, v4;
	v7 =	vadd.f32 v1, v4  }
0xd4: {  	s22 =	simm.s32 $0x200;
	v9 =	vand.u32 $0xFFFF0000, v9;
	v1 =	vld [tilespmem:s23+$0xAF30];
	v5 =	vadd.f32 v5, v11;
	v4 =	vadd.f32 v10, v12  }
.LBB2_11:
0xd5: {  	s23 =	sshra.s32 s22, $0x2;
	v6 =	vadd.f32 v8, v6;
	v7 =	vadd.f32 v9, v7;
	p0 =	sne.s32 s22, $0x6300  }
.Ltmp4:
0xd6: {  	v9 =	vshll.u32 v0, $0x10;
	v10 =	vand.u32 $0xFFFF0000, v0;
	v0 =	vld [tilespmem:s23+$0xAF20];
	(pc) =	sbr.rel @p0 .LBB2_11-.Ltmp4, $4  }
0xd7: {  	v8 =	vshll.u32 v3, $0x10;
	v11 =	vand.u32 $0xFFFF0000, v3;
	v3 =	vld [tilespmem:s23+$0xAF00];
	v12 =	vshll.u32 v2, $0x10  }
0xd8: {  	s22 =	sadd.s32 $0x100, s22;
	v5 =	vadd.f32 v8, v5;
	v4 =	vadd.f32 v11, v4;
	v8 =	vand.u32 $0xFFFF0000, v2;
	v2 =	vld [tilespmem:s23+$0xAF10]  }
0xd9: {  	v6 =	vadd.f32 v12, v6;
	v7 =	vadd.f32 v8, v7;
	v8 =	vshll.u32 v1, $0x10  }
0xda: {  	v5 =	vadd.f32 v9, v5;
	v4 =	vadd.f32 v10, v4;
	v9 =	vand.u32 $0xFFFF0000, v1;
	v1 =	vld [tilespmem:s23+$0xAF30]  }
0xdb: {  	_ = 	snop  }
0xdc: {  	v6 =	vadd.f32 v8, v6;
	v7 =	vadd.f32 v9, v7;
	v8 =	vshll.u32 v3, $0x10  }
0xdd: {  	v9 =	vshll.u32 v0, $0x10;
	v3 =	vand.u32 $0xFFFF0000, v3;
	v5 =	vadd.f32 v8, v5  }
0xde: {  	v0 =	vand.u32 $0xFFFF0000, v0;
	v8 =	vshll.u32 v2, $0x10;
	v3 =	vadd.f32 v3, v4  }
0xdf: {  	v2 =	vand.u32 $0xFFFF0000, v2;
	v4 =	vadd.f32 v8, v6;
	v5 =	vadd.f32 v9, v5  }
0xe0: {  	v2 =	vadd.f32 v2, v7;
	v6 =	vshll.u32 v1, $0x10;
	v0 =	vadd.f32 v0, v3  }
0xe1: {  	v1 =	vand.u32 $0xFFFF0000, v1;
	v3 =	vadd.f32 v6, v4;
	v4 =	vmul.f32 $4.999999890e-03, v5  }
0xe2: {  	v1 =	vadd.f32 v1, v2;
	v0 =	vmul.f32 $4.999999890e-03, v0  }
0xe3: {  	v2 =	vmul.f32 $4.999999890e-03, v3;
	[tilespmem:$0x12CC0] =	vst v4  }
0xe4: {  	[tilespmem:$0x12CD0] =	vst v0;
	v0 =	vmul.f32 $4.999999890e-03, v1  }
0xe5: {  	s22 =	sshll.u32 s4, $0x6;
	[tilespmem:$0x12CE0] =	vst v2  }
0xe6: {  	p0 =	seq.s32 s4, $0xF;
	s22 =	sadd.s32 s22, s5;
	[tilespmem:$0x12CF0] =	vst v0  }
0xe7: {  	[hbm4b:s22+s3] =	stream.linear.scatter [tilespmem:s20], [sflag:$0x3], $0x100, $0x38;
	[tilespmem:$0x12D00] =	vst v63  }
0xe8: {  	s22 =	smul.u32 @!p0 $0x1900, s4  }
0xe9: {  	_ =	swait.ge [sflag:s7], $0x100  }
0xea: {  	s24 =	simm.s32 @!p0 $0x28;
	[sflag:s7] =	ssyncset.done $0x0;
	s22 =	sshra.s32 @!p0 s22, $0x2  }
0xeb: {  	s25 =	simm.s32 @!p0 $0x6400;
	[sflag:s7] =	ssyncadd.s32 $0xFFFFFF00;
	s23 =	sadd.s32 @!p0 $0x640, s22  }
0xec: {  	[tilespmem:s25], [sflag:$0x1] =	stream.indirect.gather @!p0 [hbm4b:s2+s24], $0x20, s23, s24, $0xb8;
	[tilespmem:$0x12D00] =	vst v63  }
0xed: {  	s23 =	sadd.s32 @!p0 $0x668, s22;
	s25 =	simm.s32 @!p0 $0x6900  }
0xee: {  	[tilespmem:s25], [sflag:$0x1] =	stream.indirect.gather @!p0 [hbm4b:s2+s24], $0x20, s23, s24, $0xb8;
	[tilespmem:$0x12D00] =	vst v63  }
0xef: {  	s23 =	sadd.s32 @!p0 $0x690, s22;
	s25 =	simm.s32 @!p0 $0x6E00  }
0xf0: {  	[tilespmem:s25], [sflag:$0x1] =	stream.indirect.gather @!p0 [hbm4b:s2+s24], $0x20, s23, s24, $0xb8;
	[tilespmem:$0x12D00] =	vst v63  }
0xf1: {  	s23 =	sadd.s32 @!p0 $0x6B8, s22;
	s25 =	simm.s32 @!p0 $0x7300  }
0xf2: {  	[tilespmem:s25], [sflag:$0x1] =	stream.indirect.gather @!p0 [hbm4b:s2+s24], $0x20, s23, s24, $0xb8;
	[tilespmem:$0x12D00] =	vst v63  }
0xf3: {  	s23 =	sadd.s32 @!p0 $0x6E0, s22;
	s25 =	simm.s32 @!p0 $0x7800  }
0xf4: {  	[tilespmem:s25], [sflag:$0x1] =	stream.indirect.gather @!p0 [hbm4b:s2+s24], $0x20, s23, s24, $0xb8;
	[tilespmem:$0x12D00] =	vst v63  }
0xf5: {  	s23 =	sadd.s32 @!p0 $0x708, s22;
	s25 =	simm.s32 @!p0 $0x7D00  }
0xf6: {  	[tilespmem:s25], [sflag:$0x1] =	stream.indirect.gather @!p0 [hbm4b:s2+s24], $0x20, s23, s24, $0xb8;
	[tilespmem:$0x12D00] =	vst v63  }
0xf7: {  	s23 =	sadd.s32 @!p0 $0x730, s22;
	s25 =	simm.s32 @!p0 $0x8200  }
0xf8: {  	[tilespmem:s25], [sflag:$0x1] =	stream.indirect.gather @!p0 [hbm4b:s2+s24], $0x20, s23, s24, $0xb8;
	[tilespmem:$0x12D00] =	vst v63  }
0xf9: {  	s23 =	sadd.s32 @!p0 $0x758, s22;
	s25 =	simm.s32 @!p0 $0x8700  }
0xfa: {  	[tilespmem:s25], [sflag:$0x1] =	stream.indirect.gather @!p0 [hbm4b:s2+s24], $0x20, s23, s24, $0xb8;
	[tilespmem:$0x12D00] =	vst v63  }
0xfb: {  	s23 =	sadd.s32 @!p0 $0x780, s22;
	s25 =	simm.s32 @!p0 $0x8C00  }
0xfc: {  	[tilespmem:s25], [sflag:$0x1] =	stream.indirect.gather @!p0 [hbm4b:s2+s24], $0x20, s23, s24, $0xb8;
	[tilespmem:$0x12D00] =	vst v63  }
0xfd: {  	s23 =	sadd.s32 @!p0 $0x7A8, s22;
	s25 =	simm.s32 @!p0 $0x9100  }
0xfe: {  	[tilespmem:s25], [sflag:$0x1] =	stream.indirect.gather @!p0 [hbm4b:s2+s24], $0x20, s23, s24, $0xb8;
	[tilespmem:$0x12D00] =	vst v63  }
0xff: {  	s23 =	sadd.s32 @!p0 $0x7D0, s22;
	s25 =	simm.s32 @!p0 $0x9600  }
0x100: {  	[tilespmem:s25], [sflag:$0x1] =	stream.indirect.gather @!p0 [hbm4b:s2+s24], $0x20, s23, s24, $0xb8;
	[tilespmem:$0x12D00] =	vst v63  }
0x101: {  	s23 =	sadd.s32 @!p0 $0x7F8, s22;
	s25 =	simm.s32 @!p0 $0x9B00  }
0x102: {  	[tilespmem:s25], [sflag:$0x1] =	stream.indirect.gather @!p0 [hbm4b:s2+s24], $0x20, s23, s24, $0xb8;
	[tilespmem:$0x12D00] =	vst v63  }
0x103: {  	s23 =	sadd.s32 @!p0 $0x820, s22;
	s25 =	simm.s32 @!p0 $0xA000  }
0x104: {  	[tilespmem:s25], [sflag:$0x1] =	stream.indirect.gather @!p0 [hbm4b:s2+s24], $0x20, s23, s24, $0xb8;
	[tilespmem:$0x12D00] =	vst v63  }
0x105: {  	s23 =	sadd.s32 @!p0 $0x848, s22;
	s25 =	simm.s32 @!p0 $0xA500  }
0x106: {  	[tilespmem:s25], [sflag:$0x1] =	stream.indirect.gather @!p0 [hbm4b:s2+s24], $0x20, s23, s24, $0xb8;
	[tilespmem:$0x12D00] =	vst v63  }
0x107: {  	s23 =	sadd.s32 @!p0 $0x870, s22;
	s25 =	simm.s32 @!p0 $0xAA00  }
0x108: {  	[tilespmem:s25], [sflag:$0x1] =	stream.indirect.gather @!p0 [hbm4b:s2+s24], $0x20, s23, s24, $0xb8;
	[tilespmem:$0x12D00] =	vst v63  }
0x109: {  	s23 =	sadd.s32 @!p0 $0x898, s22;
	s25 =	simm.s32 @!p0 $0xAF00  }
0x10a: {  	[tilespmem:s25], [sflag:$0x1] =	stream.indirect.gather @!p0 [hbm4b:s2+s24], $0x20, s23, s24, $0xb8;
	[tilespmem:$0x12D00] =	vst v63  }
0x10b: {  	s23 =	sadd.s32 @!p0 $0x8C0, s22;
	s25 =	simm.s32 @!p0 $0xB400  }
0x10c: {  	[tilespmem:s25], [sflag:$0x1] =	stream.indirect.gather @!p0 [hbm4b:s2+s24], $0x20, s23, s24, $0xb8;
	[tilespmem:$0x12D00] =	vst v63  }
0x10d: {  	s23 =	sadd.s32 @!p0 $0x8E8, s22;
	s25 =	simm.s32 @!p0 $0xB900  }
0x10e: {  	[tilespmem:s25], [sflag:$0x1] =	stream.indirect.gather @!p0 [hbm4b:s2+s24], $0x20, s23, s24, $0xb8;
	[tilespmem:$0x12D00] =	vst v63  }
0x10f: {  	s23 =	sadd.s32 @!p0 $0x910, s22;
	s25 =	simm.s32 @!p0 $0xBE00  }
0x110: {  	[tilespmem:s25], [sflag:$0x1] =	stream.indirect.gather @!p0 [hbm4b:s2+s24], $0x20, s23, s24, $0xb8;
	[tilespmem:$0x12D00] =	vst v63  }
0x111: {  	s22 =	sadd.s32 @!p0 $0x938, s22;
	s23 =	simm.s32 @!p0 $0xC300  }
0x112: {  	[tilespmem:s23], [sflag:$0x1] =	stream.indirect.gather @!p0 [hbm4b:s2+s24], $0x20, s22, s24, $0xb8;
	[tilespmem:$0x12D00] =	vst v63  }
0x113: {  	_ =	swait.ge [sflag:s21], $0x6400  }
0x114: {  	[sflag:s21] =	ssyncset.done $0x0  }
0x115: {  	s24 =	simm.s32 $0x0;
	[sflag:s21] =	ssyncadd.s32 $0xFFFF9C00  }
0x116: {  	v0 =	vld [tilespmem:s24+$0xC820]  }
0x117: {  	v1 =	vld [tilespmem:s24+$0xC800]  }
0x118: {  	v2 =	vld [tilespmem:s24+$0xC810];
	_ =	sdelay $0x1  }
0x119: {  	v9 =	vld [tilespmem:s24+$0xC830]  }
0x11a: {  	s25 =	simm.s32 $0x40  }
0x11b: {  	v4 =	vimm.f32 $0.0e+00;
	v3 =	vld [tilespmem:s25+$0xC800];
	v5 =	vshll.u32 v0, $0x10;
	v10 =	vand.u32 $0xFFFF0000, v0  }
0x11c: {  	v0 =	vld [tilespmem:s25+$0xC820];
	v6 =	vshll.u32 v1, $0x10;
	v1 =	vand.u32 $0xFFFF0000, v1;
	v7 =	vshll.u32 v2, $0x10  }
0x11d: {  	v11 =	vadd.f32 v6, v4;
	v12 =	vadd.f32 v1, v4;
	v1 =	vand.u32 $0xFFFF0000, v2;
	v2 =	vld [tilespmem:s25+$0xC810]  }
0x11e: {  	v8 =	vshll.u32 v9, $0x10;
	v6 =	vadd.f32 v7, v4;
	v7 =	vadd.f32 v1, v4  }
0x11f: {  	s22 =	simm.s32 $0x200;
	v9 =	vand.u32 $0xFFFF0000, v9;
	v1 =	vld [tilespmem:s25+$0xC830];
	v5 =	vadd.f32 v5, v11;
	v4 =	vadd.f32 v10, v12  }
.LBB2_13:
0x120: {  	s23 =	sshra.s32 s22, $0x2;
	v6 =	vadd.f32 v8, v6;
	v7 =	vadd.f32 v9, v7;
	p0 =	sne.s32 s22, $0x6300  }
.Ltmp5:
0x121: {  	v9 =	vshll.u32 v0, $0x10;
	v10 =	vand.u32 $0xFFFF0000, v0;
	v0 =	vld [tilespmem:s23+$0xC820];
	(pc) =	sbr.rel @p0 .LBB2_13-.Ltmp5, $4  }
0x122: {  	v8 =	vshll.u32 v3, $0x10;
	v11 =	vand.u32 $0xFFFF0000, v3;
	v3 =	vld [tilespmem:s23+$0xC800];
	v12 =	vshll.u32 v2, $0x10  }
0x123: {  	s22 =	sadd.s32 $0x100, s22;
	v5 =	vadd.f32 v8, v5;
	v4 =	vadd.f32 v11, v4;
	v8 =	vand.u32 $0xFFFF0000, v2;
	v2 =	vld [tilespmem:s23+$0xC810]  }
0x124: {  	v6 =	vadd.f32 v12, v6;
	v7 =	vadd.f32 v8, v7;
	v8 =	vshll.u32 v1, $0x10  }
0x125: {  	v5 =	vadd.f32 v9, v5;
	v4 =	vadd.f32 v10, v4;
	v9 =	vand.u32 $0xFFFF0000, v1;
	v1 =	vld [tilespmem:s23+$0xC830]  }
0x126: {  	_ = 	snop  }
0x127: {  	v6 =	vadd.f32 v8, v6;
	v7 =	vadd.f32 v9, v7;
	v8 =	vshll.u32 v3, $0x10  }
0x128: {  	v9 =	vshll.u32 v0, $0x10;
	v3 =	vand.u32 $0xFFFF0000, v3;
	v5 =	vadd.f32 v8, v5  }
0x129: {  	v0 =	vand.u32 $0xFFFF0000, v0;
	v8 =	vshll.u32 v2, $0x10;
	v3 =	vadd.f32 v3, v4  }
0x12a: {  	v2 =	vand.u32 $0xFFFF0000, v2;
	v4 =	vadd.f32 v8, v6;
	v5 =	vadd.f32 v9, v5  }
0x12b: {  	v2 =	vadd.f32 v2, v7;
	v6 =	vshll.u32 v1, $0x10;
	v0 =	vadd.f32 v0, v3  }
0x12c: {  	v1 =	vand.u32 $0xFFFF0000, v1;
	v3 =	vadd.f32 v6, v4;
	v4 =	vmul.f32 $4.999999890e-03, v5  }
0x12d: {  	v1 =	vadd.f32 v1, v2;
	v0 =	vmul.f32 $4.999999890e-03, v0  }
0x12e: {  	v2 =	vmul.f32 $4.999999890e-03, v3;
	[tilespmem:$0x12C00] =	vst v4  }
0x12f: {  	[tilespmem:$0x12C10] =	vst v0;
	v0 =	vmul.f32 $4.999999890e-03, v1  }
0x130: {  	[tilespmem:$0x12C20] =	vst v2  }
0x131: {  	s22 =	simm.s32 $0x0;
	[tilespmem:$0x12C30] =	vst v0  }
0x132: {  	v0 =	vld [tilespmem:s22+$0xE120]  }
0x133: {  	v1 =	vld [tilespmem:s22+$0xE100]  }
0x134: {  	v2 =	vld [tilespmem:s22+$0xE110];
	_ =	sdelay $0x1  }
0x135: {  	v9 =	vld [tilespmem:s22+$0xE130]  }
0x136: {  	s23 =	simm.s32 $0x40  }
0x137: {  	v4 =	vimm.f32 $0.0e+00;
	v3 =	vld [tilespmem:s23+$0xE100];
	v5 =	vshll.u32 v0, $0x10;
	v10 =	vand.u32 $0xFFFF0000, v0  }
0x138: {  	v0 =	vld [tilespmem:s23+$0xE120];
	v6 =	vshll.u32 v1, $0x10;
	v1 =	vand.u32 $0xFFFF0000, v1;
	v7 =	vshll.u32 v2, $0x10  }
0x139: {  	v11 =	vadd.f32 v6, v4;
	v12 =	vadd.f32 v1, v4;
	v1 =	vand.u32 $0xFFFF0000, v2;
	v2 =	vld [tilespmem:s23+$0xE110]  }
0x13a: {  	v8 =	vshll.u32 v9, $0x10;
	v6 =	vadd.f32 v7, v4;
	v7 =	vadd.f32 v1, v4  }
0x13b: {  	s22 =	simm.s32 $0x200;
	v9 =	vand.u32 $0xFFFF0000, v9;
	v1 =	vld [tilespmem:s23+$0xE130];
	v5 =	vadd.f32 v5, v11;
	v4 =	vadd.f32 v10, v12  }
.LBB2_15:
0x13c: {  	s23 =	sshra.s32 s22, $0x2;
	v6 =	vadd.f32 v8, v6;
	v7 =	vadd.f32 v9, v7;
	p0 =	sne.s32 s22, $0x6300  }
.Ltmp6:
0x13d: {  	v9 =	vshll.u32 v0, $0x10;
	v10 =	vand.u32 $0xFFFF0000, v0;
	v0 =	vld [tilespmem:s23+$0xE120];
	(pc) =	sbr.rel @p0 .LBB2_15-.Ltmp6, $4  }
0x13e: {  	v8 =	vshll.u32 v3, $0x10;
	v11 =	vand.u32 $0xFFFF0000, v3;
	v3 =	vld [tilespmem:s23+$0xE100];
	v12 =	vshll.u32 v2, $0x10  }
0x13f: {  	s22 =	sadd.s32 $0x100, s22;
	v5 =	vadd.f32 v8, v5;
	v4 =	vadd.f32 v11, v4;
	v8 =	vand.u32 $0xFFFF0000, v2;
	v2 =	vld [tilespmem:s23+$0xE110]  }
0x140: {  	v6 =	vadd.f32 v12, v6;
	v7 =	vadd.f32 v8, v7;
	v8 =	vshll.u32 v1, $0x10  }
0x141: {  	v5 =	vadd.f32 v9, v5;
	v4 =	vadd.f32 v10, v4;
	v9 =	vand.u32 $0xFFFF0000, v1;
	v1 =	vld [tilespmem:s23+$0xE130]  }
0x142: {  	_ = 	snop  }
0x143: {  	v6 =	vadd.f32 v8, v6;
	v7 =	vadd.f32 v9, v7;
	v8 =	vshll.u32 v3, $0x10  }
0x144: {  	v9 =	vshll.u32 v0, $0x10;
	v3 =	vand.u32 $0xFFFF0000, v3;
	v5 =	vadd.f32 v8, v5  }
0x145: {  	v0 =	vand.u32 $0xFFFF0000, v0;
	v8 =	vshll.u32 v2, $0x10;
	v3 =	vadd.f32 v3, v4  }
0x146: {  	v2 =	vand.u32 $0xFFFF0000, v2;
	v4 =	vadd.f32 v8, v6;
	v5 =	vadd.f32 v9, v5  }
0x147: {  	v2 =	vadd.f32 v2, v7;
	v6 =	vshll.u32 v1, $0x10;
	v0 =	vadd.f32 v0, v3  }
0x148: {  	v1 =	vand.u32 $0xFFFF0000, v1;
	v3 =	vadd.f32 v6, v4;
	v4 =	vmul.f32 $4.999999890e-03, v5  }
0x149: {  	v1 =	vadd.f32 v1, v2;
	v0 =	vmul.f32 $4.999999890e-03, v0  }
0x14a: {  	v2 =	vmul.f32 $4.999999890e-03, v3;
	[tilespmem:$0x12C40] =	vst v4  }
0x14b: {  	[tilespmem:$0x12C50] =	vst v0;
	v0 =	vmul.f32 $4.999999890e-03, v1  }
0x14c: {  	[tilespmem:$0x12C60] =	vst v2  }
0x14d: {  	s22 =	simm.s32 $0x0;
	[tilespmem:$0x12C70] =	vst v0  }
0x14e: {  	v0 =	vld [tilespmem:s22+$0xFA20]  }
0x14f: {  	v1 =	vld [tilespmem:s22+$0xFA00]  }
0x150: {  	v2 =	vld [tilespmem:s22+$0xFA10];
	_ =	sdelay $0x1  }
0x151: {  	v9 =	vld [tilespmem:s22+$0xFA30]  }
0x152: {  	s23 =	simm.s32 $0x40  }
0x153: {  	v4 =	vimm.f32 $0.0e+00;
	v3 =	vld [tilespmem:s23+$0xFA00];
	v5 =	vshll.u32 v0, $0x10;
	v10 =	vand.u32 $0xFFFF0000, v0  }
0x154: {  	v0 =	vld [tilespmem:s23+$0xFA20];
	v6 =	vshll.u32 v1, $0x10;
	v1 =	vand.u32 $0xFFFF0000, v1;
	v7 =	vshll.u32 v2, $0x10  }
0x155: {  	v11 =	vadd.f32 v6, v4;
	v12 =	vadd.f32 v1, v4;
	v1 =	vand.u32 $0xFFFF0000, v2;
	v2 =	vld [tilespmem:s23+$0xFA10]  }
0x156: {  	v8 =	vshll.u32 v9, $0x10;
	v6 =	vadd.f32 v7, v4;
	v7 =	vadd.f32 v1, v4  }
0x157: {  	s22 =	simm.s32 $0x200;
	v9 =	vand.u32 $0xFFFF0000, v9;
	v1 =	vld [tilespmem:s23+$0xFA30];
	v5 =	vadd.f32 v5, v11;
	v4 =	vadd.f32 v10, v12  }
.LBB2_17:
0x158: {  	s23 =	sshra.s32 s22, $0x2;
	v6 =	vadd.f32 v8, v6;
	v7 =	vadd.f32 v9, v7;
	p0 =	sne.s32 s22, $0x6300  }
.Ltmp7:
0x159: {  	v9 =	vshll.u32 v0, $0x10;
	v10 =	vand.u32 $0xFFFF0000, v0;
	v0 =	vld [tilespmem:s23+$0xFA20];
	(pc) =	sbr.rel @p0 .LBB2_17-.Ltmp7, $4  }
0x15a: {  	v8 =	vshll.u32 v3, $0x10;
	v11 =	vand.u32 $0xFFFF0000, v3;
	v3 =	vld [tilespmem:s23+$0xFA00];
	v12 =	vshll.u32 v2, $0x10  }
0x15b: {  	s22 =	sadd.s32 $0x100, s22;
	v5 =	vadd.f32 v8, v5;
	v4 =	vadd.f32 v11, v4;
	v8 =	vand.u32 $0xFFFF0000, v2;
	v2 =	vld [tilespmem:s23+$0xFA10]  }
0x15c: {  	v6 =	vadd.f32 v12, v6;
	v7 =	vadd.f32 v8, v7;
	v8 =	vshll.u32 v1, $0x10  }
0x15d: {  	v5 =	vadd.f32 v9, v5;
	v4 =	vadd.f32 v10, v4;
	v9 =	vand.u32 $0xFFFF0000, v1;
	v1 =	vld [tilespmem:s23+$0xFA30]  }
0x15e: {  	_ = 	snop  }
0x15f: {  	v6 =	vadd.f32 v8, v6;
	v7 =	vadd.f32 v9, v7;
	v8 =	vshll.u32 v3, $0x10  }
0x160: {  	v9 =	vshll.u32 v0, $0x10;
	v3 =	vand.u32 $0xFFFF0000, v3;
	v5 =	vadd.f32 v8, v5  }
0x161: {  	v0 =	vand.u32 $0xFFFF0000, v0;
	v8 =	vshll.u32 v2, $0x10;
	v3 =	vadd.f32 v3, v4  }
0x162: {  	v2 =	vand.u32 $0xFFFF0000, v2;
	v4 =	vadd.f32 v8, v6;
	v5 =	vadd.f32 v9, v5  }
0x163: {  	v2 =	vadd.f32 v2, v7;
	v6 =	vshll.u32 v1, $0x10;
	v0 =	vadd.f32 v0, v3  }
0x164: {  	v1 =	vand.u32 $0xFFFF0000, v1;
	v3 =	vadd.f32 v6, v4;
	v4 =	vmul.f32 $4.999999890e-03, v5  }
0x165: {  	v1 =	vadd.f32 v1, v2;
	v0 =	vmul.f32 $4.999999890e-03, v0  }
0x166: {  	v2 =	vmul.f32 $4.999999890e-03, v3;
	[tilespmem:$0x12C80] =	vst v4  }
0x167: {  	[tilespmem:$0x12C90] =	vst v0;
	v0 =	vmul.f32 $4.999999890e-03, v1  }
0x168: {  	[tilespmem:$0x12CA0] =	vst v2  }
0x169: {  	s22 =	simm.s32 $0x0;
	[tilespmem:$0x12CB0] =	vst v0  }
0x16a: {  	v0 =	vld [tilespmem:s22+$0x11320]  }
0x16b: {  	v1 =	vld [tilespmem:s22+$0x11300]  }
0x16c: {  	v2 =	vld [tilespmem:s22+$0x11310];
	_ =	sdelay $0x1  }
0x16d: {  	v9 =	vld [tilespmem:s22+$0x11330]  }
0x16e: {  	s23 =	simm.s32 $0x40  }
0x16f: {  	v4 =	vimm.f32 $0.0e+00;
	v3 =	vld [tilespmem:s23+$0x11300];
	v5 =	vshll.u32 v0, $0x10;
	v10 =	vand.u32 $0xFFFF0000, v0  }
0x170: {  	v0 =	vld [tilespmem:s23+$0x11320];
	v6 =	vshll.u32 v1, $0x10;
	v1 =	vand.u32 $0xFFFF0000, v1;
	v7 =	vshll.u32 v2, $0x10  }
0x171: {  	v11 =	vadd.f32 v6, v4;
	v12 =	vadd.f32 v1, v4;
	v1 =	vand.u32 $0xFFFF0000, v2;
	v2 =	vld [tilespmem:s23+$0x11310]  }
0x172: {  	v8 =	vshll.u32 v9, $0x10;
	v6 =	vadd.f32 v7, v4;
	v7 =	vadd.f32 v1, v4  }
0x173: {  	s22 =	simm.s32 $0x200;
	v9 =	vand.u32 $0xFFFF0000, v9;
	v1 =	vld [tilespmem:s23+$0x11330];
	v5 =	vadd.f32 v5, v11;
	v4 =	vadd.f32 v10, v12  }
.LBB2_19:
0x174: {  	s23 =	sshra.s32 s22, $0x2;
	v6 =	vadd.f32 v8, v6;
	v7 =	vadd.f32 v9, v7;
	p0 =	sne.s32 s22, $0x6300  }
.Ltmp8:
0x175: {  	v9 =	vshll.u32 v0, $0x10;
	v10 =	vand.u32 $0xFFFF0000, v0;
	v0 =	vld [tilespmem:s23+$0x11320];
	(pc) =	sbr.rel @p0 .LBB2_19-.Ltmp8, $4  }
0x176: {  	v8 =	vshll.u32 v3, $0x10;
	v11 =	vand.u32 $0xFFFF0000, v3;
	v3 =	vld [tilespmem:s23+$0x11300];
	v12 =	vshll.u32 v2, $0x10  }
0x177: {  	s22 =	sadd.s32 $0x100, s22;
	v5 =	vadd.f32 v8, v5;
	v4 =	vadd.f32 v11, v4;
	v8 =	vand.u32 $0xFFFF0000, v2;
	v2 =	vld [tilespmem:s23+$0x11310]  }
0x178: {  	v6 =	vadd.f32 v12, v6;
	v7 =	vadd.f32 v8, v7;
	v8 =	vshll.u32 v1, $0x10  }
0x179: {  	v5 =	vadd.f32 v9, v5;
	v4 =	vadd.f32 v10, v4;
	v9 =	vand.u32 $0xFFFF0000, v1;
	v1 =	vld [tilespmem:s23+$0x11330]  }
0x17a: {  	_ = 	snop  }
0x17b: {  	v6 =	vadd.f32 v8, v6;
	v7 =	vadd.f32 v9, v7;
	v51 =	vshll.u32 v3, $0x10  }
0x17c: {  	v52 =	vshll.u32 v0, $0x10;
	v53 =	vand.u32 $0xFFFF0000, v3;
	v5 =	vadd.f32 v51, v5  }
0x17d: {  	v54 =	vand.u32 $0xFFFF0000, v0;
	v55 =	vshll.u32 v2, $0x10;
	v3 =	vadd.f32 v53, v4  }
0x17e: {  	v56 =	vand.u32 $0xFFFF0000, v2;
	v57 =	vadd.f32 v55, v6;
	v5 =	vadd.f32 v52, v5  }
0x17f: {  	v2 =	vadd.f32 v56, v7;
	v58 =	vshll.u32 v1, $0x10;
	v0 =	vadd.f32 v54, v3  }
0x180: {  	v59 =	vand.u32 $0xFFFF0000, v1;
	v60 =	vadd.f32 v58, v57;
	v61 =	vmul.f32 $4.999999890e-03, v5  }
0x181: {  	v1 =	vadd.f32 v59, v2;
	v0 =	vmul.f32 $4.999999890e-03, v0  }
0x182: {  	v62 =	vmul.f32 $4.999999890e-03, v60;
	[tilespmem:$0x12CC0] =	vst v61  }
0x183: {  	s4 =	sadd.s32 $0x1, s4;
	v63 =	vmul.f32 $4.999999890e-03, v1;
	[tilespmem:$0x12CD0] =	vst v0  }
0x184: {  	s6 =	sshll.u32 s6, $0x5;
	p0 =	sne.s32 s4, $0x10;
	[tilespmem:$0x12CE0] =	vst v62  }
.Ltmp9:
0x185: {  	s6 =	sadd.s32 s6, s5;
	[tilespmem:$0x12CF0] =	vst v63;
	(pc) =	sbr.rel @p0 .LBB2_4-.Ltmp9, $4  }
0x186: {  	[hbm4b:s6+s3] =	stream.linear.scatter [tilespmem:s20], [sflag:$0x3], $0x100, $0x38;
	[tilespmem:$0x12D00] =	vst v63  }
0x187: {  	_ =	swait.ge [sflag:s7], $0x100  }
0x188: {  	[sflag:s7] =	ssyncset.done $0x0  }
0x189: {  	[sflag:s7] =	ssyncadd.s32 $0xFFFFFF00  }
0x18a: {  	s6 =	rddreg [dreg:$0x5]  }
0x18b: {  	s4 =	rddreg [dreg:$0x4];
	s6 =	sadd.s32 $0x1, s6  }
0x18c: {  	p0 =	sne.s32 s6, s4  }
.Ltmp10:
0x18d: {  	_ = 	snop;
	(pc) =	sbr.rel @p0 .LBB2_1-.Ltmp10, $1  }
0x18e: {  	_ =	sdelay $0x3  }
0x18f: {  	_ =	sfence.sel $0x180000  }
0x190: {  	[bflag:$0x0] =	sbarrier.arrive $0xFFFF  }
0x191: {  	_ =	strace $0x90000047  }
0x192: {  	s0 =	stileid.u32;
	[bflag:$0x2] =	sbarrier.arrive $0xFFFF  }
0x193: {  	p0 =	sne.s32 s0, $0x0;
	s0 =	rddreg [dreg:$0x2]  }
0x194: {  	s0 =	sadd.s32 @!p0 $0x100000, s0  }
0x195: {  	[sflag:s0] =	ssyncadd.tile.s32 @!p0 $0x1;
	_ =	shalt  }
.Lfunc_end2:
_tile_overlayer_lowered:
.L_overlay_start_2:
0x196: {  	(tag) =	ssettag $0x2  }
0x197: {  	s0 =	rddreg [dreg:$0x0];
	s2 =	stileid.u32  }
0x198: {  	s1 =	rddreg [dreg:$0x1];
	p0 =	sne.s32 s2, $0x0  }
0x199: {  	s3 =	rddreg [dreg:$0x2];
	[bflag:$0x3] =	sbarrier.arrive $0xFFFF;
	s2 =	simm.s32 @!p0 $0x1C03  }
0x19a: {  	[timem:s3], [sflag:s2] =	dma.local @!p0 [hbm:s0], s1  }
0x19b: {  	s0 =	simm.s32 @!p0 $0x3  }
0x19c: {  	_ =	swait.ge @!p0 [sflag:s0], s1  }
0x19d: {  	s1 =	ssub.s32 @!p0 $0x0, s1;
	[sflag:s0] =	ssyncset.done @!p0 $0x0  }
0x19e: {  	[sflag:s0] =	ssyncadd.s32 @!p0 s1  }
0x19f: {  	[bflag:$0x3] =	sbarrier.arrive $0xFFFF  }
0x1a0: {  	_ =	shalt  }

</sc_bundles>
